<compile_context>
chip_gen: v7x
topology: tpu7x:2x2x1
jax: 0.10.2.dev20260603
libtpu: 0.0.44.dev20260713+nightly
codegen_flags: <defaults>
</compile_context>

<pallas_src>
import functools

import jax
import jax.numpy as jnp
from jax import lax
from jax.experimental import pallas as pl
from jax.experimental.pallas import tpu as pltpu
from jax.experimental.pallas import tpu_sc as plsc

D = 128
W = 144
NC = 2
NS = 16
CH = 80
SPLIT0 = 0.52


def _row_block(n):
    for b in range(1200, 7, -8):
        if n % b == 0:
            return b
    return n


def _node_math(t, nr_raw, valid):
    nr = nr_raw / jnp.maximum(jnp.sqrt(jnp.sum(nr_raw * nr_raw)), 1e-12)
    p = jnp.sum(t * nr, axis=1, keepdims=True)
    q = jnp.sqrt(jnp.sum(t * t, axis=1, keepdims=True))
    w = jnp.exp(-p / jnp.maximum(q, 1e-12))
    lane = lax.broadcasted_iota(jnp.int32, (t.shape[0], W - D), 1)
    tail = jnp.where(lane == 0, w, jnp.zeros_like(w))
    h = jnp.concatenate([t * w, tail], axis=1)
    return jnp.where(valid, h, jnp.zeros_like(h))


def _valid_rows(n, b, rows):
    i = pl.program_id(0)
    rowid = i * b + lax.broadcasted_iota(jnp.int32, (rows, 1), 0)
    return rowid < n


def _make_prep_body(n, b):
    def body(x_ref, nr_ref, ob_ref, f_ref, h_ref):
        del ob_ref
        valid = _valid_rows(n, b, x_ref.shape[0])
        t = jnp.tanh(jnp.where(valid, x_ref[...], 0.0))
        f_ref[...] = t
        h_ref[...] = _node_math(t, nr_ref[...], valid)
    return body


def _make_finish_body(n, b):
    def body(p0_ref, p1_ref, nr_ref, ob_ref, f_ref, h_ref):
        del ob_ref
        valid = _valid_rows(n, b, p0_ref.shape[1])
        s = p0_ref[0] + p1_ref[0]
        t = jnp.tanh(s[:, :D] / jnp.maximum(s[:, D:D + 1], 1e-12))
        t = jnp.where(valid, t, 0.0)
        f_ref[...] = t
        h_ref[...] = _node_math(t, nr_ref[...], valid)
    return body


def _dense_call(body, n, n_h, ins, layer, obuf):
    b = _row_block(n_h)
    grid = (n_h // b,)
    in_specs = [spec(b) for _, spec in ins]
    in_specs.append(pl.BlockSpec((b, D), lambda i: (i, layer)))
    out_specs = [pl.BlockSpec((b, D), lambda i: (i, layer)),
                 pl.BlockSpec((b, W), lambda i: (i, 0))]
    out_shape = [jax.ShapeDtypeStruct(obuf.shape, jnp.float32),
                 jax.ShapeDtypeStruct((n_h, W), jnp.float32)]
    nin = len(ins)
    return pl.pallas_call(
        body, grid=grid, in_specs=in_specs, out_specs=out_specs,
        out_shape=out_shape,
        input_output_aliases={nin: 0})(*([a for a, _ in ins] + [obuf]))


def _make_spmm(n_pad, e_pad, k0):
    tot = e_pad // (NS * CH)
    k1 = tot - k0
    rpt = n_pad // NS
    nfull = rpt // CH
    rem = rpt - nfull * CH
    mesh = plsc.VectorSubcoreMesh(core_axis_name="c", subcore_axis_name="s")

    @functools.partial(
        pl.kernel,
        out_type=jax.ShapeDtypeStruct((NC * n_pad, W), jnp.float32),
        mesh=mesh,
        compiler_params=pltpu.CompilerParams(use_tc_tiling_on_sc=False),
        scratch_types=[
            pltpu.VMEM((4, CH), jnp.int32),
            pltpu.VMEM((4, CH), jnp.int32),
            pltpu.VMEM((3 * CH, W), jnp.float32),
            pltpu.VMEM_SHARED((n_pad, W), jnp.float32),
            pltpu.SemaphoreType.DMA,
            pltpu.SemaphoreType.DMA,
            pltpu.SemaphoreType.DMA,
            pltpu.SemaphoreType.DMA,
        ],
    )
    def spmm(h_hbm, col_hbm, row_hbm, out_hbm, colv, rowv, buf, acc,
             isem, gsem0, gsem1, ssem):
        c = lax.axis_index("c")
        s = lax.axis_index("s")
        myk = jnp.where(c == 0, k0, k1)

        zoffs = list(range(0, W - 15, 16))
        if W % 16:
            zoffs.append(W - 16)

        def zrow(i, carry):
            for g in zoffs:
                buf[i, pl.ds(g, 16)] = jnp.zeros((16,), jnp.float32)
            return carry
        lax.fori_loop(0, CH, zrow, 0)

        r0 = s * rpt

        def zcopy(j, carry):
            pltpu.sync_copy(buf.at[pl.ds(0, CH)],
                            acc.at[pl.ds(r0 + j * CH, CH)])
            return carry
        lax.fori_loop(0, nfull, zcopy, 0)
        if rem:
            pltpu.sync_copy(buf.at[pl.ds(0, rem)],
                            acc.at[pl.ds(r0 + nfull * CH, rem)])

        cbase = jnp.where(c == 0, s * k0, NS * k0 + s * k1)

        def start_idx(j):
            sl = lax.rem(j, 4)
            pltpu.async_copy(col_hbm.at[cbase + j], colv.at[sl], isem)
            pltpu.async_copy(row_hbm.at[cbase + j], rowv.at[sl], isem)

        def sync_idx(j):
            sl = lax.rem(j, 4)
            pltpu.sync_copy(col_hbm.at[cbase + j], colv.at[sl])
            pltpu.sync_copy(row_hbm.at[cbase + j], rowv.at[sl])

        def wait_idx():
            for _ in range(2):
                pltpu.make_async_copy(col_hbm.at[0], colv.at[0], isem).wait()

        def bufsl(j):
            return buf.at[pl.ds(lax.rem(j, 3) * CH, CH)]

        def start_gather(j, sem):
            pltpu.async_copy(h_hbm.at[colv.at[lax.rem(j, 4)]], bufsl(j),
                             sem)

        def wait_gather(j, sem):
            pltpu.make_async_copy(
                h_hbm.at[colv.at[lax.rem(j, 4)]], bufsl(j), sem).wait()

        def wait_scatter(j):
            pltpu.make_async_copy(
                bufsl(j), acc.at[rowv.at[lax.rem(j, 4)]], ssem).wait()

        def even_odd(j, fn):
            @pl.when(lax.rem(j, 2) == 0)
            def _():
                fn(j, gsem0)

            @pl.when(lax.rem(j, 2) == 1)
            def _():
                fn(j, gsem1)

        sync_idx(0)
        sync_idx(1)
        start_idx(2)
        start_gather(0, gsem0)
        start_gather(1, gsem1)
        plsc.subcore_barrier()

        def echunk(j, carry):
            @pl.when(j >= 1)
            def _():
                wait_scatter(j - 1)

            even_odd(j, wait_gather)

            @pl.when(j + 2 < myk)
            def _():
                wait_idx()
                even_odd(j + 2, start_gather)

            @pl.when(j + 3 < myk)
            def _():
                start_idx(j + 3)

            pltpu.async_copy(bufsl(j), acc.at[rowv.at[lax.rem(j, 4)]],
                             ssem, add=True)
            return carry
        lax.fori_loop(0, myk, echunk, 0)
        wait_scatter(myk - 1)
        plsc.subcore_barrier()

        pltpu.sync_copy(acc.at[pl.ds(r0, rpt)],
                        out_hbm.at[pl.ds(c * n_pad + r0, rpt)])

    return spmm


def kernel(features, rel_emb, adj_index, none_relation):
    del rel_emb
    n, d = features.shape
    assert d == D and n % NS == 0
    e = adj_index.shape[0]
    grp = NS * CH
    e_pad = ((e + grp - 1) // grp) * grp
    n_pad = ((n + NS * 8 - 1) // (NS * 8)) * (NS * 8)
    k0 = round(e_pad // grp * SPLIT0)

    adj = adj_index.astype(jnp.int32)
    colp = jnp.concatenate(
        [adj[:, 1], jnp.full((e_pad - e,), n, jnp.int32)]).reshape(-1, CH)
    rowp = jnp.concatenate(
        [adj[:, 0], jnp.zeros((e_pad - e,), jnp.int32)]).reshape(-1, CH)
    nr2 = none_relation.reshape(1, D).astype(jnp.float32)
    n_h = n + 8

    spmm = _make_spmm(n_pad, e_pad, k0)

    def full_spec(a):
        return lambda b: pl.BlockSpec(a.shape, lambda i: (0, 0))

    def row_spec(width):
        return lambda b: pl.BlockSpec((b, width), lambda i: (i, 0))

    def part_spec(core):
        return lambda b: pl.BlockSpec((1, b, W), lambda i: (core, i, 0))

    prep = _make_prep_body(n, _row_block(n_h))
    finish = _make_finish_body(n, _row_block(n_h))

    ob = jnp.zeros((n, 3 * D), jnp.float32)
    ob, h0 = _dense_call(
        prep, n, n_h, [(features, row_spec(D)), (nr2, full_spec(nr2))],
        0, ob)
    p = spmm(h0, colp, rowp).reshape(NC, n_pad, W)
    ob, h1 = _dense_call(
        finish, n, n_h,
        [(p, part_spec(0)), (p, part_spec(1)), (nr2, full_spec(nr2))],
        1, ob)
    p2 = spmm(h1, colp, rowp).reshape(NC, n_pad, W)
    ob, _ = _dense_call(
        finish, n, n_h,
        [(p2, part_spec(0)), (p2, part_spec(1)), (nr2, full_spec(nr2))],
        2, ob)
    return ob

# --- scband reference (transcript-rebuilt; emitter-appended) ---
"""Pipeline reference for scband-over-all-48816598286825 (READ-ONLY COPY).

The authoritative reference and input builder live on the scoring server;
editing this copy changes nothing except your own understanding.
"""

import jax, jax.numpy as jnp
import numpy as np

N = 10000
E = 320000
D = 128
DEPTH = 2


def setup_inputs(seed: int = 0) -> dict:
    key = jax.random.key(seed)
    k1, k2, k3, k4 = jax.random.split(key, 4)
    features = jax.random.normal(k1, (N, D), dtype=jnp.float32)
    rel_emb = jax.random.normal(k2, (1000, D), dtype=jnp.float32)
    adj_index = jax.random.randint(k3, (E, 2), 0, N)
    none_relation = jax.random.normal(k4, (D,), dtype=jnp.float32)
    return {"features": features, "rel_emb": rel_emb, "adj_index": adj_index, "none_relation": none_relation}


def _l2norm(x, axis=-1):
    n = jnp.sqrt(jnp.sum(x * x, axis=axis, keepdims=True))
    return x / jnp.maximum(n, 1e-12)


def reference(features, rel_emb, adj_index, none_relation):
    # GraphAttention.forward with att=True, gate=False (module defaults)
    row = adj_index[:, 0]  # dst node per edge (softmax rows / scatter target)
    col = adj_index[:, 1]  # src node per edge (gather source)
    nr = _l2norm(none_relation.reshape(1, -1))
    feats = jnp.tanh(features)
    outputs = [feats]
    for _ in range(DEPTH):
        neighs = feats[col]  # gather: (E, D)
        sim = -jnp.squeeze(jnp.matmul(_l2norm(neighs), jnp.transpose(nr)), axis=-1)  # (E,)
        # sparse row-wise softmax == segment softmax over row index
        seg_max = jax.ops.segment_max(sim, row, num_segments=N)
        ex = jnp.exp(sim - seg_max[row])
        denom = jax.ops.segment_sum(ex, row, num_segments=N)
        att = ex / jnp.maximum(denom[row], 1e-12)
        # scatter-add of attended neighbor features into dst nodes
        new_feats = jax.ops.segment_sum(neighs * att[:, None], row, num_segments=N)
        feats = jnp.tanh(new_feats)
        outputs.append(feats)
    return jnp.concatenate(outputs, axis=1)  # (N, D*(DEPTH+1))

if __name__ == "__main__":
    import jax
    _d = setup_inputs()
    print(jax.jit(kernel)(*tuple(_d.values())))

</pallas_src>

<mosaic_0001>
#map = affine_map<(d0, d1) -> (0, 0)>
module attributes {stable_mosaic.version = 14 : i64} {
  func.func @spmm(%arg0: i32, %arg1: i32, %arg2: memref<10008x144xf32, #tpu.memory_space<hbm>>, %arg3: memref<4000x80xi32, #tpu.memory_space<hbm>>, %arg4: memref<4000x80xi32, #tpu.memory_space<hbm>>, %arg5: memref<20224x144xf32, #tpu.memory_space<hbm>>, %arg6: memref<4x80xi32, #tpu.memory_space<vmem>>, %arg7: memref<4x80xi32, #tpu.memory_space<vmem>>, %arg8: memref<240x144xf32, #tpu.memory_space<vmem>>, %arg9: memref<10112x144xf32, #tpu.memory_space<vmem_shared>>, %arg10: memref<!tpu.dma_semaphore, #tpu.memory_space<semaphore_mem>>, %arg11: memref<!tpu.dma_semaphore, #tpu.memory_space<semaphore_mem>>, %arg12: memref<!tpu.dma_semaphore, #tpu.memory_space<semaphore_mem>>, %arg13: memref<!tpu.dma_semaphore, #tpu.memory_space<semaphore_mem>>) attributes {dimension_semantics = [#tpu.dimension_semantics<core_parallel>, #tpu.dimension_semantics<subcore_parallel>], iteration_bounds = array<i64: 2, 16>, scalar_prefetch = 0 : i64, scratch_operands = 8 : i64, tpu.core_type = #tpu.core_type<sc_vector_subcore>, window_params = [{transform_indices = #map}, {transform_indices = #map}, {transform_indices = #map}, {transform_indices = #map}]} {
    %eq3A = arith.constant 0 : i32
    %eq3A_0 = arith.cmpi eq, %arg0, %eq3A : i32
    %jit3A = arith.constant 130 : i32
    %jit3A_1 = arith.constant 120 : i32
    %select_n3A = arith.select %eq3A_0, %jit3A, %jit3A_1 : i32
    %scan3A = arith.constant 0 : i32
    %scan3A_2 = arith.constant 0 : i32
    %scan3A_3 = arith.constant 80 : i32
    %scan3A_4 = arith.addi %scan3A_2, %scan3A_3 : i32
    %scan3A_5 = arith.constant 1 : i32
    scf.for %scan3A_126 = %scan3A_2 to %scan3A_4 step %scan3A_5  : i32 {
      %broadcast_in_dim3A = arith.constant 0.000000e+00 : f32
      %broadcast_in_dim3A_127 = vector.broadcast %broadcast_in_dim3A : f32 to vector<16xf32>
      %swap3A = arith.index_cast %scan3A_126 : i32 to index
      %swap3A_128 = arith.constant 0 : index
      %swap3A_129 = tpu.vector_load %arg8[%swap3A, %swap3A_128] {strides = array<i32>} : memref<240x144xf32, #tpu.memory_space<vmem>>, vector<1x16xf32>,
      %swap3A_130 = vector.shape_cast %swap3A_129 : vector<1x16xf32> to vector<16xf32>
      %swap3A_131 = vector.shape_cast %broadcast_in_dim3A_127 : vector<16xf32> to vector<1x16xf32>
      tpu.vector_store %arg8[%swap3A, %swap3A_128], %swap3A_131 {strides = array<i32>} : memref<240x144xf32, #tpu.memory_space<vmem>>, vector<1x16xf32>,
      %broadcast_in_dim3A_132 = arith.constant 0.000000e+00 : f32
      %broadcast_in_dim3A_133 = vector.broadcast %broadcast_in_dim3A_132 : f32 to vector<16xf32>
      %swap3A_134 = arith.index_cast %scan3A_126 : i32 to index
      %swap3A_135 = arith.constant 16 : index
      %swap3A_136 = tpu.vector_load %arg8[%swap3A_134, %swap3A_135] {strides = array<i32>} : memref<240x144xf32, #tpu.memory_space<vmem>>, vector<1x16xf32>,
      %swap3A_137 = vector.shape_cast %swap3A_136 : vector<1x16xf32> to vector<16xf32>
      %swap3A_138 = vector.shape_cast %broadcast_in_dim3A_133 : vector<16xf32> to vector<1x16xf32>
      tpu.vector_store %arg8[%swap3A_134, %swap3A_135], %swap3A_138 {strides = array<i32>} : memref<240x144xf32, #tpu.memory_space<vmem>>, vector<1x16xf32>,
      %broadcast_in_dim3A_139 = arith.constant 0.000000e+00 : f32
      %broadcast_in_dim3A_140 = vector.broadcast %broadcast_in_dim3A_139 : f32 to vector<16xf32>
      %swap3A_141 = arith.index_cast %scan3A_126 : i32 to index
      %swap3A_142 = arith.constant 32 : index
      %swap3A_143 = tpu.vector_load %arg8[%swap3A_141, %swap3A_142] {strides = array<i32>} : memref<240x144xf32, #tpu.memory_space<vmem>>, vector<1x16xf32>,
      %swap3A_144 = vector.shape_cast %swap3A_143 : vector<1x16xf32> to vector<16xf32>
      %swap3A_145 = vector.shape_cast %broadcast_in_dim3A_140 : vector<16xf32> to vector<1x16xf32>
      tpu.vector_store %arg8[%swap3A_141, %swap3A_142], %swap3A_145 {strides = array<i32>} : memref<240x144xf32, #tpu.memory_space<vmem>>, vector<1x16xf32>,
      %broadcast_in_dim3A_146 = arith.constant 0.000000e+00 : f32
      %broadcast_in_dim3A_147 = vector.broadcast %broadcast_in_dim3A_146 : f32 to vector<16xf32>
      %swap3A_148 = arith.index_cast %scan3A_126 : i32 to index
      %swap3A_149 = arith.constant 48 : index
      %swap3A_150 = tpu.vector_load %arg8[%swap3A_148, %swap3A_149] {strides = array<i32>} : memref<240x144xf32, #tpu.memory_space<vmem>>, vector<1x16xf32>,
      %swap3A_151 = vector.shape_cast %swap3A_150 : vector<1x16xf32> to vector<16xf32>
      %swap3A_152 = vector.shape_cast %broadcast_in_dim3A_147 : vector<16xf32> to vector<1x16xf32>
      tpu.vector_store %arg8[%swap3A_148, %swap3A_149], %swap3A_152 {strides = array<i32>} : memref<240x144xf32, #tpu.memory_space<vmem>>, vector<1x16xf32>,
      %broadcast_in_dim3A_153 = arith.constant 0.000000e+00 : f32
      %broadcast_in_dim3A_154 = vector.broadcast %broadcast_in_dim3A_153 : f32 to vector<16xf32>
      %swap3A_155 = arith.index_cast %scan3A_126 : i32 to index
      %swap3A_156 = arith.constant 64 : index
      %swap3A_157 = tpu.vector_load %arg8[%swap3A_155, %swap3A_156] {strides = array<i32>} : memref<240x144xf32, #tpu.memory_space<vmem>>, vector<1x16xf32>,
      %swap3A_158 = vector.shape_cast %swap3A_157 : vector<1x16xf32> to vector<16xf32>
      %swap3A_159 = vector.shape_cast %broadcast_in_dim3A_154 : vector<16xf32> to vector<1x16xf32>
      tpu.vector_store %arg8[%swap3A_155, %swap3A_156], %swap3A_159 {strides = array<i32>} : memref<240x144xf32, #tpu.memory_space<vmem>>, vector<1x16xf32>,
      %broadcast_in_dim3A_160 = arith.constant 0.000000e+00 : f32
      %broadcast_in_dim3A_161 = vector.broadcast %broadcast_in_dim3A_160 : f32 to vector<16xf32>
      %swap3A_162 = arith.index_cast %scan3A_126 : i32 to index
      %swap3A_163 = arith.constant 80 : index
      %swap3A_164 = tpu.vector_load %arg8[%swap3A_162, %swap3A_163] {strides = array<i32>} : memref<240x144xf32, #tpu.memory_space<vmem>>, vector<1x16xf32>,
      %swap3A_165 = vector.shape_cast %swap3A_164 : vector<1x16xf32> to vector<16xf32>
      %swap3A_166 = vector.shape_cast %broadcast_in_dim3A_161 : vector<16xf32> to vector<1x16xf32>
      tpu.vector_store %arg8[%swap3A_162, %swap3A_163], %swap3A_166 {strides = array<i32>} : memref<240x144xf32, #tpu.memory_space<vmem>>, vector<1x16xf32>,
      %broadcast_in_dim3A_167 = arith.constant 0.000000e+00 : f32
      %broadcast_in_dim3A_168 = vector.broadcast %broadcast_in_dim3A_167 : f32 to vector<16xf32>
      %swap3A_169 = arith.index_cast %scan3A_126 : i32 to index
      %swap3A_170 = arith.constant 96 : index
      %swap3A_171 = tpu.vector_load %arg8[%swap3A_169, %swap3A_170] {strides = array<i32>} : memref<240x144xf32, #tpu.memory_space<vmem>>, vector<1x16xf32>,
      %swap3A_172 = vector.shape_cast %swap3A_171 : vector<1x16xf32> to vector<16xf32>
      %swap3A_173 = vector.shape_cast %broadcast_in_dim3A_168 : vector<16xf32> to vector<1x16xf32>
      tpu.vector_store %arg8[%swap3A_169, %swap3A_170], %swap3A_173 {strides = array<i32>} : memref<240x144xf32, #tpu.memory_space<vmem>>, vector<1x16xf32>,
      %broadcast_in_dim3A_174 = arith.constant 0.000000e+00 : f32
      %broadcast_in_dim3A_175 = vector.broadcast %broadcast_in_dim3A_174 : f32 to vector<16xf32>
      %swap3A_176 = arith.index_cast %scan3A_126 : i32 to index
      %swap3A_177 = arith.constant 112 : index
      %swap3A_178 = tpu.vector_load %arg8[%swap3A_176, %swap3A_177] {strides = array<i32>} : memref<240x144xf32, #tpu.memory_space<vmem>>, vector<1x16xf32>,
      %swap3A_179 = vector.shape_cast %swap3A_178 : vector<1x16xf32> to vector<16xf32>
      %swap3A_180 = vector.shape_cast %broadcast_in_dim3A_175 : vector<16xf32> to vector<1x16xf32>
      tpu.vector_store %arg8[%swap3A_176, %swap3A_177], %swap3A_180 {strides = array<i32>} : memref<240x144xf32, #tpu.memory_space<vmem>>, vector<1x16xf32>,
      %broadcast_in_dim3A_181 = arith.constant 0.000000e+00 : f32
      %broadcast_in_dim3A_182 = vector.broadcast %broadcast_in_dim3A_181 : f32 to vector<16xf32>
      %swap3A_183 = arith.index_cast %scan3A_126 : i32 to index
      %swap3A_184 = arith.constant 128 : index
      %swap3A_185 = tpu.vector_load %arg8[%swap3A_183, %swap3A_184] {strides = array<i32>} : memref<240x144xf32, #tpu.memory_space<vmem>>, vector<1x16xf32>,
      %swap3A_186 = vector.shape_cast %swap3A_185 : vector<1x16xf32> to vector<16xf32>
      %swap3A_187 = vector.shape_cast %broadcast_in_dim3A_182 : vector<16xf32> to vector<1x16xf32>
      tpu.vector_store %arg8[%swap3A_183, %swap3A_184], %swap3A_187 {strides = array<i32>} : memref<240x144xf32, #tpu.memory_space<vmem>>, vector<1x16xf32>,
    }
    %scan3A_6 = arith.constant 80 : i32
    %mul3A = arith.constant 632 : i32
    %mul3A_7 = arith.muli %arg1, %mul3A : i32
    %scan3A_8 = arith.constant 0 : i32
    %scan3A_9 = arith.constant 0 : i32
    %scan3A_10 = arith.constant 7 : i32
    %scan3A_11 = arith.addi %scan3A_9, %scan3A_10 : i32
    %scan3A_12 = arith.constant 1 : i32
    scf.for %scan3A_126 = %scan3A_9 to %scan3A_11 step %scan3A_12  : i32 {
      %mul3A_127 = arith.constant 80 : i32
      %mul3A_128 = arith.muli %scan3A_126, %mul3A_127 : i32
      %add3A_129 = arith.addi %mul3A_7, %mul3A_128 : i32
      "tpu.region"() ({
        %run_scoped3A = tpu.sem_alloc : memref<!tpu.dma_semaphore, #tpu.memory_space<semaphore_mem>>
        %dma_start3A_130 = arith.constant 0 : i32
        %dma_start3A_131 = arith.constant 0 : i32
        %dma_start3A_132 = tpu.memref_slice %arg8[%dma_start3A_130, %dma_start3A_131] : memref<240x144xf32, #tpu.memory_space<vmem>> -> memref<80x144xf32, #tpu.memory_space<vmem>>
        %dma_start3A_133 = arith.constant 0 : i32
        %dma_start3A_134 = tpu.memref_slice %arg9[%add3A_129, %dma_start3A_133] : memref<10112x144xf32, #tpu.memory_space<vmem_shared>> -> memref<80x144xf32, #tpu.memory_space<vmem_shared>>
        %dma_start3A_135 = arith.constant 0 : i32
        %dma_start3A_136 = tpu.memref_slice %arg9[%add3A_129, %dma_start3A_135] : memref<10112x144xf32, #tpu.memory_space<vmem_shared>> -> memref<80x144xf32, #tpu.memory_space<vmem_shared>>
        %dma_start3A_137 = arith.constant 0 : i32
        %dma_start3A_138 = arith.constant 0 : i32
        %dma_start3A_139 = tpu.memref_slice %arg8[%dma_start3A_137, %dma_start3A_138] : memref<240x144xf32, #tpu.memory_space<vmem>> -> memref<80x144xf32, #tpu.memory_space<vmem>>
        tpu.enqueue_dma source(%dma_start3A_139 : memref<80x144xf32, #tpu.memory_space<vmem>>) target(%dma_start3A_136 : memref<80x144xf32, #tpu.memory_space<vmem_shared>>) target_semaphore(%run_scoped3A : memref<!tpu.dma_semaphore, #tpu.memory_space<semaphore_mem>>)
        %dma_wait3A_140 = arith.constant 0 : i32
        %dma_wait3A_141 = arith.constant 0 : i32
        %dma_wait3A_142 = tpu.memref_slice %arg8[%dma_wait3A_140, %dma_wait3A_141] : memref<240x144xf32, #tpu.memory_space<vmem>> -> memref<80x144xf32, #tpu.memory_space<vmem>>
        %dma_wait3A_143 = arith.constant 0 : i32
        %dma_wait3A_144 = tpu.memref_slice %arg9[%add3A_129, %dma_wait3A_143] : memref<10112x144xf32, #tpu.memory_space<vmem_shared>> -> memref<80x144xf32, #tpu.memory_space<vmem_shared>>
        %dma_wait3A_145 = arith.constant 0 : i32
        %dma_wait3A_146 = tpu.memref_slice %arg9[%add3A_129, %dma_wait3A_145] : memref<10112x144xf32, #tpu.memory_space<vmem_shared>> -> memref<80x144xf32, #tpu.memory_space<vmem_shared>>
        %dma_wait3A_147 = arith.constant 0 : i32
        %dma_wait3A_148 = arith.constant 0 : i32
        %dma_wait3A_149 = tpu.memref_slice %arg8[%dma_wait3A_147, %dma_wait3A_148] : memref<240x144xf32, #tpu.memory_space<vmem>> -> memref<80x144xf32, #tpu.memory_space<vmem>>
        tpu.wait_dma2 semaphore(%run_scoped3A : memref<!tpu.dma_semaphore, #tpu.memory_space<semaphore_mem>>) src(%dma_wait3A_149 : memref<80x144xf32, #tpu.memory_space<vmem>>) dst(%dma_wait3A_146 : memref<80x144xf32, #tpu.memory_space<vmem_shared>>)
        tpu.yield
      }) : () -> ()
    }
    %scan3A_13 = arith.constant 7 : i32
    %add3A = arith.constant 560 : i32
    %add3A_14 = arith.addi %mul3A_7, %add3A : i32
    "tpu.region"() ({
      %run_scoped3A = tpu.sem_alloc : memref<!tpu.dma_semaphore, #tpu.memory_space<semaphore_mem>>
      %dma_start3A_126 = arith.constant 0 : i32
      %dma_start3A_127 = arith.constant 0 : i32
      %dma_start3A_128 = tpu.memref_slice %arg8[%dma_start3A_126, %dma_start3A_127] : memref<240x144xf32, #tpu.memory_space<vmem>> -> memref<72x144xf32, #tpu.memory_space<vmem>>
      %dma_start3A_129 = arith.constant 0 : i32
      %dma_start3A_130 = tpu.memref_slice %arg9[%add3A_14, %dma_start3A_129] : memref<10112x144xf32, #tpu.memory_space<vmem_shared>> -> memref<72x144xf32, #tpu.memory_space<vmem_shared>>
      %dma_start3A_131 = arith.constant 0 : i32
      %dma_start3A_132 = tpu.memref_slice %arg9[%add3A_14, %dma_start3A_131] : memref<10112x144xf32, #tpu.memory_space<vmem_shared>> -> memref<72x144xf32, #tpu.memory_space<vmem_shared>>
      %dma_start3A_133 = arith.constant 0 : i32
      %dma_start3A_134 = arith.constant 0 : i32
      %dma_start3A_135 = tpu.memref_slice %arg8[%dma_start3A_133, %dma_start3A_134] : memref<240x144xf32, #tpu.memory_space<vmem>> -> memref<72x144xf32, #tpu.memory_space<vmem>>
      tpu.enqueue_dma source(%dma_start3A_135 : memref<72x144xf32, #tpu.memory_space<vmem>>) target(%dma_start3A_132 : memref<72x144xf32, #tpu.memory_space<vmem_shared>>) target_semaphore(%run_scoped3A : memref<!tpu.dma_semaphore, #tpu.memory_space<semaphore_mem>>)
      %dma_wait3A_136 = arith.constant 0 : i32
      %dma_wait3A_137 = arith.constant 0 : i32
      %dma_wait3A_138 = tpu.memref_slice %arg8[%dma_wait3A_136, %dma_wait3A_137] : memref<240x144xf32, #tpu.memory_space<vmem>> -> memref<72x144xf32, #tpu.memory_space<vmem>>
      %dma_wait3A_139 = arith.constant 0 : i32
      %dma_wait3A_140 = tpu.memref_slice %arg9[%add3A_14, %dma_wait3A_139] : memref<10112x144xf32, #tpu.memory_space<vmem_shared>> -> memref<72x144xf32, #tpu.memory_space<vmem_shared>>
      %dma_wait3A_141 = arith.constant 0 : i32
      %dma_wait3A_142 = tpu.memref_slice %arg9[%add3A_14, %dma_wait3A_141] : memref<10112x144xf32, #tpu.memory_space<vmem_shared>> -> memref<72x144xf32, #tpu.memory_space<vmem_shared>>
      %dma_wait3A_143 = arith.constant 0 : i32
      %dma_wait3A_144 = arith.constant 0 : i32
      %dma_wait3A_145 = tpu.memref_slice %arg8[%dma_wait3A_143, %dma_wait3A_144] : memref<240x144xf32, #tpu.memory_space<vmem>> -> memref<72x144xf32, #tpu.memory_space<vmem>>
      tpu.wait_dma2 semaphore(%run_scoped3A : memref<!tpu.dma_semaphore, #tpu.memory_space<semaphore_mem>>) src(%dma_wait3A_145 : memref<72x144xf32, #tpu.memory_space<vmem>>) dst(%dma_wait3A_142 : memref<72x144xf32, #tpu.memory_space<vmem_shared>>)
      tpu.yield
    }) : () -> ()
    %eq3A_15 = arith.constant 0 : i32
    %eq3A_16 = arith.cmpi eq, %arg0, %eq3A_15 : i32
    %mul3A_17 = arith.constant 130 : i32
    %mul3A_18 = arith.muli %arg1, %mul3A_17 : i32
    %mul3A_19 = arith.constant 120 : i32
    %mul3A_20 = arith.muli %arg1, %mul3A_19 : i32
    %add3A_21 = arith.constant 2080 : i32
    %add3A_22 = arith.addi %add3A_21, %mul3A_20 : i32
    %select_n3A_23 = arith.select %eq3A_16, %mul3A_18, %add3A_22 : i32
    %rem3A = arith.constant 0 : i32
    %rem3A_24 = arith.constant 4 : i32
    %rem3A_25 = arith.remsi %rem3A, %rem3A_24 : i32
    %add3A_26 = arith.constant 0 : i32
    %add3A_27 = arith.addi %select_n3A_23, %add3A_26 : i32
    "tpu.region"() ({
      %run_scoped3A = tpu.sem_alloc : memref<!tpu.dma_semaphore, #tpu.memory_space<semaphore_mem>>
      %dma_start3A_126 = arith.constant 0 : i32
      %dma_start3A_127 = tpu.memref_slice %arg6[%rem3A_25, %dma_start3A_126] : memref<4x80xi32, #tpu.memory_space<vmem>> -> memref<1x80xi32, #tpu.memory_space<vmem>>
      %dma_start3A_128 = tpu.memref_squeeze %dma_start3A_127 : memref<1x80xi32, #tpu.memory_space<vmem>> -> memref<80xi32, #tpu.memory_space<vmem>>
      %dma_start3A_129 = arith.constant 0 : i32
      %dma_start3A_130 = tpu.memref_slice %arg3[%add3A_27, %dma_start3A_129] : memref<4000x80xi32, #tpu.memory_space<hbm>> -> memref<1x80xi32, #tpu.memory_space<hbm>>
      %dma_start3A_131 = tpu.memref_squeeze %dma_start3A_130 : memref<1x80xi32, #tpu.memory_space<hbm>> -> memref<80xi32, #tpu.memory_space<hbm>>
      %dma_start3A_132 = arith.constant 0 : i32
      %dma_start3A_133 = tpu.memref_slice %arg6[%rem3A_25, %dma_start3A_132] : memref<4x80xi32, #tpu.memory_space<vmem>> -> memref<1x80xi32, #tpu.memory_space<vmem>>
      %dma_start3A_134 = tpu.memref_squeeze %dma_start3A_133 : memref<1x80xi32, #tpu.memory_space<vmem>> -> memref<80xi32, #tpu.memory_space<vmem>>
      %dma_start3A_135 = arith.constant 0 : i32
      %dma_start3A_136 = tpu.memref_slice %arg3[%add3A_27, %dma_start3A_135] : memref<4000x80xi32, #tpu.memory_space<hbm>> -> memref<1x80xi32, #tpu.memory_space<hbm>>
      %dma_start3A_137 = tpu.memref_squeeze %dma_start3A_136 : memref<1x80xi32, #tpu.memory_space<hbm>> -> memref<80xi32, #tpu.memory_space<hbm>>
      tpu.enqueue_dma source(%dma_start3A_137 : memref<80xi32, #tpu.memory_space<hbm>>) target(%dma_start3A_134 : memref<80xi32, #tpu.memory_space<vmem>>) target_semaphore(%run_scoped3A : memref<!tpu.dma_semaphore, #tpu.memory_space<semaphore_mem>>)
      %dma_wait3A_138 = arith.constant 0 : i32
      %dma_wait3A_139 = tpu.memref_slice %arg6[%rem3A_25, %dma_wait3A_138] : memref<4x80xi32, #tpu.memory_space<vmem>> -> memref<1x80xi32, #tpu.memory_space<vmem>>
      %dma_wait3A_140 = tpu.memref_squeeze %dma_wait3A_139 : memref<1x80xi32, #tpu.memory_space<vmem>> -> memref<80xi32, #tpu.memory_space<vmem>>
      %dma_wait3A_141 = arith.constant 0 : i32
      %dma_wait3A_142 = tpu.memref_slice %arg3[%add3A_27, %dma_wait3A_141] : memref<4000x80xi32, #tpu.memory_space<hbm>> -> memref<1x80xi32, #tpu.memory_space<hbm>>
      %dma_wait3A_143 = tpu.memref_squeeze %dma_wait3A_142 : memref<1x80xi32, #tpu.memory_space<hbm>> -> memref<80xi32, #tpu.memory_space<hbm>>
      %dma_wait3A_144 = arith.constant 0 : i32
      %dma_wait3A_145 = tpu.memref_slice %arg6[%rem3A_25, %dma_wait3A_144] : memref<4x80xi32, #tpu.memory_space<vmem>> -> memref<1x80xi32, #tpu.memory_space<vmem>>
      %dma_wait3A_146 = tpu.memref_squeeze %dma_wait3A_145 : memref<1x80xi32, #tpu.memory_space<vmem>> -> memref<80xi32, #tpu.memory_space<vmem>>
      %dma_wait3A_147 = arith.constant 0 : i32
      %dma_wait3A_148 = tpu.memref_slice %arg3[%add3A_27, %dma_wait3A_147] : memref<4000x80xi32, #tpu.memory_space<hbm>> -> memref<1x80xi32, #tpu.memory_space<hbm>>
      %dma_wait3A_149 = tpu.memref_squeeze %dma_wait3A_148 : memref<1x80xi32, #tpu.memory_space<hbm>> -> memref<80xi32, #tpu.memory_space<hbm>>
      tpu.wait_dma2 semaphore(%run_scoped3A : memref<!tpu.dma_semaphore, #tpu.memory_space<semaphore_mem>>) src(%dma_wait3A_149 : memref<80xi32, #tpu.memory_space<hbm>>) dst(%dma_wait3A_146 : memref<80xi32, #tpu.memory_space<vmem>>)
      tpu.yield
    }) : () -> ()
    %add3A_28 = arith.constant 0 : i32
    %add3A_29 = arith.addi %select_n3A_23, %add3A_28 : i32
    "tpu.region"() ({
      %run_scoped3A = tpu.sem_alloc : memref<!tpu.dma_semaphore, #tpu.memory_space<semaphore_mem>>
      %dma_start3A_126 = arith.constant 0 : i32
      %dma_start3A_127 = tpu.memref_slice %arg7[%rem3A_25, %dma_start3A_126] : memref<4x80xi32, #tpu.memory_space<vmem>> -> memref<1x80xi32, #tpu.memory_space<vmem>>
      %dma_start3A_128 = tpu.memref_squeeze %dma_start3A_127 : memref<1x80xi32, #tpu.memory_space<vmem>> -> memref<80xi32, #tpu.memory_space<vmem>>
      %dma_start3A_129 = arith.constant 0 : i32
      %dma_start3A_130 = tpu.memref_slice %arg4[%add3A_29, %dma_start3A_129] : memref<4000x80xi32, #tpu.memory_space<hbm>> -> memref<1x80xi32, #tpu.memory_space<hbm>>
      %dma_start3A_131 = tpu.memref_squeeze %dma_start3A_130 : memref<1x80xi32, #tpu.memory_space<hbm>> -> memref<80xi32, #tpu.memory_space<hbm>>
      %dma_start3A_132 = arith.constant 0 : i32
      %dma_start3A_133 = tpu.memref_slice %arg7[%rem3A_25, %dma_start3A_132] : memref<4x80xi32, #tpu.memory_space<vmem>> -> memref<1x80xi32, #tpu.memory_space<vmem>>
      %dma_start3A_134 = tpu.memref_squeeze %dma_start3A_133 : memref<1x80xi32, #tpu.memory_space<vmem>> -> memref<80xi32, #tpu.memory_space<vmem>>
      %dma_start3A_135 = arith.constant 0 : i32
      %dma_start3A_136 = tpu.memref_slice %arg4[%add3A_29, %dma_start3A_135] : memref<4000x80xi32, #tpu.memory_space<hbm>> -> memref<1x80xi32, #tpu.memory_space<hbm>>
      %dma_start3A_137 = tpu.memref_squeeze %dma_start3A_136 : memref<1x80xi32, #tpu.memory_space<hbm>> -> memref<80xi32, #tpu.memory_space<hbm>>
      tpu.enqueue_dma source(%dma_start3A_137 : memref<80xi32, #tpu.memory_space<hbm>>) target(%dma_start3A_134 : memref<80xi32, #tpu.memory_space<vmem>>) target_semaphore(%run_scoped3A : memref<!tpu.dma_semaphore, #tpu.memory_space<semaphore_mem>>)
      %dma_wait3A_138 = arith.constant 0 : i32
      %dma_wait3A_139 = tpu.memref_slice %arg7[%rem3A_25, %dma_wait3A_138] : memref<4x80xi32, #tpu.memory_space<vmem>> -> memref<1x80xi32, #tpu.memory_space<vmem>>
      %dma_wait3A_140 = tpu.memref_squeeze %dma_wait3A_139 : memref<1x80xi32, #tpu.memory_space<vmem>> -> memref<80xi32, #tpu.memory_space<vmem>>
      %dma_wait3A_141 = arith.constant 0 : i32
      %dma_wait3A_142 = tpu.memref_slice %arg4[%add3A_29, %dma_wait3A_141] : memref<4000x80xi32, #tpu.memory_space<hbm>> -> memref<1x80xi32, #tpu.memory_space<hbm>>
      %dma_wait3A_143 = tpu.memref_squeeze %dma_wait3A_142 : memref<1x80xi32, #tpu.memory_space<hbm>> -> memref<80xi32, #tpu.memory_space<hbm>>
      %dma_wait3A_144 = arith.constant 0 : i32
      %dma_wait3A_145 = tpu.memref_slice %arg7[%rem3A_25, %dma_wait3A_144] : memref<4x80xi32, #tpu.memory_space<vmem>> -> memref<1x80xi32, #tpu.memory_space<vmem>>
      %dma_wait3A_146 = tpu.memref_squeeze %dma_wait3A_145 : memref<1x80xi32, #tpu.memory_space<vmem>> -> memref<80xi32, #tpu.memory_space<vmem>>
      %dma_wait3A_147 = arith.constant 0 : i32
      %dma_wait3A_148 = tpu.memref_slice %arg4[%add3A_29, %dma_wait3A_147] : memref<4000x80xi32, #tpu.memory_space<hbm>> -> memref<1x80xi32, #tpu.memory_space<hbm>>
      %dma_wait3A_149 = tpu.memref_squeeze %dma_wait3A_148 : memref<1x80xi32, #tpu.memory_space<hbm>> -> memref<80xi32, #tpu.memory_space<hbm>>
      tpu.wait_dma2 semaphore(%run_scoped3A : memref<!tpu.dma_semaphore, #tpu.memory_space<semaphore_mem>>) src(%dma_wait3A_149 : memref<80xi32, #tpu.memory_space<hbm>>) dst(%dma_wait3A_146 : memref<80xi32, #tpu.memory_space<vmem>>)
      tpu.yield
    }) : () -> ()
    %rem3A_30 = arith.constant 1 : i32
    %rem3A_31 = arith.constant 4 : i32
    %rem3A_32 = arith.remsi %rem3A_30, %rem3A_31 : i32
    %add3A_33 = arith.constant 1 : i32
    %add3A_34 = arith.addi %select_n3A_23, %add3A_33 : i32
    "tpu.region"() ({
      %run_scoped3A = tpu.sem_alloc : memref<!tpu.dma_semaphore, #tpu.memory_space<semaphore_mem>>
      %dma_start3A_126 = arith.constant 0 : i32
      %dma_start3A_127 = tpu.memref_slice %arg6[%rem3A_32, %dma_start3A_126] : memref<4x80xi32, #tpu.memory_space<vmem>> -> memref<1x80xi32, #tpu.memory_space<vmem>>
      %dma_start3A_128 = tpu.memref_squeeze %dma_start3A_127 : memref<1x80xi32, #tpu.memory_space<vmem>> -> memref<80xi32, #tpu.memory_space<vmem>>
      %dma_start3A_129 = arith.constant 0 : i32
      %dma_start3A_130 = tpu.memref_slice %arg3[%add3A_34, %dma_start3A_129] : memref<4000x80xi32, #tpu.memory_space<hbm>> -> memref<1x80xi32, #tpu.memory_space<hbm>>
      %dma_start3A_131 = tpu.memref_squeeze %dma_start3A_130 : memref<1x80xi32, #tpu.memory_space<hbm>> -> memref<80xi32, #tpu.memory_space<hbm>>
      %dma_start3A_132 = arith.constant 0 : i32
      %dma_start3A_133 = tpu.memref_slice %arg6[%rem3A_32, %dma_start3A_132] : memref<4x80xi32, #tpu.memory_space<vmem>> -> memref<1x80xi32, #tpu.memory_space<vmem>>
      %dma_start3A_134 = tpu.memref_squeeze %dma_start3A_133 : memref<1x80xi32, #tpu.memory_space<vmem>> -> memref<80xi32, #tpu.memory_space<vmem>>
      %dma_start3A_135 = arith.constant 0 : i32
      %dma_start3A_136 = tpu.memref_slice %arg3[%add3A_34, %dma_start3A_135] : memref<4000x80xi32, #tpu.memory_space<hbm>> -> memref<1x80xi32, #tpu.memory_space<hbm>>
      %dma_start3A_137 = tpu.memref_squeeze %dma_start3A_136 : memref<1x80xi32, #tpu.memory_space<hbm>> -> memref<80xi32, #tpu.memory_space<hbm>>
      tpu.enqueue_dma source(%dma_start3A_137 : memref<80xi32, #tpu.memory_space<hbm>>) target(%dma_start3A_134 : memref<80xi32, #tpu.memory_space<vmem>>) target_semaphore(%run_scoped3A : memref<!tpu.dma_semaphore, #tpu.memory_space<semaphore_mem>>)
      %dma_wait3A_138 = arith.constant 0 : i32
      %dma_wait3A_139 = tpu.memref_slice %arg6[%rem3A_32, %dma_wait3A_138] : memref<4x80xi32, #tpu.memory_space<vmem>> -> memref<1x80xi32, #tpu.memory_space<vmem>>
      %dma_wait3A_140 = tpu.memref_squeeze %dma_wait3A_139 : memref<1x80xi32, #tpu.memory_space<vmem>> -> memref<80xi32, #tpu.memory_space<vmem>>
      %dma_wait3A_141 = arith.constant 0 : i32
      %dma_wait3A_142 = tpu.memref_slice %arg3[%add3A_34, %dma_wait3A_141] : memref<4000x80xi32, #tpu.memory_space<hbm>> -> memref<1x80xi32, #tpu.memory_space<hbm>>
      %dma_wait3A_143 = tpu.memref_squeeze %dma_wait3A_142 : memref<1x80xi32, #tpu.memory_space<hbm>> -> memref<80xi32, #tpu.memory_space<hbm>>
      %dma_wait3A_144 = arith.constant 0 : i32
      %dma_wait3A_145 = tpu.memref_slice %arg6[%rem3A_32, %dma_wait3A_144] : memref<4x80xi32, #tpu.memory_space<vmem>> -> memref<1x80xi32, #tpu.memory_space<vmem>>
      %dma_wait3A_146 = tpu.memref_squeeze %dma_wait3A_145 : memref<1x80xi32, #tpu.memory_space<vmem>> -> memref<80xi32, #tpu.memory_space<vmem>>
      %dma_wait3A_147 = arith.constant 0 : i32
      %dma_wait3A_148 = tpu.memref_slice %arg3[%add3A_34, %dma_wait3A_147] : memref<4000x80xi32, #tpu.memory_space<hbm>> -> memref<1x80xi32, #tpu.memory_space<hbm>>
      %dma_wait3A_149 = tpu.memref_squeeze %dma_wait3A_148 : memref<1x80xi32, #tpu.memory_space<hbm>> -> memref<80xi32, #tpu.memory_space<hbm>>
      tpu.wait_dma2 semaphore(%run_scoped3A : memref<!tpu.dma_semaphore, #tpu.memory_space<semaphore_mem>>) src(%dma_wait3A_149 : memref<80xi32, #tpu.memory_space<hbm>>) dst(%dma_wait3A_146 : memref<80xi32, #tpu.memory_space<vmem>>)
      tpu.yield
    }) : () -> ()
    %add3A_35 = arith.constant 1 : i32
    %add3A_36 = arith.addi %select_n3A_23, %add3A_35 : i32
    "tpu.region"() ({
      %run_scoped3A = tpu.sem_alloc : memref<!tpu.dma_semaphore, #tpu.memory_space<semaphore_mem>>
      %dma_start3A_126 = arith.constant 0 : i32
      %dma_start3A_127 = tpu.memref_slice %arg7[%rem3A_32, %dma_start3A_126] : memref<4x80xi32, #tpu.memory_space<vmem>> -> memref<1x80xi32, #tpu.memory_space<vmem>>
      %dma_start3A_128 = tpu.memref_squeeze %dma_start3A_127 : memref<1x80xi32, #tpu.memory_space<vmem>> -> memref<80xi32, #tpu.memory_space<vmem>>
      %dma_start3A_129 = arith.constant 0 : i32
      %dma_start3A_130 = tpu.memref_slice %arg4[%add3A_36, %dma_start3A_129] : memref<4000x80xi32, #tpu.memory_space<hbm>> -> memref<1x80xi32, #tpu.memory_space<hbm>>
      %dma_start3A_131 = tpu.memref_squeeze %dma_start3A_130 : memref<1x80xi32, #tpu.memory_space<hbm>> -> memref<80xi32, #tpu.memory_space<hbm>>
      %dma_start3A_132 = arith.constant 0 : i32
      %dma_start3A_133 = tpu.memref_slice %arg7[%rem3A_32, %dma_start3A_132] : memref<4x80xi32, #tpu.memory_space<vmem>> -> memref<1x80xi32, #tpu.memory_space<vmem>>
      %dma_start3A_134 = tpu.memref_squeeze %dma_start3A_133 : memref<1x80xi32, #tpu.memory_space<vmem>> -> memref<80xi32, #tpu.memory_space<vmem>>
      %dma_start3A_135 = arith.constant 0 : i32
      %dma_start3A_136 = tpu.memref_slice %arg4[%add3A_36, %dma_start3A_135] : memref<4000x80xi32, #tpu.memory_space<hbm>> -> memref<1x80xi32, #tpu.memory_space<hbm>>
      %dma_start3A_137 = tpu.memref_squeeze %dma_start3A_136 : memref<1x80xi32, #tpu.memory_space<hbm>> -> memref<80xi32, #tpu.memory_space<hbm>>
      tpu.enqueue_dma source(%dma_start3A_137 : memref<80xi32, #tpu.memory_space<hbm>>) target(%dma_start3A_134 : memref<80xi32, #tpu.memory_space<vmem>>) target_semaphore(%run_scoped3A : memref<!tpu.dma_semaphore, #tpu.memory_space<semaphore_mem>>)
      %dma_wait3A_138 = arith.constant 0 : i32
      %dma_wait3A_139 = tpu.memref_slice %arg7[%rem3A_32, %dma_wait3A_138] : memref<4x80xi32, #tpu.memory_space<vmem>> -> memref<1x80xi32, #tpu.memory_space<vmem>>
      %dma_wait3A_140 = tpu.memref_squeeze %dma_wait3A_139 : memref<1x80xi32, #tpu.memory_space<vmem>> -> memref<80xi32, #tpu.memory_space<vmem>>
      %dma_wait3A_141 = arith.constant 0 : i32
      %dma_wait3A_142 = tpu.memref_slice %arg4[%add3A_36, %dma_wait3A_141] : memref<4000x80xi32, #tpu.memory_space<hbm>> -> memref<1x80xi32, #tpu.memory_space<hbm>>
      %dma_wait3A_143 = tpu.memref_squeeze %dma_wait3A_142 : memref<1x80xi32, #tpu.memory_space<hbm>> -> memref<80xi32, #tpu.memory_space<hbm>>
      %dma_wait3A_144 = arith.constant 0 : i32
      %dma_wait3A_145 = tpu.memref_slice %arg7[%rem3A_32, %dma_wait3A_144] : memref<4x80xi32, #tpu.memory_space<vmem>> -> memref<1x80xi32, #tpu.memory_space<vmem>>
      %dma_wait3A_146 = tpu.memref_squeeze %dma_wait3A_145 : memref<1x80xi32, #tpu.memory_space<vmem>> -> memref<80xi32, #tpu.memory_space<vmem>>
      %dma_wait3A_147 = arith.constant 0 : i32
      %dma_wait3A_148 = tpu.memref_slice %arg4[%add3A_36, %dma_wait3A_147] : memref<4000x80xi32, #tpu.memory_space<hbm>> -> memref<1x80xi32, #tpu.memory_space<hbm>>
      %dma_wait3A_149 = tpu.memref_squeeze %dma_wait3A_148 : memref<1x80xi32, #tpu.memory_space<hbm>> -> memref<80xi32, #tpu.memory_space<hbm>>
      tpu.wait_dma2 semaphore(%run_scoped3A : memref<!tpu.dma_semaphore, #tpu.memory_space<semaphore_mem>>) src(%dma_wait3A_149 : memref<80xi32, #tpu.memory_space<hbm>>) dst(%dma_wait3A_146 : memref<80xi32, #tpu.memory_space<vmem>>)
      tpu.yield
    }) : () -> ()
    %rem3A_37 = arith.constant 2 : i32
    %rem3A_38 = arith.constant 4 : i32
    %rem3A_39 = arith.remsi %rem3A_37, %rem3A_38 : i32
    %add3A_40 = arith.constant 2 : i32
    %add3A_41 = arith.addi %select_n3A_23, %add3A_40 : i32
    %dma_start3A = arith.constant 0 : i32
    %dma_start3A_42 = tpu.memref_slice %arg6[%rem3A_39, %dma_start3A] : memref<4x80xi32, #tpu.memory_space<vmem>> -> memref<1x80xi32, #tpu.memory_space<vmem>>
    %dma_start3A_43 = tpu.memref_squeeze %dma_start3A_42 : memref<1x80xi32, #tpu.memory_space<vmem>> -> memref<80xi32, #tpu.memory_space<vmem>>
    %dma_start3A_44 = arith.constant 0 : i32
    %dma_start3A_45 = tpu.memref_slice %arg3[%add3A_41, %dma_start3A_44] : memref<4000x80xi32, #tpu.memory_space<hbm>> -> memref<1x80xi32, #tpu.memory_space<hbm>>
    %dma_start3A_46 = tpu.memref_squeeze %dma_start3A_45 : memref<1x80xi32, #tpu.memory_space<hbm>> -> memref<80xi32, #tpu.memory_space<hbm>>
    %dma_start3A_47 = arith.constant 0 : i32
    %dma_start3A_48 = tpu.memref_slice %arg6[%rem3A_39, %dma_start3A_47] : memref<4x80xi32, #tpu.memory_space<vmem>> -> memref<1x80xi32, #tpu.memory_space<vmem>>
    %dma_start3A_49 = tpu.memref_squeeze %dma_start3A_48 : memref<1x80xi32, #tpu.memory_space<vmem>> -> memref<80xi32, #tpu.memory_space<vmem>>
    %dma_start3A_50 = arith.constant 0 : i32
    %dma_start3A_51 = tpu.memref_slice %arg3[%add3A_41, %dma_start3A_50] : memref<4000x80xi32, #tpu.memory_space<hbm>> -> memref<1x80xi32, #tpu.memory_space<hbm>>
    %dma_start3A_52 = tpu.memref_squeeze %dma_start3A_51 : memref<1x80xi32, #tpu.memory_space<hbm>> -> memref<80xi32, #tpu.memory_space<hbm>>
    tpu.enqueue_dma source(%dma_start3A_52 : memref<80xi32, #tpu.memory_space<hbm>>) target(%dma_start3A_49 : memref<80xi32, #tpu.memory_space<vmem>>) target_semaphore(%arg10 : memref<!tpu.dma_semaphore, #tpu.memory_space<semaphore_mem>>)
    %add3A_53 = arith.constant 2 : i32
    %add3A_54 = arith.addi %select_n3A_23, %add3A_53 : i32
    %dma_start3A_55 = arith.constant 0 : i32
    %dma_start3A_56 = tpu.memref_slice %arg7[%rem3A_39, %dma_start3A_55] : memref<4x80xi32, #tpu.memory_space<vmem>> -> memref<1x80xi32, #tpu.memory_space<vmem>>
    %dma_start3A_57 = tpu.memref_squeeze %dma_start3A_56 : memref<1x80xi32, #tpu.memory_space<vmem>> -> memref<80xi32, #tpu.memory_space<vmem>>
    %dma_start3A_58 = arith.constant 0 : i32
    %dma_start3A_59 = tpu.memref_slice %arg4[%add3A_54, %dma_start3A_58] : memref<4000x80xi32, #tpu.memory_space<hbm>> -> memref<1x80xi32, #tpu.memory_space<hbm>>
    %dma_start3A_60 = tpu.memref_squeeze %dma_start3A_59 : memref<1x80xi32, #tpu.memory_space<hbm>> -> memref<80xi32, #tpu.memory_space<hbm>>
    %dma_start3A_61 = arith.constant 0 : i32
    %dma_start3A_62 = tpu.memref_slice %arg7[%rem3A_39, %dma_start3A_61] : memref<4x80xi32, #tpu.memory_space<vmem>> -> memref<1x80xi32, #tpu.memory_space<vmem>>
    %dma_start3A_63 = tpu.memref_squeeze %dma_start3A_62 : memref<1x80xi32, #tpu.memory_space<vmem>> -> memref<80xi32, #tpu.memory_space<vmem>>
    %dma_start3A_64 = arith.constant 0 : i32
    %dma_start3A_65 = tpu.memref_slice %arg4[%add3A_54, %dma_start3A_64] : memref<4000x80xi32, #tpu.memory_space<hbm>> -> memref<1x80xi32, #tpu.memory_space<hbm>>
    %dma_start3A_66 = tpu.memref_squeeze %dma_start3A_65 : memref<1x80xi32, #tpu.memory_space<hbm>> -> memref<80xi32, #tpu.memory_space<hbm>>
    tpu.enqueue_dma source(%dma_start3A_66 : memref<80xi32, #tpu.memory_space<hbm>>) target(%dma_start3A_63 : memref<80xi32, #tpu.memory_space<vmem>>) target_semaphore(%arg10 : memref<!tpu.dma_semaphore, #tpu.memory_space<semaphore_mem>>)
    %rem3A_67 = arith.constant 0 : i32
    %rem3A_68 = arith.constant 4 : i32
    %rem3A_69 = arith.remsi %rem3A_67, %rem3A_68 : i32
    %rem3A_70 = arith.constant 0 : i32
    %rem3A_71 = arith.constant 3 : i32
    %rem3A_72 = arith.remsi %rem3A_70, %rem3A_71 : i32
    %mul3A_73 = arith.constant 80 : i32
    %mul3A_74 = arith.muli %rem3A_72, %mul3A_73 : i32
    %dma_start3A_75 = arith.constant 0 : i32
    %dma_start3A_76 = tpu.memref_slice %arg8[%mul3A_74, %dma_start3A_75] : memref<240x144xf32, #tpu.memory_space<vmem>> -> memref<80x144xf32, #tpu.memory_space<vmem>>
    %dma_start3A_77 = arith.constant 0 : i32
    %dma_start3A_78 = tpu.memref_slice %arg6[%rem3A_69, %dma_start3A_77] : memref<4x80xi32, #tpu.memory_space<vmem>> -> memref<1x80xi32, #tpu.memory_space<vmem>>
    %dma_start3A_79 = tpu.memref_squeeze %dma_start3A_78 : memref<1x80xi32, #tpu.memory_space<vmem>> -> memref<80xi32, #tpu.memory_space<vmem>>
    %dma_start3A_80 = arith.constant 0 : i32
    %dma_start3A_81 = arith.constant 0 : i32
    %dma_start3A_82 = tpu.memref_slice %arg2[%dma_start3A_80, %dma_start3A_81] : memref<10008x144xf32, #tpu.memory_space<hbm>> -> memref<10008x144xf32, #tpu.memory_space<hbm>>
    tpu.enqueue_indirect_dma source(%dma_start3A_82 : memref<10008x144xf32, #tpu.memory_space<hbm>>) target(%dma_start3A_76 : memref<80x144xf32, #tpu.memory_space<vmem>>) offsets(%dma_start3A_79 : memref<80xi32, #tpu.memory_space<vmem>>) semaphore(%arg11 : memref<!tpu.dma_semaphore, #tpu.memory_space<semaphore_mem>>)
    %rem3A_83 = arith.constant 1 : i32
    %rem3A_84 = arith.constant 4 : i32
    %rem3A_85 = arith.remsi %rem3A_83, %rem3A_84 : i32
    %rem3A_86 = arith.constant 1 : i32
    %rem3A_87 = arith.constant 3 : i32
    %rem3A_88 = arith.remsi %rem3A_86, %rem3A_87 : i32
    %mul3A_89 = arith.constant 80 : i32
    %mul3A_90 = arith.muli %rem3A_88, %mul3A_89 : i32
    %dma_start3A_91 = arith.constant 0 : i32
    %dma_start3A_92 = tpu.memref_slice %arg8[%mul3A_90, %dma_start3A_91] : memref<240x144xf32, #tpu.memory_space<vmem>> -> memref<80x144xf32, #tpu.memory_space<vmem>>
    %dma_start3A_93 = arith.constant 0 : i32
    %dma_start3A_94 = tpu.memref_slice %arg6[%rem3A_85, %dma_start3A_93] : memref<4x80xi32, #tpu.memory_space<vmem>> -> memref<1x80xi32, #tpu.memory_space<vmem>>
    %dma_start3A_95 = tpu.memref_squeeze %dma_start3A_94 : memref<1x80xi32, #tpu.memory_space<vmem>> -> memref<80xi32, #tpu.memory_space<vmem>>
    %dma_start3A_96 = arith.constant 0 : i32
    %dma_start3A_97 = arith.constant 0 : i32
    %dma_start3A_98 = tpu.memref_slice %arg2[%dma_start3A_96, %dma_start3A_97] : memref<10008x144xf32, #tpu.memory_space<hbm>> -> memref<10008x144xf32, #tpu.memory_space<hbm>>
    tpu.enqueue_indirect_dma source(%dma_start3A_98 : memref<10008x144xf32, #tpu.memory_space<hbm>>) target(%dma_start3A_92 : memref<80x144xf32, #tpu.memory_space<vmem>>) offsets(%dma_start3A_95 : memref<80xi32, #tpu.memory_space<vmem>>) semaphore(%arg12 : memref<!tpu.dma_semaphore, #tpu.memory_space<semaphore_mem>>)
    %barrier3A = arith.constant 0 : index
    tpu.barrier barrier_id(%barrier3A)
    %while3A = arith.constant 0 : i32
    %while3A_99 = arith.constant 0 : i32
    %while3A_100 = arith.subi %select_n3A, %while3A_99 : i32
    %while3A_101 = arith.addi %while3A_99, %while3A_100 : i32
    %while3A_102 = arith.constant 1 : i32
    %while3A_103 = arith.divsi %while3A_100, %while3A_102 : i32
    %while3A_104 = arith.muli %while3A_103, %while3A_102 : i32
    %while3A_105 = arith.addi %while3A_99, %while3A_104 : i32
    %while3A_106 = arith.constant 1 : i32
    scf.for %while3A_126 = %while3A_99 to %while3A_105 step %while3A_106  : i32 {
      %ge3A = arith.constant 1 : i32
      %ge3A_127 = arith.cmpi sge, %while3A_126, %ge3A : i32
      %convert_element_type3A = arith.extui %ge3A_127 : i1 to i32
      %cond3A = arith.constant 0 : i32
      %cond3A_128 = arith.cmpi ne, %convert_element_type3A, %cond3A : i32
      scf.if %cond3A_128 {
        %sub3A_168 = arith.constant 1 : i32
        %sub3A_169 = arith.subi %while3A_126, %sub3A_168 : i32
        %rem3A_170 = arith.constant 3 : i32
        %rem3A_171 = arith.remsi %sub3A_169, %rem3A_170 : i32
        %mul3A_172 = arith.constant 80 : i32
        %mul3A_173 = arith.muli %rem3A_171, %mul3A_172 : i32
        %rem3A_174 = arith.constant 4 : i32
        %rem3A_175 = arith.remsi %sub3A_169, %rem3A_174 : i32
        %dma_wait3A_176 = arith.constant 0 : i32
        %dma_wait3A_177 = tpu.memref_slice %arg8[%mul3A_173, %dma_wait3A_176] : memref<240x144xf32, #tpu.memory_space<vmem>> -> memref<80x144xf32, #tpu.memory_space<vmem>>
        %dma_wait3A_178 = arith.constant 0 : i32
        %dma_wait3A_179 = tpu.memref_slice %arg7[%rem3A_175, %dma_wait3A_178] : memref<4x80xi32, #tpu.memory_space<vmem>> -> memref<1x80xi32, #tpu.memory_space<vmem>>
        %dma_wait3A_180 = tpu.memref_squeeze %dma_wait3A_179 : memref<1x80xi32, #tpu.memory_space<vmem>> -> memref<80xi32, #tpu.memory_space<vmem>>
        %dma_wait3A_181 = arith.constant 0 : i32
        %dma_wait3A_182 = arith.constant 0 : i32
        %dma_wait3A_183 = tpu.memref_slice %arg9[%dma_wait3A_181, %dma_wait3A_182] : memref<10112x144xf32, #tpu.memory_space<vmem_shared>> -> memref<10112x144xf32, #tpu.memory_space<vmem_shared>>
        tpu.wait_indirect_dma semaphore(%arg13 : memref<!tpu.dma_semaphore, #tpu.memory_space<semaphore_mem>>) src(%dma_wait3A_177 : memref<80x144xf32, #tpu.memory_space<vmem>>) dst(%dma_wait3A_183 : memref<10112x144xf32, #tpu.memory_space<vmem_shared>>)
      } else {
      }
      %rem3A_129 = arith.constant 2 : i32
      %rem3A_130 = arith.remsi %while3A_126, %rem3A_129 : i32
      %eq3A_131 = arith.constant 0 : i32
      %eq3A_132 = arith.cmpi eq, %rem3A_130, %eq3A_131 : i32
      %convert_element_type3A_133 = arith.extui %eq3A_132 : i1 to i32
      %cond3A_134 = arith.constant 0 : i32
      %cond3A_135 = arith.cmpi ne, %convert_element_type3A_133, %cond3A_134 : i32
      scf.if %cond3A_135 {
        %rem3A_168 = arith.constant 4 : i32
        %rem3A_169 = arith.remsi %while3A_126, %rem3A_168 : i32
        %rem3A_170 = arith.constant 3 : i32
        %rem3A_171 = arith.remsi %while3A_126, %rem3A_170 : i32
        %mul3A_172 = arith.constant 80 : i32
        %mul3A_173 = arith.muli %rem3A_171, %mul3A_172 : i32
        %dma_wait3A_174 = arith.constant 0 : i32
        %dma_wait3A_175 = tpu.memref_slice %arg8[%mul3A_173, %dma_wait3A_174] : memref<240x144xf32, #tpu.memory_space<vmem>> -> memref<80x144xf32, #tpu.memory_space<vmem>>
        %dma_wait3A_176 = arith.constant 0 : i32
        %dma_wait3A_177 = tpu.memref_slice %arg6[%rem3A_169, %dma_wait3A_176] : memref<4x80xi32, #tpu.memory_space<vmem>> -> memref<1x80xi32, #tpu.memory_space<vmem>>
        %dma_wait3A_178 = tpu.memref_squeeze %dma_wait3A_177 : memref<1x80xi32, #tpu.memory_space<vmem>> -> memref<80xi32, #tpu.memory_space<vmem>>
        %dma_wait3A_179 = arith.constant 0 : i32
        %dma_wait3A_180 = arith.constant 0 : i32
        %dma_wait3A_181 = tpu.memref_slice %arg2[%dma_wait3A_179, %dma_wait3A_180] : memref<10008x144xf32, #tpu.memory_space<hbm>> -> memref<10008x144xf32, #tpu.memory_space<hbm>>
        tpu.wait_indirect_dma semaphore(%arg11 : memref<!tpu.dma_semaphore, #tpu.memory_space<semaphore_mem>>) src(%dma_wait3A_181 : memref<10008x144xf32, #tpu.memory_space<hbm>>) dst(%dma_wait3A_175 : memref<80x144xf32, #tpu.memory_space<vmem>>)
      } else {
      }
      %rem3A_136 = arith.constant 2 : i32
      %rem3A_137 = arith.remsi %while3A_126, %rem3A_136 : i32
      %eq3A_138 = arith.constant 1 : i32
      %eq3A_139 = arith.cmpi eq, %rem3A_137, %eq3A_138 : i32
      %convert_element_type3A_140 = arith.extui %eq3A_139 : i1 to i32
      %cond3A_141 = arith.constant 0 : i32
      %cond3A_142 = arith.cmpi ne, %convert_element_type3A_140, %cond3A_141 : i32
      scf.if %cond3A_142 {
        %rem3A_168 = arith.constant 4 : i32
        %rem3A_169 = arith.remsi %while3A_126, %rem3A_168 : i32
        %rem3A_170 = arith.constant 3 : i32
        %rem3A_171 = arith.remsi %while3A_126, %rem3A_170 : i32
        %mul3A_172 = arith.constant 80 : i32
        %mul3A_173 = arith.muli %rem3A_171, %mul3A_172 : i32
        %dma_wait3A_174 = arith.constant 0 : i32
        %dma_wait3A_175 = tpu.memref_slice %arg8[%mul3A_173, %dma_wait3A_174] : memref<240x144xf32, #tpu.memory_space<vmem>> -> memref<80x144xf32, #tpu.memory_space<vmem>>
        %dma_wait3A_176 = arith.constant 0 : i32
        %dma_wait3A_177 = tpu.memref_slice %arg6[%rem3A_169, %dma_wait3A_176] : memref<4x80xi32, #tpu.memory_space<vmem>> -> memref<1x80xi32, #tpu.memory_space<vmem>>
        %dma_wait3A_178 = tpu.memref_squeeze %dma_wait3A_177 : memref<1x80xi32, #tpu.memory_space<vmem>> -> memref<80xi32, #tpu.memory_space<vmem>>
        %dma_wait3A_179 = arith.constant 0 : i32
        %dma_wait3A_180 = arith.constant 0 : i32
        %dma_wait3A_181 = tpu.memref_slice %arg2[%dma_wait3A_179, %dma_wait3A_180] : memref<10008x144xf32, #tpu.memory_space<hbm>> -> memref<10008x144xf32, #tpu.memory_space<hbm>>
        tpu.wait_indirect_dma semaphore(%arg12 : memref<!tpu.dma_semaphore, #tpu.memory_space<semaphore_mem>>) src(%dma_wait3A_181 : memref<10008x144xf32, #tpu.memory_space<hbm>>) dst(%dma_wait3A_175 : memref<80x144xf32, #tpu.memory_space<vmem>>)
      } else {
      }
      %add3A_143 = arith.constant 2 : i32
      %add3A_144 = arith.addi %while3A_126, %add3A_143 : i32
      %lt3A = arith.cmpi slt, %add3A_144, %select_n3A : i32
      %convert_element_type3A_145 = arith.extui %lt3A : i1 to i32
      %cond3A_146 = arith.constant 0 : i32
      %cond3A_147 = arith.cmpi ne, %convert_element_type3A_145, %cond3A_146 : i32
      scf.if %cond3A_147 {
        %dma_wait3A_168 = arith.constant 0 : i32
        %dma_wait3A_169 = arith.constant 0 : i32
        %dma_wait3A_170 = arith.constant 0 : i32
        %dma_wait3A_171 = tpu.memref_slice %arg6[%dma_wait3A_169, %dma_wait3A_170] : memref<4x80xi32, #tpu.memory_space<vmem>> -> memref<1x80xi32, #tpu.memory_space<vmem>>
        %dma_wait3A_172 = tpu.memref_squeeze %dma_wait3A_171 : memref<1x80xi32, #tpu.memory_space<vmem>> -> memref<80xi32, #tpu.memory_space<vmem>>
        %dma_wait3A_173 = arith.constant 0 : i32
        %dma_wait3A_174 = tpu.memref_slice %arg3[%dma_wait3A_168, %dma_wait3A_173] : memref<4000x80xi32, #tpu.memory_space<hbm>> -> memref<1x80xi32, #tpu.memory_space<hbm>>
        %dma_wait3A_175 = tpu.memref_squeeze %dma_wait3A_174 : memref<1x80xi32, #tpu.memory_space<hbm>> -> memref<80xi32, #tpu.memory_space<hbm>>
        %dma_wait3A_176 = arith.constant 0 : i32
        %dma_wait3A_177 = tpu.memref_slice %arg6[%dma_wait3A_169, %dma_wait3A_176] : memref<4x80xi32, #tpu.memory_space<vmem>> -> memref<1x80xi32, #tpu.memory_space<vmem>>
        %dma_wait3A_178 = tpu.memref_squeeze %dma_wait3A_177 : memref<1x80xi32, #tpu.memory_space<vmem>> -> memref<80xi32, #tpu.memory_space<vmem>>
        %dma_wait3A_179 = arith.constant 0 : i32
        %dma_wait3A_180 = tpu.memref_slice %arg3[%dma_wait3A_168, %dma_wait3A_179] : memref<4000x80xi32, #tpu.memory_space<hbm>> -> memref<1x80xi32, #tpu.memory_space<hbm>>
        %dma_wait3A_181 = tpu.memref_squeeze %dma_wait3A_180 : memref<1x80xi32, #tpu.memory_space<hbm>> -> memref<80xi32, #tpu.memory_space<hbm>>
        tpu.wait_dma2 semaphore(%arg10 : memref<!tpu.dma_semaphore, #tpu.memory_space<semaphore_mem>>) src(%dma_wait3A_181 : memref<80xi32, #tpu.memory_space<hbm>>) dst(%dma_wait3A_178 : memref<80xi32, #tpu.memory_space<vmem>>)
        %dma_wait3A_182 = arith.constant 0 : i32
        %dma_wait3A_183 = arith.constant 0 : i32
        %dma_wait3A_184 = arith.constant 0 : i32
        %dma_wait3A_185 = tpu.memref_slice %arg6[%dma_wait3A_183, %dma_wait3A_184] : memref<4x80xi32, #tpu.memory_space<vmem>> -> memref<1x80xi32, #tpu.memory_space<vmem>>
        %dma_wait3A_186 = tpu.memref_squeeze %dma_wait3A_185 : memref<1x80xi32, #tpu.memory_space<vmem>> -> memref<80xi32, #tpu.memory_space<vmem>>
        %dma_wait3A_187 = arith.constant 0 : i32
        %dma_wait3A_188 = tpu.memref_slice %arg3[%dma_wait3A_182, %dma_wait3A_187] : memref<4000x80xi32, #tpu.memory_space<hbm>> -> memref<1x80xi32, #tpu.memory_space<hbm>>
        %dma_wait3A_189 = tpu.memref_squeeze %dma_wait3A_188 : memref<1x80xi32, #tpu.memory_space<hbm>> -> memref<80xi32, #tpu.memory_space<hbm>>
        %dma_wait3A_190 = arith.constant 0 : i32
        %dma_wait3A_191 = tpu.memref_slice %arg6[%dma_wait3A_183, %dma_wait3A_190] : memref<4x80xi32, #tpu.memory_space<vmem>> -> memref<1x80xi32, #tpu.memory_space<vmem>>
        %dma_wait3A_192 = tpu.memref_squeeze %dma_wait3A_191 : memref<1x80xi32, #tpu.memory_space<vmem>> -> memref<80xi32, #tpu.memory_space<vmem>>
        %dma_wait3A_193 = arith.constant 0 : i32
        %dma_wait3A_194 = tpu.memref_slice %arg3[%dma_wait3A_182, %dma_wait3A_193] : memref<4000x80xi32, #tpu.memory_space<hbm>> -> memref<1x80xi32, #tpu.memory_space<hbm>>
        %dma_wait3A_195 = tpu.memref_squeeze %dma_wait3A_194 : memref<1x80xi32, #tpu.memory_space<hbm>> -> memref<80xi32, #tpu.memory_space<hbm>>
        tpu.wait_dma2 semaphore(%arg10 : memref<!tpu.dma_semaphore, #tpu.memory_space<semaphore_mem>>) src(%dma_wait3A_195 : memref<80xi32, #tpu.memory_space<hbm>>) dst(%dma_wait3A_192 : memref<80xi32, #tpu.memory_space<vmem>>)
        %add3A_196 = arith.constant 2 : i32
        %add3A_197 = arith.addi %while3A_126, %add3A_196 : i32
        %rem3A_198 = arith.constant 2 : i32
        %rem3A_199 = arith.remsi %add3A_197, %rem3A_198 : i32
        %eq3A_200 = arith.constant 0 : i32
        %eq3A_201 = arith.cmpi eq, %rem3A_199, %eq3A_200 : i32
        %convert_element_type3A_202 = arith.extui %eq3A_201 : i1 to i32
        %cond3A_203 = arith.constant 0 : i32
        %cond3A_204 = arith.cmpi ne, %convert_element_type3A_202, %cond3A_203 : i32
        scf.if %cond3A_204 {
          %rem3A_212 = arith.constant 4 : i32
          %rem3A_213 = arith.remsi %add3A_197, %rem3A_212 : i32
          %rem3A_214 = arith.constant 3 : i32
          %rem3A_215 = arith.remsi %add3A_197, %rem3A_214 : i32
          %mul3A_216 = arith.constant 80 : i32
          %mul3A_217 = arith.muli %rem3A_215, %mul3A_216 : i32
          %dma_start3A_218 = arith.constant 0 : i32
          %dma_start3A_219 = tpu.memref_slice %arg8[%mul3A_217, %dma_start3A_218] : memref<240x144xf32, #tpu.memory_space<vmem>> -> memref<80x144xf32, #tpu.memory_space<vmem>>
          %dma_start3A_220 = arith.constant 0 : i32
          %dma_start3A_221 = tpu.memref_slice %arg6[%rem3A_213, %dma_start3A_220] : memref<4x80xi32, #tpu.memory_space<vmem>> -> memref<1x80xi32, #tpu.memory_space<vmem>>
          %dma_start3A_222 = tpu.memref_squeeze %dma_start3A_221 : memref<1x80xi32, #tpu.memory_space<vmem>> -> memref<80xi32, #tpu.memory_space<vmem>>
          %dma_start3A_223 = arith.constant 0 : i32
          %dma_start3A_224 = arith.constant 0 : i32
          %dma_start3A_225 = tpu.memref_slice %arg2[%dma_start3A_223, %dma_start3A_224] : memref<10008x144xf32, #tpu.memory_space<hbm>> -> memref<10008x144xf32, #tpu.memory_space<hbm>>
          tpu.enqueue_indirect_dma source(%dma_start3A_225 : memref<10008x144xf32, #tpu.memory_space<hbm>>) target(%dma_start3A_219 : memref<80x144xf32, #tpu.memory_space<vmem>>) offsets(%dma_start3A_222 : memref<80xi32, #tpu.memory_space<vmem>>) semaphore(%arg11 : memref<!tpu.dma_semaphore, #tpu.memory_space<semaphore_mem>>)
        } else {
        }
        %rem3A_205 = arith.constant 2 : i32
        %rem3A_206 = arith.remsi %add3A_197, %rem3A_205 : i32
        %eq3A_207 = arith.constant 1 : i32
        %eq3A_208 = arith.cmpi eq, %rem3A_206, %eq3A_207 : i32
        %convert_element_type3A_209 = arith.extui %eq3A_208 : i1 to i32
        %cond3A_210 = arith.constant 0 : i32
        %cond3A_211 = arith.cmpi ne, %convert_element_type3A_209, %cond3A_210 : i32
        scf.if %cond3A_211 {
          %rem3A_212 = arith.constant 4 : i32
          %rem3A_213 = arith.remsi %add3A_197, %rem3A_212 : i32
          %rem3A_214 = arith.constant 3 : i32
          %rem3A_215 = arith.remsi %add3A_197, %rem3A_214 : i32
          %mul3A_216 = arith.constant 80 : i32
          %mul3A_217 = arith.muli %rem3A_215, %mul3A_216 : i32
          %dma_start3A_218 = arith.constant 0 : i32
          %dma_start3A_219 = tpu.memref_slice %arg8[%mul3A_217, %dma_start3A_218] : memref<240x144xf32, #tpu.memory_space<vmem>> -> memref<80x144xf32, #tpu.memory_space<vmem>>
          %dma_start3A_220 = arith.constant 0 : i32
          %dma_start3A_221 = tpu.memref_slice %arg6[%rem3A_213, %dma_start3A_220] : memref<4x80xi32, #tpu.memory_space<vmem>> -> memref<1x80xi32, #tpu.memory_space<vmem>>
          %dma_start3A_222 = tpu.memref_squeeze %dma_start3A_221 : memref<1x80xi32, #tpu.memory_space<vmem>> -> memref<80xi32, #tpu.memory_space<vmem>>
          %dma_start3A_223 = arith.constant 0 : i32
          %dma_start3A_224 = arith.constant 0 : i32
          %dma_start3A_225 = tpu.memref_slice %arg2[%dma_start3A_223, %dma_start3A_224] : memref<10008x144xf32, #tpu.memory_space<hbm>> -> memref<10008x144xf32, #tpu.memory_space<hbm>>
          tpu.enqueue_indirect_dma source(%dma_start3A_225 : memref<10008x144xf32, #tpu.memory_space<hbm>>) target(%dma_start3A_219 : memref<80x144xf32, #tpu.memory_space<vmem>>) offsets(%dma_start3A_222 : memref<80xi32, #tpu.memory_space<vmem>>) semaphore(%arg12 : memref<!tpu.dma_semaphore, #tpu.memory_space<semaphore_mem>>)
        } else {
        }
      } else {
      }
      %add3A_148 = arith.constant 3 : i32
      %add3A_149 = arith.addi %while3A_126, %add3A_148 : i32
      %lt3A_150 = arith.cmpi slt, %add3A_149, %select_n3A : i32
      %convert_element_type3A_151 = arith.extui %lt3A_150 : i1 to i32
      %cond3A_152 = arith.constant 0 : i32
      %cond3A_153 = arith.cmpi ne, %convert_element_type3A_151, %cond3A_152 : i32
      scf.if %cond3A_153 {
        %add3A_168 = arith.constant 3 : i32
        %add3A_169 = arith.addi %while3A_126, %add3A_168 : i32
        %rem3A_170 = arith.constant 4 : i32
        %rem3A_171 = arith.remsi %add3A_169, %rem3A_170 : i32
        %add3A_172 = arith.addi %select_n3A_23, %add3A_169 : i32
        %dma_start3A_173 = arith.constant 0 : i32
        %dma_start3A_174 = tpu.memref_slice %arg6[%rem3A_171, %dma_start3A_173] : memref<4x80xi32, #tpu.memory_space<vmem>> -> memref<1x80xi32, #tpu.memory_space<vmem>>
        %dma_start3A_175 = tpu.memref_squeeze %dma_start3A_174 : memref<1x80xi32, #tpu.memory_space<vmem>> -> memref<80xi32, #tpu.memory_space<vmem>>
        %dma_start3A_176 = arith.constant 0 : i32
        %dma_start3A_177 = tpu.memref_slice %arg3[%add3A_172, %dma_start3A_176] : memref<4000x80xi32, #tpu.memory_space<hbm>> -> memref<1x80xi32, #tpu.memory_space<hbm>>
        %dma_start3A_178 = tpu.memref_squeeze %dma_start3A_177 : memref<1x80xi32, #tpu.memory_space<hbm>> -> memref<80xi32, #tpu.memory_space<hbm>>
        %dma_start3A_179 = arith.constant 0 : i32
        %dma_start3A_180 = tpu.memref_slice %arg6[%rem3A_171, %dma_start3A_179] : memref<4x80xi32, #tpu.memory_space<vmem>> -> memref<1x80xi32, #tpu.memory_space<vmem>>
        %dma_start3A_181 = tpu.memref_squeeze %dma_start3A_180 : memref<1x80xi32, #tpu.memory_space<vmem>> -> memref<80xi32, #tpu.memory_space<vmem>>
        %dma_start3A_182 = arith.constant 0 : i32
        %dma_start3A_183 = tpu.memref_slice %arg3[%add3A_172, %dma_start3A_182] : memref<4000x80xi32, #tpu.memory_space<hbm>> -> memref<1x80xi32, #tpu.memory_space<hbm>>
        %dma_start3A_184 = tpu.memref_squeeze %dma_start3A_183 : memref<1x80xi32, #tpu.memory_space<hbm>> -> memref<80xi32, #tpu.memory_space<hbm>>
        tpu.enqueue_dma source(%dma_start3A_184 : memref<80xi32, #tpu.memory_space<hbm>>) target(%dma_start3A_181 : memref<80xi32, #tpu.memory_space<vmem>>) target_semaphore(%arg10 : memref<!tpu.dma_semaphore, #tpu.memory_space<semaphore_mem>>)
        %add3A_185 = arith.addi %select_n3A_23, %add3A_169 : i32
        %dma_start3A_186 = arith.constant 0 : i32
        %dma_start3A_187 = tpu.memref_slice %arg7[%rem3A_171, %dma_start3A_186] : memref<4x80xi32, #tpu.memory_space<vmem>> -> memref<1x80xi32, #tpu.memory_space<vmem>>
        %dma_start3A_188 = tpu.memref_squeeze %dma_start3A_187 : memref<1x80xi32, #tpu.memory_space<vmem>> -> memref<80xi32, #tpu.memory_space<vmem>>
        %dma_start3A_189 = arith.constant 0 : i32
        %dma_start3A_190 = tpu.memref_slice %arg4[%add3A_185, %dma_start3A_189] : memref<4000x80xi32, #tpu.memory_space<hbm>> -> memref<1x80xi32, #tpu.memory_space<hbm>>
        %dma_start3A_191 = tpu.memref_squeeze %dma_start3A_190 : memref<1x80xi32, #tpu.memory_space<hbm>> -> memref<80xi32, #tpu.memory_space<hbm>>
        %dma_start3A_192 = arith.constant 0 : i32
        %dma_start3A_193 = tpu.memref_slice %arg7[%rem3A_171, %dma_start3A_192] : memref<4x80xi32, #tpu.memory_space<vmem>> -> memref<1x80xi32, #tpu.memory_space<vmem>>
        %dma_start3A_194 = tpu.memref_squeeze %dma_start3A_193 : memref<1x80xi32, #tpu.memory_space<vmem>> -> memref<80xi32, #tpu.memory_space<vmem>>
        %dma_start3A_195 = arith.constant 0 : i32
        %dma_start3A_196 = tpu.memref_slice %arg4[%add3A_185, %dma_start3A_195] : memref<4000x80xi32, #tpu.memory_space<hbm>> -> memref<1x80xi32, #tpu.memory_space<hbm>>
        %dma_start3A_197 = tpu.memref_squeeze %dma_start3A_196 : memref<1x80xi32, #tpu.memory_space<hbm>> -> memref<80xi32, #tpu.memory_space<hbm>>
        tpu.enqueue_dma source(%dma_start3A_197 : memref<80xi32, #tpu.memory_space<hbm>>) target(%dma_start3A_194 : memref<80xi32, #tpu.memory_space<vmem>>) target_semaphore(%arg10 : memref<!tpu.dma_semaphore, #tpu.memory_space<semaphore_mem>>)
      } else {
      }
      %rem3A_154 = arith.constant 3 : i32
      %rem3A_155 = arith.remsi %while3A_126, %rem3A_154 : i32
      %mul3A_156 = arith.constant 80 : i32
      %mul3A_157 = arith.muli %rem3A_155, %mul3A_156 : i32
      %rem3A_158 = arith.constant 4 : i32
      %rem3A_159 = arith.remsi %while3A_126, %rem3A_158 : i32
      %dma_start3A_160 = arith.constant 0 : i32
      %dma_start3A_161 = tpu.memref_slice %arg8[%mul3A_157, %dma_start3A_160] : memref<240x144xf32, #tpu.memory_space<vmem>> -> memref<80x144xf32, #tpu.memory_space<vmem>>
      %dma_start3A_162 = arith.constant 0 : i32
      %dma_start3A_163 = tpu.memref_slice %arg7[%rem3A_159, %dma_start3A_162] : memref<4x80xi32, #tpu.memory_space<vmem>> -> memref<1x80xi32, #tpu.memory_space<vmem>>
      %dma_start3A_164 = tpu.memref_squeeze %dma_start3A_163 : memref<1x80xi32, #tpu.memory_space<vmem>> -> memref<80xi32, #tpu.memory_space<vmem>>
      %dma_start3A_165 = arith.constant 0 : i32
      %dma_start3A_166 = arith.constant 0 : i32
      %dma_start3A_167 = tpu.memref_slice %arg9[%dma_start3A_165, %dma_start3A_166] : memref<10112x144xf32, #tpu.memory_space<vmem_shared>> -> memref<10112x144xf32, #tpu.memory_space<vmem_shared>>
      tpu.enqueue_indirect_dma source(%dma_start3A_161 : memref<80x144xf32, #tpu.memory_space<vmem>>) target(%dma_start3A_167 : memref<10112x144xf32, #tpu.memory_space<vmem_shared>>) offsets(%dma_start3A_164 : memref<80xi32, #tpu.memory_space<vmem>>) semaphore(%arg13 : memref<!tpu.dma_semaphore, #tpu.memory_space<semaphore_mem>>) {add = true}
    }
    %while3A_107 = arith.constant 1 : i32
    scf.for %while3A_126 = %while3A_105 to %while3A_101 step %while3A_107  : i32 {
      %ge3A = arith.constant 1 : i32
      %ge3A_127 = arith.cmpi sge, %while3A_126, %ge3A : i32
      %convert_element_type3A = arith.extui %ge3A_127 : i1 to i32
      %cond3A = arith.constant 0 : i32
      %cond3A_128 = arith.cmpi ne, %convert_element_type3A, %cond3A : i32
      scf.if %cond3A_128 {
        %sub3A_168 = arith.constant 1 : i32
        %sub3A_169 = arith.subi %while3A_126, %sub3A_168 : i32
        %rem3A_170 = arith.constant 3 : i32
        %rem3A_171 = arith.remsi %sub3A_169, %rem3A_170 : i32
        %mul3A_172 = arith.constant 80 : i32
        %mul3A_173 = arith.muli %rem3A_171, %mul3A_172 : i32
        %rem3A_174 = arith.constant 4 : i32
        %rem3A_175 = arith.remsi %sub3A_169, %rem3A_174 : i32
        %dma_wait3A_176 = arith.constant 0 : i32
        %dma_wait3A_177 = tpu.memref_slice %arg8[%mul3A_173, %dma_wait3A_176] : memref<240x144xf32, #tpu.memory_space<vmem>> -> memref<80x144xf32, #tpu.memory_space<vmem>>
        %dma_wait3A_178 = arith.constant 0 : i32
        %dma_wait3A_179 = tpu.memref_slice %arg7[%rem3A_175, %dma_wait3A_178] : memref<4x80xi32, #tpu.memory_space<vmem>> -> memref<1x80xi32, #tpu.memory_space<vmem>>
        %dma_wait3A_180 = tpu.memref_squeeze %dma_wait3A_179 : memref<1x80xi32, #tpu.memory_space<vmem>> -> memref<80xi32, #tpu.memory_space<vmem>>
        %dma_wait3A_181 = arith.constant 0 : i32
        %dma_wait3A_182 = arith.constant 0 : i32
        %dma_wait3A_183 = tpu.memref_slice %arg9[%dma_wait3A_181, %dma_wait3A_182] : memref<10112x144xf32, #tpu.memory_space<vmem_shared>> -> memref<10112x144xf32, #tpu.memory_space<vmem_shared>>
        tpu.wait_indirect_dma semaphore(%arg13 : memref<!tpu.dma_semaphore, #tpu.memory_space<semaphore_mem>>) src(%dma_wait3A_177 : memref<80x144xf32, #tpu.memory_space<vmem>>) dst(%dma_wait3A_183 : memref<10112x144xf32, #tpu.memory_space<vmem_shared>>)
      } else {
      }
      %rem3A_129 = arith.constant 2 : i32
      %rem3A_130 = arith.remsi %while3A_126, %rem3A_129 : i32
      %eq3A_131 = arith.constant 0 : i32
      %eq3A_132 = arith.cmpi eq, %rem3A_130, %eq3A_131 : i32
      %convert_element_type3A_133 = arith.extui %eq3A_132 : i1 to i32
      %cond3A_134 = arith.constant 0 : i32
      %cond3A_135 = arith.cmpi ne, %convert_element_type3A_133, %cond3A_134 : i32
      scf.if %cond3A_135 {
        %rem3A_168 = arith.constant 4 : i32
        %rem3A_169 = arith.remsi %while3A_126, %rem3A_168 : i32
        %rem3A_170 = arith.constant 3 : i32
        %rem3A_171 = arith.remsi %while3A_126, %rem3A_170 : i32
        %mul3A_172 = arith.constant 80 : i32
        %mul3A_173 = arith.muli %rem3A_171, %mul3A_172 : i32
        %dma_wait3A_174 = arith.constant 0 : i32
        %dma_wait3A_175 = tpu.memref_slice %arg8[%mul3A_173, %dma_wait3A_174] : memref<240x144xf32, #tpu.memory_space<vmem>> -> memref<80x144xf32, #tpu.memory_space<vmem>>
        %dma_wait3A_176 = arith.constant 0 : i32
        %dma_wait3A_177 = tpu.memref_slice %arg6[%rem3A_169, %dma_wait3A_176] : memref<4x80xi32, #tpu.memory_space<vmem>> -> memref<1x80xi32, #tpu.memory_space<vmem>>
        %dma_wait3A_178 = tpu.memref_squeeze %dma_wait3A_177 : memref<1x80xi32, #tpu.memory_space<vmem>> -> memref<80xi32, #tpu.memory_space<vmem>>
        %dma_wait3A_179 = arith.constant 0 : i32
        %dma_wait3A_180 = arith.constant 0 : i32
        %dma_wait3A_181 = tpu.memref_slice %arg2[%dma_wait3A_179, %dma_wait3A_180] : memref<10008x144xf32, #tpu.memory_space<hbm>> -> memref<10008x144xf32, #tpu.memory_space<hbm>>
        tpu.wait_indirect_dma semaphore(%arg11 : memref<!tpu.dma_semaphore, #tpu.memory_space<semaphore_mem>>) src(%dma_wait3A_181 : memref<10008x144xf32, #tpu.memory_space<hbm>>) dst(%dma_wait3A_175 : memref<80x144xf32, #tpu.memory_space<vmem>>)
      } else {
      }
      %rem3A_136 = arith.constant 2 : i32
      %rem3A_137 = arith.remsi %while3A_126, %rem3A_136 : i32
      %eq3A_138 = arith.constant 1 : i32
      %eq3A_139 = arith.cmpi eq, %rem3A_137, %eq3A_138 : i32
      %convert_element_type3A_140 = arith.extui %eq3A_139 : i1 to i32
      %cond3A_141 = arith.constant 0 : i32
      %cond3A_142 = arith.cmpi ne, %convert_element_type3A_140, %cond3A_141 : i32
      scf.if %cond3A_142 {
        %rem3A_168 = arith.constant 4 : i32
        %rem3A_169 = arith.remsi %while3A_126, %rem3A_168 : i32
        %rem3A_170 = arith.constant 3 : i32
        %rem3A_171 = arith.remsi %while3A_126, %rem3A_170 : i32
        %mul3A_172 = arith.constant 80 : i32
        %mul3A_173 = arith.muli %rem3A_171, %mul3A_172 : i32
        %dma_wait3A_174 = arith.constant 0 : i32
        %dma_wait3A_175 = tpu.memref_slice %arg8[%mul3A_173, %dma_wait3A_174] : memref<240x144xf32, #tpu.memory_space<vmem>> -> memref<80x144xf32, #tpu.memory_space<vmem>>
        %dma_wait3A_176 = arith.constant 0 : i32
        %dma_wait3A_177 = tpu.memref_slice %arg6[%rem3A_169, %dma_wait3A_176] : memref<4x80xi32, #tpu.memory_space<vmem>> -> memref<1x80xi32, #tpu.memory_space<vmem>>
        %dma_wait3A_178 = tpu.memref_squeeze %dma_wait3A_177 : memref<1x80xi32, #tpu.memory_space<vmem>> -> memref<80xi32, #tpu.memory_space<vmem>>
        %dma_wait3A_179 = arith.constant 0 : i32
        %dma_wait3A_180 = arith.constant 0 : i32
        %dma_wait3A_181 = tpu.memref_slice %arg2[%dma_wait3A_179, %dma_wait3A_180] : memref<10008x144xf32, #tpu.memory_space<hbm>> -> memref<10008x144xf32, #tpu.memory_space<hbm>>
        tpu.wait_indirect_dma semaphore(%arg12 : memref<!tpu.dma_semaphore, #tpu.memory_space<semaphore_mem>>) src(%dma_wait3A_181 : memref<10008x144xf32, #tpu.memory_space<hbm>>) dst(%dma_wait3A_175 : memref<80x144xf32, #tpu.memory_space<vmem>>)
      } else {
      }
      %add3A_143 = arith.constant 2 : i32
      %add3A_144 = arith.addi %while3A_126, %add3A_143 : i32
      %lt3A = arith.cmpi slt, %add3A_144, %select_n3A : i32
      %convert_element_type3A_145 = arith.extui %lt3A : i1 to i32
      %cond3A_146 = arith.constant 0 : i32
      %cond3A_147 = arith.cmpi ne, %convert_element_type3A_145, %cond3A_146 : i32
      scf.if %cond3A_147 {
        %dma_wait3A_168 = arith.constant 0 : i32
        %dma_wait3A_169 = arith.constant 0 : i32
        %dma_wait3A_170 = arith.constant 0 : i32
        %dma_wait3A_171 = tpu.memref_slice %arg6[%dma_wait3A_169, %dma_wait3A_170] : memref<4x80xi32, #tpu.memory_space<vmem>> -> memref<1x80xi32, #tpu.memory_space<vmem>>
        %dma_wait3A_172 = tpu.memref_squeeze %dma_wait3A_171 : memref<1x80xi32, #tpu.memory_space<vmem>> -> memref<80xi32, #tpu.memory_space<vmem>>
        %dma_wait3A_173 = arith.constant 0 : i32
        %dma_wait3A_174 = tpu.memref_slice %arg3[%dma_wait3A_168, %dma_wait3A_173] : memref<4000x80xi32, #tpu.memory_space<hbm>> -> memref<1x80xi32, #tpu.memory_space<hbm>>
        %dma_wait3A_175 = tpu.memref_squeeze %dma_wait3A_174 : memref<1x80xi32, #tpu.memory_space<hbm>> -> memref<80xi32, #tpu.memory_space<hbm>>
        %dma_wait3A_176 = arith.constant 0 : i32
        %dma_wait3A_177 = tpu.memref_slice %arg6[%dma_wait3A_169, %dma_wait3A_176] : memref<4x80xi32, #tpu.memory_space<vmem>> -> memref<1x80xi32, #tpu.memory_space<vmem>>
        %dma_wait3A_178 = tpu.memref_squeeze %dma_wait3A_177 : memref<1x80xi32, #tpu.memory_space<vmem>> -> memref<80xi32, #tpu.memory_space<vmem>>
        %dma_wait3A_179 = arith.constant 0 : i32
        %dma_wait3A_180 = tpu.memref_slice %arg3[%dma_wait3A_168, %dma_wait3A_179] : memref<4000x80xi32, #tpu.memory_space<hbm>> -> memref<1x80xi32, #tpu.memory_space<hbm>>
        %dma_wait3A_181 = tpu.memref_squeeze %dma_wait3A_180 : memref<1x80xi32, #tpu.memory_space<hbm>> -> memref<80xi32, #tpu.memory_space<hbm>>
        tpu.wait_dma2 semaphore(%arg10 : memref<!tpu.dma_semaphore, #tpu.memory_space<semaphore_mem>>) src(%dma_wait3A_181 : memref<80xi32, #tpu.memory_space<hbm>>) dst(%dma_wait3A_178 : memref<80xi32, #tpu.memory_space<vmem>>)
        %dma_wait3A_182 = arith.constant 0 : i32
        %dma_wait3A_183 = arith.constant 0 : i32
        %dma_wait3A_184 = arith.constant 0 : i32
        %dma_wait3A_185 = tpu.memref_slice %arg6[%dma_wait3A_183, %dma_wait3A_184] : memref<4x80xi32, #tpu.memory_space<vmem>> -> memref<1x80xi32, #tpu.memory_space<vmem>>
        %dma_wait3A_186 = tpu.memref_squeeze %dma_wait3A_185 : memref<1x80xi32, #tpu.memory_space<vmem>> -> memref<80xi32, #tpu.memory_space<vmem>>
        %dma_wait3A_187 = arith.constant 0 : i32
        %dma_wait3A_188 = tpu.memref_slice %arg3[%dma_wait3A_182, %dma_wait3A_187] : memref<4000x80xi32, #tpu.memory_space<hbm>> -> memref<1x80xi32, #tpu.memory_space<hbm>>
        %dma_wait3A_189 = tpu.memref_squeeze %dma_wait3A_188 : memref<1x80xi32, #tpu.memory_space<hbm>> -> memref<80xi32, #tpu.memory_space<hbm>>
        %dma_wait3A_190 = arith.constant 0 : i32
        %dma_wait3A_191 = tpu.memref_slice %arg6[%dma_wait3A_183, %dma_wait3A_190] : memref<4x80xi32, #tpu.memory_space<vmem>> -> memref<1x80xi32, #tpu.memory_space<vmem>>
        %dma_wait3A_192 = tpu.memref_squeeze %dma_wait3A_191 : memref<1x80xi32, #tpu.memory_space<vmem>> -> memref<80xi32, #tpu.memory_space<vmem>>
        %dma_wait3A_193 = arith.constant 0 : i32
        %dma_wait3A_194 = tpu.memref_slice %arg3[%dma_wait3A_182, %dma_wait3A_193] : memref<4000x80xi32, #tpu.memory_space<hbm>> -> memref<1x80xi32, #tpu.memory_space<hbm>>
        %dma_wait3A_195 = tpu.memref_squeeze %dma_wait3A_194 : memref<1x80xi32, #tpu.memory_space<hbm>> -> memref<80xi32, #tpu.memory_space<hbm>>
        tpu.wait_dma2 semaphore(%arg10 : memref<!tpu.dma_semaphore, #tpu.memory_space<semaphore_mem>>) src(%dma_wait3A_195 : memref<80xi32, #tpu.memory_space<hbm>>) dst(%dma_wait3A_192 : memref<80xi32, #tpu.memory_space<vmem>>)
        %add3A_196 = arith.constant 2 : i32
        %add3A_197 = arith.addi %while3A_126, %add3A_196 : i32
        %rem3A_198 = arith.constant 2 : i32
        %rem3A_199 = arith.remsi %add3A_197, %rem3A_198 : i32
        %eq3A_200 = arith.constant 0 : i32
        %eq3A_201 = arith.cmpi eq, %rem3A_199, %eq3A_200 : i32
        %convert_element_type3A_202 = arith.extui %eq3A_201 : i1 to i32
        %cond3A_203 = arith.constant 0 : i32
        %cond3A_204 = arith.cmpi ne, %convert_element_type3A_202, %cond3A_203 : i32
        scf.if %cond3A_204 {
          %rem3A_212 = arith.constant 4 : i32
          %rem3A_213 = arith.remsi %add3A_197, %rem3A_212 : i32
          %rem3A_214 = arith.constant 3 : i32
          %rem3A_215 = arith.remsi %add3A_197, %rem3A_214 : i32
          %mul3A_216 = arith.constant 80 : i32
          %mul3A_217 = arith.muli %rem3A_215, %mul3A_216 : i32
          %dma_start3A_218 = arith.constant 0 : i32
          %dma_start3A_219 = tpu.memref_slice %arg8[%mul3A_217, %dma_start3A_218] : memref<240x144xf32, #tpu.memory_space<vmem>> -> memref<80x144xf32, #tpu.memory_space<vmem>>
          %dma_start3A_220 = arith.constant 0 : i32
          %dma_start3A_221 = tpu.memref_slice %arg6[%rem3A_213, %dma_start3A_220] : memref<4x80xi32, #tpu.memory_space<vmem>> -> memref<1x80xi32, #tpu.memory_space<vmem>>
          %dma_start3A_222 = tpu.memref_squeeze %dma_start3A_221 : memref<1x80xi32, #tpu.memory_space<vmem>> -> memref<80xi32, #tpu.memory_space<vmem>>
          %dma_start3A_223 = arith.constant 0 : i32
          %dma_start3A_224 = arith.constant 0 : i32
          %dma_start3A_225 = tpu.memref_slice %arg2[%dma_start3A_223, %dma_start3A_224] : memref<10008x144xf32, #tpu.memory_space<hbm>> -> memref<10008x144xf32, #tpu.memory_space<hbm>>
          tpu.enqueue_indirect_dma source(%dma_start3A_225 : memref<10008x144xf32, #tpu.memory_space<hbm>>) target(%dma_start3A_219 : memref<80x144xf32, #tpu.memory_space<vmem>>) offsets(%dma_start3A_222 : memref<80xi32, #tpu.memory_space<vmem>>) semaphore(%arg11 : memref<!tpu.dma_semaphore, #tpu.memory_space<semaphore_mem>>)
        } else {
        }
        %rem3A_205 = arith.constant 2 : i32
        %rem3A_206 = arith.remsi %add3A_197, %rem3A_205 : i32
        %eq3A_207 = arith.constant 1 : i32
        %eq3A_208 = arith.cmpi eq, %rem3A_206, %eq3A_207 : i32
        %convert_element_type3A_209 = arith.extui %eq3A_208 : i1 to i32
        %cond3A_210 = arith.constant 0 : i32
        %cond3A_211 = arith.cmpi ne, %convert_element_type3A_209, %cond3A_210 : i32
        scf.if %cond3A_211 {
          %rem3A_212 = arith.constant 4 : i32
          %rem3A_213 = arith.remsi %add3A_197, %rem3A_212 : i32
          %rem3A_214 = arith.constant 3 : i32
          %rem3A_215 = arith.remsi %add3A_197, %rem3A_214 : i32
          %mul3A_216 = arith.constant 80 : i32
          %mul3A_217 = arith.muli %rem3A_215, %mul3A_216 : i32
          %dma_start3A_218 = arith.constant 0 : i32
          %dma_start3A_219 = tpu.memref_slice %arg8[%mul3A_217, %dma_start3A_218] : memref<240x144xf32, #tpu.memory_space<vmem>> -> memref<80x144xf32, #tpu.memory_space<vmem>>
          %dma_start3A_220 = arith.constant 0 : i32
          %dma_start3A_221 = tpu.memref_slice %arg6[%rem3A_213, %dma_start3A_220] : memref<4x80xi32, #tpu.memory_space<vmem>> -> memref<1x80xi32, #tpu.memory_space<vmem>>
          %dma_start3A_222 = tpu.memref_squeeze %dma_start3A_221 : memref<1x80xi32, #tpu.memory_space<vmem>> -> memref<80xi32, #tpu.memory_space<vmem>>
          %dma_start3A_223 = arith.constant 0 : i32
          %dma_start3A_224 = arith.constant 0 : i32
          %dma_start3A_225 = tpu.memref_slice %arg2[%dma_start3A_223, %dma_start3A_224] : memref<10008x144xf32, #tpu.memory_space<hbm>> -> memref<10008x144xf32, #tpu.memory_space<hbm>>
          tpu.enqueue_indirect_dma source(%dma_start3A_225 : memref<10008x144xf32, #tpu.memory_space<hbm>>) target(%dma_start3A_219 : memref<80x144xf32, #tpu.memory_space<vmem>>) offsets(%dma_start3A_222 : memref<80xi32, #tpu.memory_space<vmem>>) semaphore(%arg12 : memref<!tpu.dma_semaphore, #tpu.memory_space<semaphore_mem>>)
        } else {
        }
      } else {
      }
      %add3A_148 = arith.constant 3 : i32
      %add3A_149 = arith.addi %while3A_126, %add3A_148 : i32
      %lt3A_150 = arith.cmpi slt, %add3A_149, %select_n3A : i32
      %convert_element_type3A_151 = arith.extui %lt3A_150 : i1 to i32
      %cond3A_152 = arith.constant 0 : i32
      %cond3A_153 = arith.cmpi ne, %convert_element_type3A_151, %cond3A_152 : i32
      scf.if %cond3A_153 {
        %add3A_168 = arith.constant 3 : i32
        %add3A_169 = arith.addi %while3A_126, %add3A_168 : i32
        %rem3A_170 = arith.constant 4 : i32
        %rem3A_171 = arith.remsi %add3A_169, %rem3A_170 : i32
        %add3A_172 = arith.addi %select_n3A_23, %add3A_169 : i32
        %dma_start3A_173 = arith.constant 0 : i32
        %dma_start3A_174 = tpu.memref_slice %arg6[%rem3A_171, %dma_start3A_173] : memref<4x80xi32, #tpu.memory_space<vmem>> -> memref<1x80xi32, #tpu.memory_space<vmem>>
        %dma_start3A_175 = tpu.memref_squeeze %dma_start3A_174 : memref<1x80xi32, #tpu.memory_space<vmem>> -> memref<80xi32, #tpu.memory_space<vmem>>
        %dma_start3A_176 = arith.constant 0 : i32
        %dma_start3A_177 = tpu.memref_slice %arg3[%add3A_172, %dma_start3A_176] : memref<4000x80xi32, #tpu.memory_space<hbm>> -> memref<1x80xi32, #tpu.memory_space<hbm>>
        %dma_start3A_178 = tpu.memref_squeeze %dma_start3A_177 : memref<1x80xi32, #tpu.memory_space<hbm>> -> memref<80xi32, #tpu.memory_space<hbm>>
        %dma_start3A_179 = arith.constant 0 : i32
        %dma_start3A_180 = tpu.memref_slice %arg6[%rem3A_171, %dma_start3A_179] : memref<4x80xi32, #tpu.memory_space<vmem>> -> memref<1x80xi32, #tpu.memory_space<vmem>>
        %dma_start3A_181 = tpu.memref_squeeze %dma_start3A_180 : memref<1x80xi32, #tpu.memory_space<vmem>> -> memref<80xi32, #tpu.memory_space<vmem>>
        %dma_start3A_182 = arith.constant 0 : i32
        %dma_start3A_183 = tpu.memref_slice %arg3[%add3A_172, %dma_start3A_182] : memref<4000x80xi32, #tpu.memory_space<hbm>> -> memref<1x80xi32, #tpu.memory_space<hbm>>
        %dma_start3A_184 = tpu.memref_squeeze %dma_start3A_183 : memref<1x80xi32, #tpu.memory_space<hbm>> -> memref<80xi32, #tpu.memory_space<hbm>>
        tpu.enqueue_dma source(%dma_start3A_184 : memref<80xi32, #tpu.memory_space<hbm>>) target(%dma_start3A_181 : memref<80xi32, #tpu.memory_space<vmem>>) target_semaphore(%arg10 : memref<!tpu.dma_semaphore, #tpu.memory_space<semaphore_mem>>)
        %add3A_185 = arith.addi %select_n3A_23, %add3A_169 : i32
        %dma_start3A_186 = arith.constant 0 : i32
        %dma_start3A_187 = tpu.memref_slice %arg7[%rem3A_171, %dma_start3A_186] : memref<4x80xi32, #tpu.memory_space<vmem>> -> memref<1x80xi32, #tpu.memory_space<vmem>>
        %dma_start3A_188 = tpu.memref_squeeze %dma_start3A_187 : memref<1x80xi32, #tpu.memory_space<vmem>> -> memref<80xi32, #tpu.memory_space<vmem>>
        %dma_start3A_189 = arith.constant 0 : i32
        %dma_start3A_190 = tpu.memref_slice %arg4[%add3A_185, %dma_start3A_189] : memref<4000x80xi32, #tpu.memory_space<hbm>> -> memref<1x80xi32, #tpu.memory_space<hbm>>
        %dma_start3A_191 = tpu.memref_squeeze %dma_start3A_190 : memref<1x80xi32, #tpu.memory_space<hbm>> -> memref<80xi32, #tpu.memory_space<hbm>>
        %dma_start3A_192 = arith.constant 0 : i32
        %dma_start3A_193 = tpu.memref_slice %arg7[%rem3A_171, %dma_start3A_192] : memref<4x80xi32, #tpu.memory_space<vmem>> -> memref<1x80xi32, #tpu.memory_space<vmem>>
        %dma_start3A_194 = tpu.memref_squeeze %dma_start3A_193 : memref<1x80xi32, #tpu.memory_space<vmem>> -> memref<80xi32, #tpu.memory_space<vmem>>
        %dma_start3A_195 = arith.constant 0 : i32
        %dma_start3A_196 = tpu.memref_slice %arg4[%add3A_185, %dma_start3A_195] : memref<4000x80xi32, #tpu.memory_space<hbm>> -> memref<1x80xi32, #tpu.memory_space<hbm>>
        %dma_start3A_197 = tpu.memref_squeeze %dma_start3A_196 : memref<1x80xi32, #tpu.memory_space<hbm>> -> memref<80xi32, #tpu.memory_space<hbm>>
        tpu.enqueue_dma source(%dma_start3A_197 : memref<80xi32, #tpu.memory_space<hbm>>) target(%dma_start3A_194 : memref<80xi32, #tpu.memory_space<vmem>>) target_semaphore(%arg10 : memref<!tpu.dma_semaphore, #tpu.memory_space<semaphore_mem>>)
      } else {
      }
      %rem3A_154 = arith.constant 3 : i32
      %rem3A_155 = arith.remsi %while3A_126, %rem3A_154 : i32
      %mul3A_156 = arith.constant 80 : i32
      %mul3A_157 = arith.muli %rem3A_155, %mul3A_156 : i32
      %rem3A_158 = arith.constant 4 : i32
      %rem3A_159 = arith.remsi %while3A_126, %rem3A_158 : i32
      %dma_start3A_160 = arith.constant 0 : i32
      %dma_start3A_161 = tpu.memref_slice %arg8[%mul3A_157, %dma_start3A_160] : memref<240x144xf32, #tpu.memory_space<vmem>> -> memref<80x144xf32, #tpu.memory_space<vmem>>
      %dma_start3A_162 = arith.constant 0 : i32
      %dma_start3A_163 = tpu.memref_slice %arg7[%rem3A_159, %dma_start3A_162] : memref<4x80xi32, #tpu.memory_space<vmem>> -> memref<1x80xi32, #tpu.memory_space<vmem>>
      %dma_start3A_164 = tpu.memref_squeeze %dma_start3A_163 : memref<1x80xi32, #tpu.memory_space<vmem>> -> memref<80xi32, #tpu.memory_space<vmem>>
      %dma_start3A_165 = arith.constant 0 : i32
      %dma_start3A_166 = arith.constant 0 : i32
      %dma_start3A_167 = tpu.memref_slice %arg9[%dma_start3A_165, %dma_start3A_166] : memref<10112x144xf32, #tpu.memory_space<vmem_shared>> -> memref<10112x144xf32, #tpu.memory_space<vmem_shared>>
      tpu.enqueue_indirect_dma source(%dma_start3A_161 : memref<80x144xf32, #tpu.memory_space<vmem>>) target(%dma_start3A_167 : memref<10112x144xf32, #tpu.memory_space<vmem_shared>>) offsets(%dma_start3A_164 : memref<80xi32, #tpu.memory_space<vmem>>) semaphore(%arg13 : memref<!tpu.dma_semaphore, #tpu.memory_space<semaphore_mem>>) {add = true}
    }
    %sub3A = arith.constant 1 : i32
    %sub3A_108 = arith.subi %select_n3A, %sub3A : i32
    %rem3A_109 = arith.constant 3 : i32
    %rem3A_110 = arith.remsi %sub3A_108, %rem3A_109 : i32
    %mul3A_111 = arith.constant 80 : i32
    %mul3A_112 = arith.muli %rem3A_110, %mul3A_111 : i32
    %rem3A_113 = arith.constant 4 : i32
    %rem3A_114 = arith.remsi %sub3A_108, %rem3A_113 : i32
    %dma_wait3A = arith.constant 0 : i32
    %dma_wait3A_115 = tpu.memref_slice %arg8[%mul3A_112, %dma_wait3A] : memref<240x144xf32, #tpu.memory_space<vmem>> -> memref<80x144xf32, #tpu.memory_space<vmem>>
    %dma_wait3A_116 = arith.constant 0 : i32
    %dma_wait3A_117 = tpu.memref_slice %arg7[%rem3A_114, %dma_wait3A_116] : memref<4x80xi32, #tpu.memory_space<vmem>> -> memref<1x80xi32, #tpu.memory_space<vmem>>
    %dma_wait3A_118 = tpu.memref_squeeze %dma_wait3A_117 : memref<1x80xi32, #tpu.memory_space<vmem>> -> memref<80xi32, #tpu.memory_space<vmem>>
    %dma_wait3A_119 = arith.constant 0 : i32
    %dma_wait3A_120 = arith.constant 0 : i32
    %dma_wait3A_121 = tpu.memref_slice %arg9[%dma_wait3A_119, %dma_wait3A_120] : memref<10112x144xf32, #tpu.memory_space<vmem_shared>> -> memref<10112x144xf32, #tpu.memory_space<vmem_shared>>
    tpu.wait_indirect_dma semaphore(%arg13 : memref<!tpu.dma_semaphore, #tpu.memory_space<semaphore_mem>>) src(%dma_wait3A_115 : memref<80x144xf32, #tpu.memory_space<vmem>>) dst(%dma_wait3A_121 : memref<10112x144xf32, #tpu.memory_space<vmem_shared>>)
    %barrier3A_122 = arith.constant 0 : index
    tpu.barrier barrier_id(%barrier3A_122)
    %mul3A_123 = arith.constant 10112 : i32
    %mul3A_124 = arith.muli %arg0, %mul3A_123 : i32
    %add3A_125 = arith.addi %mul3A_124, %mul3A_7 : i32
    "tpu.region"() ({
      %run_scoped3A = tpu.sem_alloc : memref<!tpu.dma_semaphore, #tpu.memory_space<semaphore_mem>>
      %dma_start3A_126 = arith.constant 0 : i32
      %dma_start3A_127 = tpu.memref_slice %arg5[%add3A_125, %dma_start3A_126] : memref<20224x144xf32, #tpu.memory_space<hbm>> -> memref<632x144xf32, #tpu.memory_space<hbm>>
      %dma_start3A_128 = arith.constant 0 : i32
      %dma_start3A_129 = tpu.memref_slice %arg9[%mul3A_7, %dma_start3A_128] : memref<10112x144xf32, #tpu.memory_space<vmem_shared>> -> memref<632x144xf32, #tpu.memory_space<vmem_shared>>
      tpu.enqueue_dma source(%dma_start3A_129 : memref<632x144xf32, #tpu.memory_space<vmem_shared>>) target(%dma_start3A_127 : memref<632x144xf32, #tpu.memory_space<hbm>>) target_semaphore(%run_scoped3A : memref<!tpu.dma_semaphore, #tpu.memory_space<semaphore_mem>>)
      %dma_wait3A_130 = arith.constant 0 : i32
      %dma_wait3A_131 = tpu.memref_slice %arg5[%add3A_125, %dma_wait3A_130] : memref<20224x144xf32, #tpu.memory_space<hbm>> -> memref<632x144xf32, #tpu.memory_space<hbm>>
      %dma_wait3A_132 = arith.constant 0 : i32
      %dma_wait3A_133 = tpu.memref_slice %arg9[%mul3A_7, %dma_wait3A_132] : memref<10112x144xf32, #tpu.memory_space<vmem_shared>> -> memref<632x144xf32, #tpu.memory_space<vmem_shared>>
      tpu.wait_dma2 semaphore(%run_scoped3A : memref<!tpu.dma_semaphore, #tpu.memory_space<semaphore_mem>>) src(%dma_wait3A_133 : memref<632x144xf32, #tpu.memory_space<vmem_shared>>) dst(%dma_wait3A_131 : memref<632x144xf32, #tpu.memory_space<hbm>>)
      tpu.yield
    }) : () -> ()
    return
  }
}

#map = affine_map<(d0, d1) -> (0, 0)>
module attributes {stable_mosaic.version = 14 : i64} {
  func.func @spmm(%arg0: i32, %arg1: i32, %arg2: memref<10008x144xf32, #tpu.memory_space<hbm>>, %arg3: memref<4000x80xi32, #tpu.memory_space<hbm>>, %arg4: memref<4000x80xi32, #tpu.memory_space<hbm>>, %arg5: memref<20224x144xf32, #tpu.memory_space<hbm>>, %arg6: memref<4x80xi32, #tpu.memory_space<vmem>>, %arg7: memref<4x80xi32, #tpu.memory_space<vmem>>, %arg8: memref<240x144xf32, #tpu.memory_space<vmem>>, %arg9: memref<10112x144xf32, #tpu.memory_space<vmem_shared>>, %arg10: memref<!tpu.dma_semaphore, #tpu.memory_space<semaphore_mem>>, %arg11: memref<!tpu.dma_semaphore, #tpu.memory_space<semaphore_mem>>, %arg12: memref<!tpu.dma_semaphore, #tpu.memory_space<semaphore_mem>>, %arg13: memref<!tpu.dma_semaphore, #tpu.memory_space<semaphore_mem>>) attributes {dimension_semantics = [#tpu.dimension_semantics<core_parallel>, #tpu.dimension_semantics<subcore_parallel>], iteration_bounds = array<i64: 2, 16>, scalar_prefetch = 0 : i64, scratch_operands = 8 : i64, tpu.core_type = #tpu.core_type<sc_vector_subcore>, window_params = [{transform_indices = #map}, {transform_indices = #map}, {transform_indices = #map}, {transform_indices = #map}]} {
    %eq3A = arith.constant 0 : i32
    %eq3A_0 = arith.cmpi eq, %arg0, %eq3A : i32
    %jit3A = arith.constant 130 : i32
    %jit3A_1 = arith.constant 120 : i32
    %select_n3A = arith.select %eq3A_0, %jit3A, %jit3A_1 : i32
    %scan3A = arith.constant 0 : i32
    %scan3A_2 = arith.constant 0 : i32
    %scan3A_3 = arith.constant 80 : i32
    %scan3A_4 = arith.addi %scan3A_2, %scan3A_3 : i32
    %scan3A_5 = arith.constant 1 : i32
    scf.for %scan3A_126 = %scan3A_2 to %scan3A_4 step %scan3A_5  : i32 {
      %broadcast_in_dim3A = arith.constant 0.000000e+00 : f32
      %broadcast_in_dim3A_127 = vector.broadcast %broadcast_in_dim3A : f32 to vector<16xf32>
      %swap3A = arith.index_cast %scan3A_126 : i32 to index
      %swap3A_128 = arith.constant 0 : index
      %swap3A_129 = tpu.vector_load %arg8[%swap3A, %swap3A_128] {strides = array<i32>} : memref<240x144xf32, #tpu.memory_space<vmem>>, vector<1x16xf32>,
      %swap3A_130 = vector.shape_cast %swap3A_129 : vector<1x16xf32> to vector<16xf32>
      %swap3A_131 = vector.shape_cast %broadcast_in_dim3A_127 : vector<16xf32> to vector<1x16xf32>
      tpu.vector_store %arg8[%swap3A, %swap3A_128], %swap3A_131 {strides = array<i32>} : memref<240x144xf32, #tpu.memory_space<vmem>>, vector<1x16xf32>,
      %broadcast_in_dim3A_132 = arith.constant 0.000000e+00 : f32
      %broadcast_in_dim3A_133 = vector.broadcast %broadcast_in_dim3A_132 : f32 to vector<16xf32>
      %swap3A_134 = arith.index_cast %scan3A_126 : i32 to index
      %swap3A_135 = arith.constant 16 : index
      %swap3A_136 = tpu.vector_load %arg8[%swap3A_134, %swap3A_135] {strides = array<i32>} : memref<240x144xf32, #tpu.memory_space<vmem>>, vector<1x16xf32>,
      %swap3A_137 = vector.shape_cast %swap3A_136 : vector<1x16xf32> to vector<16xf32>
      %swap3A_138 = vector.shape_cast %broadcast_in_dim3A_133 : vector<16xf32> to vector<1x16xf32>
      tpu.vector_store %arg8[%swap3A_134, %swap3A_135], %swap3A_138 {strides = array<i32>} : memref<240x144xf32, #tpu.memory_space<vmem>>, vector<1x16xf32>,
      %broadcast_in_dim3A_139 = arith.constant 0.000000e+00 : f32
      %broadcast_in_dim3A_140 = vector.broadcast %broadcast_in_dim3A_139 : f32 to vector<16xf32>
      %swap3A_141 = arith.index_cast %scan3A_126 : i32 to index
      %swap3A_142 = arith.constant 32 : index
      %swap3A_143 = tpu.vector_load %arg8[%swap3A_141, %swap3A_142] {strides = array<i32>} : memref<240x144xf32, #tpu.memory_space<vmem>>, vector<1x16xf32>,
      %swap3A_144 = vector.shape_cast %swap3A_143 : vector<1x16xf32> to vector<16xf32>
      %swap3A_145 = vector.shape_cast %broadcast_in_dim3A_140 : vector<16xf32> to vector<1x16xf32>
      tpu.vector_store %arg8[%swap3A_141, %swap3A_142], %swap3A_145 {strides = array<i32>} : memref<240x144xf32, #tpu.memory_space<vmem>>, vector<1x16xf32>,
      %broadcast_in_dim3A_146 = arith.constant 0.000000e+00 : f32
      %broadcast_in_dim3A_147 = vector.broadcast %broadcast_in_dim3A_146 : f32 to vector<16xf32>
      %swap3A_148 = arith.index_cast %scan3A_126 : i32 to index
      %swap3A_149 = arith.constant 48 : index
      %swap3A_150 = tpu.vector_load %arg8[%swap3A_148, %swap3A_149] {strides = array<i32>} : memref<240x144xf32, #tpu.memory_space<vmem>>, vector<1x16xf32>,
      %swap3A_151 = vector.shape_cast %swap3A_150 : vector<1x16xf32> to vector<16xf32>
      %swap3A_152 = vector.shape_cast %broadcast_in_dim3A_147 : vector<16xf32> to vector<1x16xf32>
      tpu.vector_store %arg8[%swap3A_148, %swap3A_149], %swap3A_152 {strides = array<i32>} : memref<240x144xf32, #tpu.memory_space<vmem>>, vector<1x16xf32>,
      %broadcast_in_dim3A_153 = arith.constant 0.000000e+00 : f32
      %broadcast_in_dim3A_154 = vector.broadcast %broadcast_in_dim3A_153 : f32 to vector<16xf32>
      %swap3A_155 = arith.index_cast %scan3A_126 : i32 to index
      %swap3A_156 = arith.constant 64 : index
      %swap3A_157 = tpu.vector_load %arg8[%swap3A_155, %swap3A_156] {strides = array<i32>} : memref<240x144xf32, #tpu.memory_space<vmem>>, vector<1x16xf32>,
      %swap3A_158 = vector.shape_cast %swap3A_157 : vector<1x16xf32> to vector<16xf32>
      %swap3A_159 = vector.shape_cast %broadcast_in_dim3A_154 : vector<16xf32> to vector<1x16xf32>
      tpu.vector_store %arg8[%swap3A_155, %swap3A_156], %swap3A_159 {strides = array<i32>} : memref<240x144xf32, #tpu.memory_space<vmem>>, vector<1x16xf32>,
      %broadcast_in_dim3A_160 = arith.constant 0.000000e+00 : f32
      %broadcast_in_dim3A_161 = vector.broadcast %broadcast_in_dim3A_160 : f32 to vector<16xf32>
      %swap3A_162 = arith.index_cast %scan3A_126 : i32 to index
      %swap3A_163 = arith.constant 80 : index
      %swap3A_164 = tpu.vector_load %arg8[%swap3A_162, %swap3A_163] {strides = array<i32>} : memref<240x144xf32, #tpu.memory_space<vmem>>, vector<1x16xf32>,
      %swap3A_165 = vector.shape_cast %swap3A_164 : vector<1x16xf32> to vector<16xf32>
      %swap3A_166 = vector.shape_cast %broadcast_in_dim3A_161 : vector<16xf32> to vector<1x16xf32>
      tpu.vector_store %arg8[%swap3A_162, %swap3A_163], %swap3A_166 {strides = array<i32>} : memref<240x144xf32, #tpu.memory_space<vmem>>, vector<1x16xf32>,
      %broadcast_in_dim3A_167 = arith.constant 0.000000e+00 : f32
      %broadcast_in_dim3A_168 = vector.broadcast %broadcast_in_dim3A_167 : f32 to vector<16xf32>
      %swap3A_169 = arith.index_cast %scan3A_126 : i32 to index
      %swap3A_170 = arith.constant 96 : index
      %swap3A_171 = tpu.vector_load %arg8[%swap3A_169, %swap3A_170] {strides = array<i32>} : memref<240x144xf32, #tpu.memory_space<vmem>>, vector<1x16xf32>,
      %swap3A_172 = vector.shape_cast %swap3A_171 : vector<1x16xf32> to vector<16xf32>
      %swap3A_173 = vector.shape_cast %broadcast_in_dim3A_168 : vector<16xf32> to vector<1x16xf32>
      tpu.vector_store %arg8[%swap3A_169, %swap3A_170], %swap3A_173 {strides = array<i32>} : memref<240x144xf32, #tpu.memory_space<vmem>>, vector<1x16xf32>,
      %broadcast_in_dim3A_174 = arith.constant 0.000000e+00 : f32
      %broadcast_in_dim3A_175 = vector.broadcast %broadcast_in_dim3A_174 : f32 to vector<16xf32>
      %swap3A_176 = arith.index_cast %scan3A_126 : i32 to index
      %swap3A_177 = arith.constant 112 : index
      %swap3A_178 = tpu.vector_load %arg8[%swap3A_176, %swap3A_177] {strides = array<i32>} : memref<240x144xf32, #tpu.memory_space<vmem>>, vector<1x16xf32>,
      %swap3A_179 = vector.shape_cast %swap3A_178 : vector<1x16xf32> to vector<16xf32>
      %swap3A_180 = vector.shape_cast %broadcast_in_dim3A_175 : vector<16xf32> to vector<1x16xf32>
      tpu.vector_store %arg8[%swap3A_176, %swap3A_177], %swap3A_180 {strides = array<i32>} : memref<240x144xf32, #tpu.memory_space<vmem>>, vector<1x16xf32>,
      %broadcast_in_dim3A_181 = arith.constant 0.000000e+00 : f32
      %broadcast_in_dim3A_182 = vector.broadcast %broadcast_in_dim3A_181 : f32 to vector<16xf32>
      %swap3A_183 = arith.index_cast %scan3A_126 : i32 to index
      %swap3A_184 = arith.constant 128 : index
      %swap3A_185 = tpu.vector_load %arg8[%swap3A_183, %swap3A_184] {strides = array<i32>} : memref<240x144xf32, #tpu.memory_space<vmem>>, vector<1x16xf32>,
      %swap3A_186 = vector.shape_cast %swap3A_185 : vector<1x16xf32> to vector<16xf32>
      %swap3A_187 = vector.shape_cast %broadcast_in_dim3A_182 : vector<16xf32> to vector<1x16xf32>
      tpu.vector_store %arg8[%swap3A_183, %swap3A_184], %swap3A_187 {strides = array<i32>} : memref<240x144xf32, #tpu.memory_space<vmem>>, vector<1x16xf32>,
    }
    %scan3A_6 = arith.constant 80 : i32
    %mul3A = arith.constant 632 : i32
    %mul3A_7 = arith.muli %arg1, %mul3A : i32
    %scan3A_8 = arith.constant 0 : i32
    %scan3A_9 = arith.constant 0 : i32
    %scan3A_10 = arith.constant 7 : i32
    %scan3A_11 = arith.addi %scan3A_9, %scan3A_10 : i32
    %scan3A_12 = arith.constant 1 : i32
    scf.for %scan3A_126 = %scan3A_9 to %scan3A_11 step %scan3A_12  : i32 {
      %mul3A_127 = arith.constant 80 : i32
      %mul3A_128 = arith.muli %scan3A_126, %mul3A_127 : i32
      %add3A_129 = arith.addi %mul3A_7, %mul3A_128 : i32
      "tpu.region"() ({
        %run_scoped3A = tpu.sem_alloc : memref<!tpu.dma_semaphore, #tpu.memory_space<semaphore_mem>>
        %dma_start3A_130 = arith.constant 0 : i32
        %dma_start3A_131 = arith.constant 0 : i32
        %dma_start3A_132 = tpu.memref_slice %arg8[%dma_start3A_130, %dma_start3A_131] : memref<240x144xf32, #tpu.memory_space<vmem>> -> memref<80x144xf32, #tpu.memory_space<vmem>>
        %dma_start3A_133 = arith.constant 0 : i32
        %dma_start3A_134 = tpu.memref_slice %arg9[%add3A_129, %dma_start3A_133] : memref<10112x144xf32, #tpu.memory_space<vmem_shared>> -> memref<80x144xf32, #tpu.memory_space<vmem_shared>>
        %dma_start3A_135 = arith.constant 0 : i32
        %dma_start3A_136 = tpu.memref_slice %arg9[%add3A_129, %dma_start3A_135] : memref<10112x144xf32, #tpu.memory_space<vmem_shared>> -> memref<80x144xf32, #tpu.memory_space<vmem_shared>>
        %dma_start3A_137 = arith.constant 0 : i32
        %dma_start3A_138 = arith.constant 0 : i32
        %dma_start3A_139 = tpu.memref_slice %arg8[%dma_start3A_137, %dma_start3A_138] : memref<240x144xf32, #tpu.memory_space<vmem>> -> memref<80x144xf32, #tpu.memory_space<vmem>>
        tpu.enqueue_dma source(%dma_start3A_139 : memref<80x144xf32, #tpu.memory_space<vmem>>) target(%dma_start3A_136 : memref<80x144xf32, #tpu.memory_space<vmem_shared>>) target_semaphore(%run_scoped3A : memref<!tpu.dma_semaphore, #tpu.memory_space<semaphore_mem>>)
        %dma_wait3A_140 = arith.constant 0 : i32
        %dma_wait3A_141 = arith.constant 0 : i32
        %dma_wait3A_142 = tpu.memref_slice %arg8[%dma_wait3A_140, %dma_wait3A_141] : memref<240x144xf32, #tpu.memory_space<vmem>> -> memref<80x144xf32, #tpu.memory_space<vmem>>
        %dma_wait3A_143 = arith.constant 0 : i32
        %dma_wait3A_144 = tpu.memref_slice %arg9[%add3A_129, %dma_wait3A_143] : memref<10112x144xf32, #tpu.memory_space<vmem_shared>> -> memref<80x144xf32, #tpu.memory_space<vmem_shared>>
        %dma_wait3A_145 = arith.constant 0 : i32
        %dma_wait3A_146 = tpu.memref_slice %arg9[%add3A_129, %dma_wait3A_145] : memref<10112x144xf32, #tpu.memory_space<vmem_shared>> -> memref<80x144xf32, #tpu.memory_space<vmem_shared>>
        %dma_wait3A_147 = arith.constant 0 : i32
        %dma_wait3A_148 = arith.constant 0 : i32
        %dma_wait3A_149 = tpu.memref_slice %arg8[%dma_wait3A_147, %dma_wait3A_148] : memref<240x144xf32, #tpu.memory_space<vmem>> -> memref<80x144xf32, #tpu.memory_space<vmem>>
        tpu.wait_dma2 semaphore(%run_scoped3A : memref<!tpu.dma_semaphore, #tpu.memory_space<semaphore_mem>>) src(%dma_wait3A_149 : memref<80x144xf32, #tpu.memory_space<vmem>>) dst(%dma_wait3A_146 : memref<80x144xf32, #tpu.memory_space<vmem_shared>>)
        tpu.yield
      }) : () -> ()
    }
    %scan3A_13 = arith.constant 7 : i32
    %add3A = arith.constant 560 : i32
    %add3A_14 = arith.addi %mul3A_7, %add3A : i32
    "tpu.region"() ({
      %run_scoped3A = tpu.sem_alloc : memref<!tpu.dma_semaphore, #tpu.memory_space<semaphore_mem>>
      %dma_start3A_126 = arith.constant 0 : i32
      %dma_start3A_127 = arith.constant 0 : i32
      %dma_start3A_128 = tpu.memref_slice %arg8[%dma_start3A_126, %dma_start3A_127] : memref<240x144xf32, #tpu.memory_space<vmem>> -> memref<72x144xf32, #tpu.memory_space<vmem>>
      %dma_start3A_129 = arith.constant 0 : i32
      %dma_start3A_130 = tpu.memref_slice %arg9[%add3A_14, %dma_start3A_129] : memref<10112x144xf32, #tpu.memory_space<vmem_shared>> -> memref<72x144xf32, #tpu.memory_space<vmem_shared>>
      %dma_start3A_131 = arith.constant 0 : i32
      %dma_start3A_132 = tpu.memref_slice %arg9[%add3A_14, %dma_start3A_131] : memref<10112x144xf32, #tpu.memory_space<vmem_shared>> -> memref<72x144xf32, #tpu.memory_space<vmem_shared>>
      %dma_start3A_133 = arith.constant 0 : i32
      %dma_start3A_134 = arith.constant 0 : i32
      %dma_start3A_135 = tpu.memref_slice %arg8[%dma_start3A_133, %dma_start3A_134] : memref<240x144xf32, #tpu.memory_space<vmem>> -> memref<72x144xf32, #tpu.memory_space<vmem>>
      tpu.enqueue_dma source(%dma_start3A_135 : memref<72x144xf32, #tpu.memory_space<vmem>>) target(%dma_start3A_132 : memref<72x144xf32, #tpu.memory_space<vmem_shared>>) target_semaphore(%run_scoped3A : memref<!tpu.dma_semaphore, #tpu.memory_space<semaphore_mem>>)
      %dma_wait3A_136 = arith.constant 0 : i32
      %dma_wait3A_137 = arith.constant 0 : i32
      %dma_wait3A_138 = tpu.memref_slice %arg8[%dma_wait3A_136, %dma_wait3A_137] : memref<240x144xf32, #tpu.memory_space<vmem>> -> memref<72x144xf32, #tpu.memory_space<vmem>>
      %dma_wait3A_139 = arith.constant 0 : i32
      %dma_wait3A_140 = tpu.memref_slice %arg9[%add3A_14, %dma_wait3A_139] : memref<10112x144xf32, #tpu.memory_space<vmem_shared>> -> memref<72x144xf32, #tpu.memory_space<vmem_shared>>
      %dma_wait3A_141 = arith.constant 0 : i32
      %dma_wait3A_142 = tpu.memref_slice %arg9[%add3A_14, %dma_wait3A_141] : memref<10112x144xf32, #tpu.memory_space<vmem_shared>> -> memref<72x144xf32, #tpu.memory_space<vmem_shared>>
      %dma_wait3A_143 = arith.constant 0 : i32
      %dma_wait3A_144 = arith.constant 0 : i32
      %dma_wait3A_145 = tpu.memref_slice %arg8[%dma_wait3A_143, %dma_wait3A_144] : memref<240x144xf32, #tpu.memory_space<vmem>> -> memref<72x144xf32, #tpu.memory_space<vmem>>
      tpu.wait_dma2 semaphore(%run_scoped3A : memref<!tpu.dma_semaphore, #tpu.memory_space<semaphore_mem>>) src(%dma_wait3A_145 : memref<72x144xf32, #tpu.memory_space<vmem>>) dst(%dma_wait3A_142 : memref<72x144xf32, #tpu.memory_space<vmem_shared>>)
      tpu.yield
    }) : () -> ()
    %eq3A_15 = arith.constant 0 : i32
    %eq3A_16 = arith.cmpi eq, %arg0, %eq3A_15 : i32
    %mul3A_17 = arith.constant 130 : i32
    %mul3A_18 = arith.muli %arg1, %mul3A_17 : i32
    %mul3A_19 = arith.constant 120 : i32
    %mul3A_20 = arith.muli %arg1, %mul3A_19 : i32
    %add3A_21 = arith.constant 2080 : i32
    %add3A_22 = arith.addi %add3A_21, %mul3A_20 : i32
    %select_n3A_23 = arith.select %eq3A_16, %mul3A_18, %add3A_22 : i32
    %rem3A = arith.constant 0 : i32
    %rem3A_24 = arith.constant 4 : i32
    %rem3A_25 = arith.remsi %rem3A, %rem3A_24 : i32
    %add3A_26 = arith.constant 0 : i32
    %add3A_27 = arith.addi %select_n3A_23, %add3A_26 : i32
    "tpu.region"() ({
      %run_scoped3A = tpu.sem_alloc : memref<!tpu.dma_semaphore, #tpu.memory_space<semaphore_mem>>
      %dma_start3A_126 = arith.constant 0 : i32
      %dma_start3A_127 = tpu.memref_slice %arg6[%rem3A_25, %dma_start3A_126] : memref<4x80xi32, #tpu.memory_space<vmem>> -> memref<1x80xi32, #tpu.memory_space<vmem>>
      %dma_start3A_128 = tpu.memref_squeeze %dma_start3A_127 : memref<1x80xi32, #tpu.memory_space<vmem>> -> memref<80xi32, #tpu.memory_space<vmem>>
      %dma_start3A_129 = arith.constant 0 : i32
      %dma_start3A_130 = tpu.memref_slice %arg3[%add3A_27, %dma_start3A_129] : memref<4000x80xi32, #tpu.memory_space<hbm>> -> memref<1x80xi32, #tpu.memory_space<hbm>>
      %dma_start3A_131 = tpu.memref_squeeze %dma_start3A_130 : memref<1x80xi32, #tpu.memory_space<hbm>> -> memref<80xi32, #tpu.memory_space<hbm>>
      %dma_start3A_132 = arith.constant 0 : i32
      %dma_start3A_133 = tpu.memref_slice %arg6[%rem3A_25, %dma_start3A_132] : memref<4x80xi32, #tpu.memory_space<vmem>> -> memref<1x80xi32, #tpu.memory_space<vmem>>
      %dma_start3A_134 = tpu.memref_squeeze %dma_start3A_133 : memref<1x80xi32, #tpu.memory_space<vmem>> -> memref<80xi32, #tpu.memory_space<vmem>>
      %dma_start3A_135 = arith.constant 0 : i32
      %dma_start3A_136 = tpu.memref_slice %arg3[%add3A_27, %dma_start3A_135] : memref<4000x80xi32, #tpu.memory_space<hbm>> -> memref<1x80xi32, #tpu.memory_space<hbm>>
      %dma_start3A_137 = tpu.memref_squeeze %dma_start3A_136 : memref<1x80xi32, #tpu.memory_space<hbm>> -> memref<80xi32, #tpu.memory_space<hbm>>
      tpu.enqueue_dma source(%dma_start3A_137 : memref<80xi32, #tpu.memory_space<hbm>>) target(%dma_start3A_134 : memref<80xi32, #tpu.memory_space<vmem>>) target_semaphore(%run_scoped3A : memref<!tpu.dma_semaphore, #tpu.memory_space<semaphore_mem>>)
      %dma_wait3A_138 = arith.constant 0 : i32
      %dma_wait3A_139 = tpu.memref_slice %arg6[%rem3A_25, %dma_wait3A_138] : memref<4x80xi32, #tpu.memory_space<vmem>> -> memref<1x80xi32, #tpu.memory_space<vmem>>
      %dma_wait3A_140 = tpu.memref_squeeze %dma_wait3A_139 : memref<1x80xi32, #tpu.memory_space<vmem>> -> memref<80xi32, #tpu.memory_space<vmem>>
      %dma_wait3A_141 = arith.constant 0 : i32
      %dma_wait3A_142 = tpu.memref_slice %arg3[%add3A_27, %dma_wait3A_141] : memref<4000x80xi32, #tpu.memory_space<hbm>> -> memref<1x80xi32, #tpu.memory_space<hbm>>
      %dma_wait3A_143 = tpu.memref_squeeze %dma_wait3A_142 : memref<1x80xi32, #tpu.memory_space<hbm>> -> memref<80xi32, #tpu.memory_space<hbm>>
      %dma_wait3A_144 = arith.constant 0 : i32
      %dma_wait3A_145 = tpu.memref_slice %arg6[%rem3A_25, %dma_wait3A_144] : memref<4x80xi32, #tpu.memory_space<vmem>> -> memref<1x80xi32, #tpu.memory_space<vmem>>
      %dma_wait3A_146 = tpu.memref_squeeze %dma_wait3A_145 : memref<1x80xi32, #tpu.memory_space<vmem>> -> memref<80xi32, #tpu.memory_space<vmem>>
      %dma_wait3A_147 = arith.constant 0 : i32
      %dma_wait3A_148 = tpu.memref_slice %arg3[%add3A_27, %dma_wait3A_147] : memref<4000x80xi32, #tpu.memory_space<hbm>> -> memref<1x80xi32, #tpu.memory_space<hbm>>
      %dma_wait3A_149 = tpu.memref_squeeze %dma_wait3A_148 : memref<1x80xi32, #tpu.memory_space<hbm>> -> memref<80xi32, #tpu.memory_space<hbm>>
      tpu.wait_dma2 semaphore(%run_scoped3A : memref<!tpu.dma_semaphore, #tpu.memory_space<semaphore_mem>>) src(%dma_wait3A_149 : memref<80xi32, #tpu.memory_space<hbm>>) dst(%dma_wait3A_146 : memref<80xi32, #tpu.memory_space<vmem>>)
      tpu.yield
    }) : () -> ()
    %add3A_28 = arith.constant 0 : i32
    %add3A_29 = arith.addi %select_n3A_23, %add3A_28 : i32
    "tpu.region"() ({
      %run_scoped3A = tpu.sem_alloc : memref<!tpu.dma_semaphore, #tpu.memory_space<semaphore_mem>>
      %dma_start3A_126 = arith.constant 0 : i32
      %dma_start3A_127 = tpu.memref_slice %arg7[%rem3A_25, %dma_start3A_126] : memref<4x80xi32, #tpu.memory_space<vmem>> -> memref<1x80xi32, #tpu.memory_space<vmem>>
      %dma_start3A_128 = tpu.memref_squeeze %dma_start3A_127 : memref<1x80xi32, #tpu.memory_space<vmem>> -> memref<80xi32, #tpu.memory_space<vmem>>
      %dma_start3A_129 = arith.constant 0 : i32
      %dma_start3A_130 = tpu.memref_slice %arg4[%add3A_29, %dma_start3A_129] : memref<4000x80xi32, #tpu.memory_space<hbm>> -> memref<1x80xi32, #tpu.memory_space<hbm>>
      %dma_start3A_131 = tpu.memref_squeeze %dma_start3A_130 : memref<1x80xi32, #tpu.memory_space<hbm>> -> memref<80xi32, #tpu.memory_space<hbm>>
      %dma_start3A_132 = arith.constant 0 : i32
      %dma_start3A_133 = tpu.memref_slice %arg7[%rem3A_25, %dma_start3A_132] : memref<4x80xi32, #tpu.memory_space<vmem>> -> memref<1x80xi32, #tpu.memory_space<vmem>>
      %dma_start3A_134 = tpu.memref_squeeze %dma_start3A_133 : memref<1x80xi32, #tpu.memory_space<vmem>> -> memref<80xi32, #tpu.memory_space<vmem>>
      %dma_start3A_135 = arith.constant 0 : i32
      %dma_start3A_136 = tpu.memref_slice %arg4[%add3A_29, %dma_start3A_135] : memref<4000x80xi32, #tpu.memory_space<hbm>> -> memref<1x80xi32, #tpu.memory_space<hbm>>
      %dma_start3A_137 = tpu.memref_squeeze %dma_start3A_136 : memref<1x80xi32, #tpu.memory_space<hbm>> -> memref<80xi32, #tpu.memory_space<hbm>>
      tpu.enqueue_dma source(%dma_start3A_137 : memref<80xi32, #tpu.memory_space<hbm>>) target(%dma_start3A_134 : memref<80xi32, #tpu.memory_space<vmem>>) target_semaphore(%run_scoped3A : memref<!tpu.dma_semaphore, #tpu.memory_space<semaphore_mem>>)
      %dma_wait3A_138 = arith.constant 0 : i32
      %dma_wait3A_139 = tpu.memref_slice %arg7[%rem3A_25, %dma_wait3A_138] : memref<4x80xi32, #tpu.memory_space<vmem>> -> memref<1x80xi32, #tpu.memory_space<vmem>>
      %dma_wait3A_140 = tpu.memref_squeeze %dma_wait3A_139 : memref<1x80xi32, #tpu.memory_space<vmem>> -> memref<80xi32, #tpu.memory_space<vmem>>
      %dma_wait3A_141 = arith.constant 0 : i32
      %dma_wait3A_142 = tpu.memref_slice %arg4[%add3A_29, %dma_wait3A_141] : memref<4000x80xi32, #tpu.memory_space<hbm>> -> memref<1x80xi32, #tpu.memory_space<hbm>>
      %dma_wait3A_143 = tpu.memref_squeeze %dma_wait3A_142 : memref<1x80xi32, #tpu.memory_space<hbm>> -> memref<80xi32, #tpu.memory_space<hbm>>
      %dma_wait3A_144 = arith.constant 0 : i32
      %dma_wait3A_145 = tpu.memref_slice %arg7[%rem3A_25, %dma_wait3A_144] : memref<4x80xi32, #tpu.memory_space<vmem>> -> memref<1x80xi32, #tpu.memory_space<vmem>>
      %dma_wait3A_146 = tpu.memref_squeeze %dma_wait3A_145 : memref<1x80xi32, #tpu.memory_space<vmem>> -> memref<80xi32, #tpu.memory_space<vmem>>
      %dma_wait3A_147 = arith.constant 0 : i32
      %dma_wait3A_148 = tpu.memref_slice %arg4[%add3A_29, %dma_wait3A_147] : memref<4000x80xi32, #tpu.memory_space<hbm>> -> memref<1x80xi32, #tpu.memory_space<hbm>>
      %dma_wait3A_149 = tpu.memref_squeeze %dma_wait3A_148 : memref<1x80xi32, #tpu.memory_space<hbm>> -> memref<80xi32, #tpu.memory_space<hbm>>
      tpu.wait_dma2 semaphore(%run_scoped3A : memref<!tpu.dma_semaphore, #tpu.memory_space<semaphore_mem>>) src(%dma_wait3A_149 : memref<80xi32, #tpu.memory_space<hbm>>) dst(%dma_wait3A_146 : memref<80xi32, #tpu.memory_space<vmem>>)
      tpu.yield
    }) : () -> ()
    %rem3A_30 = arith.constant 1 : i32
    %rem3A_31 = arith.constant 4 : i32
    %rem3A_32 = arith.remsi %rem3A_30, %rem3A_31 : i32
    %add3A_33 = arith.constant 1 : i32
    %add3A_34 = arith.addi %select_n3A_23, %add3A_33 : i32
    "tpu.region"() ({
      %run_scoped3A = tpu.sem_alloc : memref<!tpu.dma_semaphore, #tpu.memory_space<semaphore_mem>>
      %dma_start3A_126 = arith.constant 0 : i32
      %dma_start3A_127 = tpu.memref_slice %arg6[%rem3A_32, %dma_start3A_126] : memref<4x80xi32, #tpu.memory_space<vmem>> -> memref<1x80xi32, #tpu.memory_space<vmem>>
      %dma_start3A_128 = tpu.memref_squeeze %dma_start3A_127 : memref<1x80xi32, #tpu.memory_space<vmem>> -> memref<80xi32, #tpu.memory_space<vmem>>
      %dma_start3A_129 = arith.constant 0 : i32
      %dma_start3A_130 = tpu.memref_slice %arg3[%add3A_34, %dma_start3A_129] : memref<4000x80xi32, #tpu.memory_space<hbm>> -> memref<1x80xi32, #tpu.memory_space<hbm>>
      %dma_start3A_131 = tpu.memref_squeeze %dma_start3A_130 : memref<1x80xi32, #tpu.memory_space<hbm>> -> memref<80xi32, #tpu.memory_space<hbm>>
      %dma_start3A_132 = arith.constant 0 : i32
      %dma_start3A_133 = tpu.memref_slice %arg6[%rem3A_32, %dma_start3A_132] : memref<4x80xi32, #tpu.memory_space<vmem>> -> memref<1x80xi32, #tpu.memory_space<vmem>>
      %dma_start3A_134 = tpu.memref_squeeze %dma_start3A_133 : memref<1x80xi32, #tpu.memory_space<vmem>> -> memref<80xi32, #tpu.memory_space<vmem>>
      %dma_start3A_135 = arith.constant 0 : i32
      %dma_start3A_136 = tpu.memref_slice %arg3[%add3A_34, %dma_start3A_135] : memref<4000x80xi32, #tpu.memory_space<hbm>> -> memref<1x80xi32, #tpu.memory_space<hbm>>
      %dma_start3A_137 = tpu.memref_squeeze %dma_start3A_136 : memref<1x80xi32, #tpu.memory_space<hbm>> -> memref<80xi32, #tpu.memory_space<hbm>>
      tpu.enqueue_dma source(%dma_start3A_137 : memref<80xi32, #tpu.memory_space<hbm>>) target(%dma_start3A_134 : memref<80xi32, #tpu.memory_space<vmem>>) target_semaphore(%run_scoped3A : memref<!tpu.dma_semaphore, #tpu.memory_space<semaphore_mem>>)
      %dma_wait3A_138 = arith.constant 0 : i32
      %dma_wait3A_139 = tpu.memref_slice %arg6[%rem3A_32, %dma_wait3A_138] : memref<4x80xi32, #tpu.memory_space<vmem>> -> memref<1x80xi32, #tpu.memory_space<vmem>>
      %dma_wait3A_140 = tpu.memref_squeeze %dma_wait3A_139 : memref<1x80xi32, #tpu.memory_space<vmem>> -> memref<80xi32, #tpu.memory_space<vmem>>
      %dma_wait3A_141 = arith.constant 0 : i32
      %dma_wait3A_142 = tpu.memref_slice %arg3[%add3A_34, %dma_wait3A_141] : memref<4000x80xi32, #tpu.memory_space<hbm>> -> memref<1x80xi32, #tpu.memory_space<hbm>>
      %dma_wait3A_143 = tpu.memref_squeeze %dma_wait3A_142 : memref<1x80xi32, #tpu.memory_space<hbm>> -> memref<80xi32, #tpu.memory_space<hbm>>
      %dma_wait3A_144 = arith.constant 0 : i32
      %dma_wait3A_145 = tpu.memref_slice %arg6[%rem3A_32, %dma_wait3A_144] : memref<4x80xi32, #tpu.memory_space<vmem>> -> memref<1x80xi32, #tpu.memory_space<vmem>>
      %dma_wait3A_146 = tpu.memref_squeeze %dma_wait3A_145 : memref<1x80xi32, #tpu.memory_space<vmem>> -> memref<80xi32, #tpu.memory_space<vmem>>
      %dma_wait3A_147 = arith.constant 0 : i32
      %dma_wait3A_148 = tpu.memref_slice %arg3[%add3A_34, %dma_wait3A_147] : memref<4000x80xi32, #tpu.memory_space<hbm>> -> memref<1x80xi32, #tpu.memory_space<hbm>>
      %dma_wait3A_149 = tpu.memref_squeeze %dma_wait3A_148 : memref<1x80xi32, #tpu.memory_space<hbm>> -> memref<80xi32, #tpu.memory_space<hbm>>
      tpu.wait_dma2 semaphore(%run_scoped3A : memref<!tpu.dma_semaphore, #tpu.memory_space<semaphore_mem>>) src(%dma_wait3A_149 : memref<80xi32, #tpu.memory_space<hbm>>) dst(%dma_wait3A_146 : memref<80xi32, #tpu.memory_space<vmem>>)
      tpu.yield
    }) : () -> ()
    %add3A_35 = arith.constant 1 : i32
    %add3A_36 = arith.addi %select_n3A_23, %add3A_35 : i32
    "tpu.region"() ({
      %run_scoped3A = tpu.sem_alloc : memref<!tpu.dma_semaphore, #tpu.memory_space<semaphore_mem>>
      %dma_start3A_126 = arith.constant 0 : i32
      %dma_start3A_127 = tpu.memref_slice %arg7[%rem3A_32, %dma_start3A_126] : memref<4x80xi32, #tpu.memory_space<vmem>> -> memref<1x80xi32, #tpu.memory_space<vmem>>
      %dma_start3A_128 = tpu.memref_squeeze %dma_start3A_127 : memref<1x80xi32, #tpu.memory_space<vmem>> -> memref<80xi32, #tpu.memory_space<vmem>>
      %dma_start3A_129 = arith.constant 0 : i32
      %dma_start3A_130 = tpu.memref_slice %arg4[%add3A_36, %dma_start3A_129] : memref<4000x80xi32, #tpu.memory_space<hbm>> -> memref<1x80xi32, #tpu.memory_space<hbm>>
      %dma_start3A_131 = tpu.memref_squeeze %dma_start3A_130 : memref<1x80xi32, #tpu.memory_space<hbm>> -> memref<80xi32, #tpu.memory_space<hbm>>
      %dma_start3A_132 = arith.constant 0 : i32
      %dma_start3A_133 = tpu.memref_slice %arg7[%rem3A_32, %dma_start3A_132] : memref<4x80xi32, #tpu.memory_space<vmem>> -> memref<1x80xi32, #tpu.memory_space<vmem>>
      %dma_start3A_134 = tpu.memref_squeeze %dma_start3A_133 : memref<1x80xi32, #tpu.memory_space<vmem>> -> memref<80xi32, #tpu.memory_space<vmem>>
      %dma_start3A_135 = arith.constant 0 : i32
      %dma_start3A_136 = tpu.memref_slice %arg4[%add3A_36, %dma_start3A_135] : memref<4000x80xi32, #tpu.memory_space<hbm>> -> memref<1x80xi32, #tpu.memory_space<hbm>>
      %dma_start3A_137 = tpu.memref_squeeze %dma_start3A_136 : memref<1x80xi32, #tpu.memory_space<hbm>> -> memref<80xi32, #tpu.memory_space<hbm>>
      tpu.enqueue_dma source(%dma_start3A_137 : memref<80xi32, #tpu.memory_space<hbm>>) target(%dma_start3A_134 : memref<80xi32, #tpu.memory_space<vmem>>) target_semaphore(%run_scoped3A : memref<!tpu.dma_semaphore, #tpu.memory_space<semaphore_mem>>)
      %dma_wait3A_138 = arith.constant 0 : i32
      %dma_wait3A_139 = tpu.memref_slice %arg7[%rem3A_32, %dma_wait3A_138] : memref<4x80xi32, #tpu.memory_space<vmem>> -> memref<1x80xi32, #tpu.memory_space<vmem>>
      %dma_wait3A_140 = tpu.memref_squeeze %dma_wait3A_139 : memref<1x80xi32, #tpu.memory_space<vmem>> -> memref<80xi32, #tpu.memory_space<vmem>>
      %dma_wait3A_141 = arith.constant 0 : i32
      %dma_wait3A_142 = tpu.memref_slice %arg4[%add3A_36, %dma_wait3A_141] : memref<4000x80xi32, #tpu.memory_space<hbm>> -> memref<1x80xi32, #tpu.memory_space<hbm>>
      %dma_wait3A_143 = tpu.memref_squeeze %dma_wait3A_142 : memref<1x80xi32, #tpu.memory_space<hbm>> -> memref<80xi32, #tpu.memory_space<hbm>>
      %dma_wait3A_144 = arith.constant 0 : i32
      %dma_wait3A_145 = tpu.memref_slice %arg7[%rem3A_32, %dma_wait3A_144] : memref<4x80xi32, #tpu.memory_space<vmem>> -> memref<1x80xi32, #tpu.memory_space<vmem>>
      %dma_wait3A_146 = tpu.memref_squeeze %dma_wait3A_145 : memref<1x80xi32, #tpu.memory_space<vmem>> -> memref<80xi32, #tpu.memory_space<vmem>>
      %dma_wait3A_147 = arith.constant 0 : i32
      %dma_wait3A_148 = tpu.memref_slice %arg4[%add3A_36, %dma_wait3A_147] : memref<4000x80xi32, #tpu.memory_space<hbm>> -> memref<1x80xi32, #tpu.memory_space<hbm>>
      %dma_wait3A_149 = tpu.memref_squeeze %dma_wait3A_148 : memref<1x80xi32, #tpu.memory_space<hbm>> -> memref<80xi32, #tpu.memory_space<hbm>>
      tpu.wait_dma2 semaphore(%run_scoped3A : memref<!tpu.dma_semaphore, #tpu.memory_space<semaphore_mem>>) src(%dma_wait3A_149 : memref<80xi32, #tpu.memory_space<hbm>>) dst(%dma_wait3A_146 : memref<80xi32, #tpu.memory_space<vmem>>)
      tpu.yield
    }) : () -> ()
    %rem3A_37 = arith.constant 2 : i32
    %rem3A_38 = arith.constant 4 : i32
    %rem3A_39 = arith.remsi %rem3A_37, %rem3A_38 : i32
    %add3A_40 = arith.constant 2 : i32
    %add3A_41 = arith.addi %select_n3A_23, %add3A_40 : i32
    %dma_start3A = arith.constant 0 : i32
    %dma_start3A_42 = tpu.memref_slice %arg6[%rem3A_39, %dma_start3A] : memref<4x80xi32, #tpu.memory_space<vmem>> -> memref<1x80xi32, #tpu.memory_space<vmem>>
    %dma_start3A_43 = tpu.memref_squeeze %dma_start3A_42 : memref<1x80xi32, #tpu.memory_space<vmem>> -> memref<80xi32, #tpu.memory_space<vmem>>
    %dma_start3A_44 = arith.constant 0 : i32
    %dma_start3A_45 = tpu.memref_slice %arg3[%add3A_41, %dma_start3A_44] : memref<4000x80xi32, #tpu.memory_space<hbm>> -> memref<1x80xi32, #tpu.memory_space<hbm>>
    %dma_start3A_46 = tpu.memref_squeeze %dma_start3A_45 : memref<1x80xi32, #tpu.memory_space<hbm>> -> memref<80xi32, #tpu.memory_space<hbm>>
    %dma_start3A_47 = arith.constant 0 : i32
    %dma_start3A_48 = tpu.memref_slice %arg6[%rem3A_39, %dma_start3A_47] : memref<4x80xi32, #tpu.memory_space<vmem>> -> memref<1x80xi32, #tpu.memory_space<vmem>>
    %dma_start3A_49 = tpu.memref_squeeze %dma_start3A_48 : memref<1x80xi32, #tpu.memory_space<vmem>> -> memref<80xi32, #tpu.memory_space<vmem>>
    %dma_start3A_50 = arith.constant 0 : i32
    %dma_start3A_51 = tpu.memref_slice %arg3[%add3A_41, %dma_start3A_50] : memref<4000x80xi32, #tpu.memory_space<hbm>> -> memref<1x80xi32, #tpu.memory_space<hbm>>
    %dma_start3A_52 = tpu.memref_squeeze %dma_start3A_51 : memref<1x80xi32, #tpu.memory_space<hbm>> -> memref<80xi32, #tpu.memory_space<hbm>>
    tpu.enqueue_dma source(%dma_start3A_52 : memref<80xi32, #tpu.memory_space<hbm>>) target(%dma_start3A_49 : memref<80xi32, #tpu.memory_space<vmem>>) target_semaphore(%arg10 : memref<!tpu.dma_semaphore, #tpu.memory_space<semaphore_mem>>)
    %add3A_53 = arith.constant 2 : i32
    %add3A_54 = arith.addi %select_n3A_23, %add3A_53 : i32
    %dma_start3A_55 = arith.constant 0 : i32
    %dma_start3A_56 = tpu.memref_slice %arg7[%rem3A_39, %dma_start3A_55] : memref<4x80xi32, #tpu.memory_space<vmem>> -> memref<1x80xi32, #tpu.memory_space<vmem>>
    %dma_start3A_57 = tpu.memref_squeeze %dma_start3A_56 : memref<1x80xi32, #tpu.memory_space<vmem>> -> memref<80xi32, #tpu.memory_space<vmem>>
    %dma_start3A_58 = arith.constant 0 : i32
    %dma_start3A_59 = tpu.memref_slice %arg4[%add3A_54, %dma_start3A_58] : memref<4000x80xi32, #tpu.memory_space<hbm>> -> memref<1x80xi32, #tpu.memory_space<hbm>>
    %dma_start3A_60 = tpu.memref_squeeze %dma_start3A_59 : memref<1x80xi32, #tpu.memory_space<hbm>> -> memref<80xi32, #tpu.memory_space<hbm>>
    %dma_start3A_61 = arith.constant 0 : i32
    %dma_start3A_62 = tpu.memref_slice %arg7[%rem3A_39, %dma_start3A_61] : memref<4x80xi32, #tpu.memory_space<vmem>> -> memref<1x80xi32, #tpu.memory_space<vmem>>
    %dma_start3A_63 = tpu.memref_squeeze %dma_start3A_62 : memref<1x80xi32, #tpu.memory_space<vmem>> -> memref<80xi32, #tpu.memory_space<vmem>>
    %dma_start3A_64 = arith.constant 0 : i32
    %dma_start3A_65 = tpu.memref_slice %arg4[%add3A_54, %dma_start3A_64] : memref<4000x80xi32, #tpu.memory_space<hbm>> -> memref<1x80xi32, #tpu.memory_space<hbm>>
    %dma_start3A_66 = tpu.memref_squeeze %dma_start3A_65 : memref<1x80xi32, #tpu.memory_space<hbm>> -> memref<80xi32, #tpu.memory_space<hbm>>
    tpu.enqueue_dma source(%dma_start3A_66 : memref<80xi32, #tpu.memory_space<hbm>>) target(%dma_start3A_63 : memref<80xi32, #tpu.memory_space<vmem>>) target_semaphore(%arg10 : memref<!tpu.dma_semaphore, #tpu.memory_space<semaphore_mem>>)
    %rem3A_67 = arith.constant 0 : i32
    %rem3A_68 = arith.constant 4 : i32
    %rem3A_69 = arith.remsi %rem3A_67, %rem3A_68 : i32
    %rem3A_70 = arith.constant 0 : i32
    %rem3A_71 = arith.constant 3 : i32
    %rem3A_72 = arith.remsi %rem3A_70, %rem3A_71 : i32
    %mul3A_73 = arith.constant 80 : i32
    %mul3A_74 = arith.muli %rem3A_72, %mul3A_73 : i32
    %dma_start3A_75 = arith.constant 0 : i32
    %dma_start3A_76 = tpu.memref_slice %arg8[%mul3A_74, %dma_start3A_75] : memref<240x144xf32, #tpu.memory_space<vmem>> -> memref<80x144xf32, #tpu.memory_space<vmem>>
    %dma_start3A_77 = arith.constant 0 : i32
    %dma_start3A_78 = tpu.memref_slice %arg6[%rem3A_69, %dma_start3A_77] : memref<4x80xi32, #tpu.memory_space<vmem>> -> memref<1x80xi32, #tpu.memory_space<vmem>>
    %dma_start3A_79 = tpu.memref_squeeze %dma_start3A_78 : memref<1x80xi32, #tpu.memory_space<vmem>> -> memref<80xi32, #tpu.memory_space<vmem>>
    %dma_start3A_80 = arith.constant 0 : i32
    %dma_start3A_81 = arith.constant 0 : i32
    %dma_start3A_82 = tpu.memref_slice %arg2[%dma_start3A_80, %dma_start3A_81] : memref<10008x144xf32, #tpu.memory_space<hbm>> -> memref<10008x144xf32, #tpu.memory_space<hbm>>
    tpu.enqueue_indirect_dma source(%dma_start3A_82 : memref<10008x144xf32, #tpu.memory_space<hbm>>) target(%dma_start3A_76 : memref<80x144xf32, #tpu.memory_space<vmem>>) offsets(%dma_start3A_79 : memref<80xi32, #tpu.memory_space<vmem>>) semaphore(%arg11 : memref<!tpu.dma_semaphore, #tpu.memory_space<semaphore_mem>>)
    %rem3A_83 = arith.constant 1 : i32
    %rem3A_84 = arith.constant 4 : i32
    %rem3A_85 = arith.remsi %rem3A_83, %rem3A_84 : i32
    %rem3A_86 = arith.constant 1 : i32
    %rem3A_87 = arith.constant 3 : i32
    %rem3A_88 = arith.remsi %rem3A_86, %rem3A_87 : i32
    %mul3A_89 = arith.constant 80 : i32
    %mul3A_90 = arith.muli %rem3A_88, %mul3A_89 : i32
    %dma_start3A_91 = arith.constant 0 : i32
    %dma_start3A_92 = tpu.memref_slice %arg8[%mul3A_90, %dma_start3A_91] : memref<240x144xf32, #tpu.memory_space<vmem>> -> memref<80x144xf32, #tpu.memory_space<vmem>>
    %dma_start3A_93 = arith.constant 0 : i32
    %dma_start3A_94 = tpu.memref_slice %arg6[%rem3A_85, %dma_start3A_93] : memref<4x80xi32, #tpu.memory_space<vmem>> -> memref<1x80xi32, #tpu.memory_space<vmem>>
    %dma_start3A_95 = tpu.memref_squeeze %dma_start3A_94 : memref<1x80xi32, #tpu.memory_space<vmem>> -> memref<80xi32, #tpu.memory_space<vmem>>
    %dma_start3A_96 = arith.constant 0 : i32
    %dma_start3A_97 = arith.constant 0 : i32
    %dma_start3A_98 = tpu.memref_slice %arg2[%dma_start3A_96, %dma_start3A_97] : memref<10008x144xf32, #tpu.memory_space<hbm>> -> memref<10008x144xf32, #tpu.memory_space<hbm>>
    tpu.enqueue_indirect_dma source(%dma_start3A_98 : memref<10008x144xf32, #tpu.memory_space<hbm>>) target(%dma_start3A_92 : memref<80x144xf32, #tpu.memory_space<vmem>>) offsets(%dma_start3A_95 : memref<80xi32, #tpu.memory_space<vmem>>) semaphore(%arg12 : memref<!tpu.dma_semaphore, #tpu.memory_space<semaphore_mem>>)
    %barrier3A = arith.constant 0 : index
    tpu.barrier barrier_id(%barrier3A)
    %while3A = arith.constant 0 : i32
    %while3A_99 = arith.constant 0 : i32
    %while3A_100 = arith.subi %select_n3A, %while3A_99 : i32
    %while3A_101 = arith.addi %while3A_99, %while3A_100 : i32
    %while3A_102 = arith.constant 1 : i32
    %while3A_103 = arith.divsi %while3A_100, %while3A_102 : i32
    %while3A_104 = arith.muli %while3A_103, %while3A_102 : i32
    %while3A_105 = arith.addi %while3A_99, %while3A_104 : i32
    %while3A_106 = arith.constant 1 : i32
    scf.for %while3A_126 = %while3A_99 to %while3A_105 step %while3A_106  : i32 {
      %ge3A = arith.constant 1 : i32
      %ge3A_127 = arith.cmpi sge, %while3A_126, %ge3A : i32
      %convert_element_type3A = arith.extui %ge3A_127 : i1 to i32
      %cond3A = arith.constant 0 : i32
      %cond3A_128 = arith.cmpi ne, %convert_element_type3A, %cond3A : i32
      scf.if %cond3A_128 {
        %sub3A_168 = arith.constant 1 : i32
        %sub3A_169 = arith.subi %while3A_126, %sub3A_168 : i32
        %rem3A_170 = arith.constant 3 : i32
        %rem3A_171 = arith.remsi %sub3A_169, %rem3A_170 : i32
        %mul3A_172 = arith.constant 80 : i32
        %mul3A_173 = arith.muli %rem3A_171, %mul3A_172 : i32
        %rem3A_174 = arith.constant 4 : i32
        %rem3A_175 = arith.remsi %sub3A_169, %rem3A_174 : i32
        %dma_wait3A_176 = arith.constant 0 : i32
        %dma_wait3A_177 = tpu.memref_slice %arg8[%mul3A_173, %dma_wait3A_176] : memref<240x144xf32, #tpu.memory_space<vmem>> -> memref<80x144xf32, #tpu.memory_space<vmem>>
        %dma_wait3A_178 = arith.constant 0 : i32
        %dma_wait3A_179 = tpu.memref_slice %arg7[%rem3A_175, %dma_wait3A_178] : memref<4x80xi32, #tpu.memory_space<vmem>> -> memref<1x80xi32, #tpu.memory_space<vmem>>
        %dma_wait3A_180 = tpu.memref_squeeze %dma_wait3A_179 : memref<1x80xi32, #tpu.memory_space<vmem>> -> memref<80xi32, #tpu.memory_space<vmem>>
        %dma_wait3A_181 = arith.constant 0 : i32
        %dma_wait3A_182 = arith.constant 0 : i32
        %dma_wait3A_183 = tpu.memref_slice %arg9[%dma_wait3A_181, %dma_wait3A_182] : memref<10112x144xf32, #tpu.memory_space<vmem_shared>> -> memref<10112x144xf32, #tpu.memory_space<vmem_shared>>
        tpu.wait_indirect_dma semaphore(%arg13 : memref<!tpu.dma_semaphore, #tpu.memory_space<semaphore_mem>>) src(%dma_wait3A_177 : memref<80x144xf32, #tpu.memory_space<vmem>>) dst(%dma_wait3A_183 : memref<10112x144xf32, #tpu.memory_space<vmem_shared>>)
      } else {
      }
      %rem3A_129 = arith.constant 2 : i32
      %rem3A_130 = arith.remsi %while3A_126, %rem3A_129 : i32
      %eq3A_131 = arith.constant 0 : i32
      %eq3A_132 = arith.cmpi eq, %rem3A_130, %eq3A_131 : i32
      %convert_element_type3A_133 = arith.extui %eq3A_132 : i1 to i32
      %cond3A_134 = arith.constant 0 : i32
      %cond3A_135 = arith.cmpi ne, %convert_element_type3A_133, %cond3A_134 : i32
      scf.if %cond3A_135 {
        %rem3A_168 = arith.constant 4 : i32
        %rem3A_169 = arith.remsi %while3A_126, %rem3A_168 : i32
        %rem3A_170 = arith.constant 3 : i32
        %rem3A_171 = arith.remsi %while3A_126, %rem3A_170 : i32
        %mul3A_172 = arith.constant 80 : i32
        %mul3A_173 = arith.muli %rem3A_171, %mul3A_172 : i32
        %dma_wait3A_174 = arith.constant 0 : i32
        %dma_wait3A_175 = tpu.memref_slice %arg8[%mul3A_173, %dma_wait3A_174] : memref<240x144xf32, #tpu.memory_space<vmem>> -> memref<80x144xf32, #tpu.memory_space<vmem>>
        %dma_wait3A_176 = arith.constant 0 : i32
        %dma_wait3A_177 = tpu.memref_slice %arg6[%rem3A_169, %dma_wait3A_176] : memref<4x80xi32, #tpu.memory_space<vmem>> -> memref<1x80xi32, #tpu.memory_space<vmem>>
        %dma_wait3A_178 = tpu.memref_squeeze %dma_wait3A_177 : memref<1x80xi32, #tpu.memory_space<vmem>> -> memref<80xi32, #tpu.memory_space<vmem>>
        %dma_wait3A_179 = arith.constant 0 : i32
        %dma_wait3A_180 = arith.constant 0 : i32
        %dma_wait3A_181 = tpu.memref_slice %arg2[%dma_wait3A_179, %dma_wait3A_180] : memref<10008x144xf32, #tpu.memory_space<hbm>> -> memref<10008x144xf32, #tpu.memory_space<hbm>>
        tpu.wait_indirect_dma semaphore(%arg11 : memref<!tpu.dma_semaphore, #tpu.memory_space<semaphore_mem>>) src(%dma_wait3A_181 : memref<10008x144xf32, #tpu.memory_space<hbm>>) dst(%dma_wait3A_175 : memref<80x144xf32, #tpu.memory_space<vmem>>)
      } else {
      }
      %rem3A_136 = arith.constant 2 : i32
      %rem3A_137 = arith.remsi %while3A_126, %rem3A_136 : i32
      %eq3A_138 = arith.constant 1 : i32
      %eq3A_139 = arith.cmpi eq, %rem3A_137, %eq3A_138 : i32
      %convert_element_type3A_140 = arith.extui %eq3A_139 : i1 to i32
      %cond3A_141 = arith.constant 0 : i32
      %cond3A_142 = arith.cmpi ne, %convert_element_type3A_140, %cond3A_141 : i32
      scf.if %cond3A_142 {
        %rem3A_168 = arith.constant 4 : i32
        %rem3A_169 = arith.remsi %while3A_126, %rem3A_168 : i32
        %rem3A_170 = arith.constant 3 : i32
        %rem3A_171 = arith.remsi %while3A_126, %rem3A_170 : i32
        %mul3A_172 = arith.constant 80 : i32
        %mul3A_173 = arith.muli %rem3A_171, %mul3A_172 : i32
        %dma_wait3A_174 = arith.constant 0 : i32
        %dma_wait3A_175 = tpu.memref_slice %arg8[%mul3A_173, %dma_wait3A_174] : memref<240x144xf32, #tpu.memory_space<vmem>> -> memref<80x144xf32, #tpu.memory_space<vmem>>
        %dma_wait3A_176 = arith.constant 0 : i32
        %dma_wait3A_177 = tpu.memref_slice %arg6[%rem3A_169, %dma_wait3A_176] : memref<4x80xi32, #tpu.memory_space<vmem>> -> memref<1x80xi32, #tpu.memory_space<vmem>>
        %dma_wait3A_178 = tpu.memref_squeeze %dma_wait3A_177 : memref<1x80xi32, #tpu.memory_space<vmem>> -> memref<80xi32, #tpu.memory_space<vmem>>
        %dma_wait3A_179 = arith.constant 0 : i32
        %dma_wait3A_180 = arith.constant 0 : i32
        %dma_wait3A_181 = tpu.memref_slice %arg2[%dma_wait3A_179, %dma_wait3A_180] : memref<10008x144xf32, #tpu.memory_space<hbm>> -> memref<10008x144xf32, #tpu.memory_space<hbm>>
        tpu.wait_indirect_dma semaphore(%arg12 : memref<!tpu.dma_semaphore, #tpu.memory_space<semaphore_mem>>) src(%dma_wait3A_181 : memref<10008x144xf32, #tpu.memory_space<hbm>>) dst(%dma_wait3A_175 : memref<80x144xf32, #tpu.memory_space<vmem>>)
      } else {
      }
      %add3A_143 = arith.constant 2 : i32
      %add3A_144 = arith.addi %while3A_126, %add3A_143 : i32
      %lt3A = arith.cmpi slt, %add3A_144, %select_n3A : i32
      %convert_element_type3A_145 = arith.extui %lt3A : i1 to i32
      %cond3A_146 = arith.constant 0 : i32
      %cond3A_147 = arith.cmpi ne, %convert_element_type3A_145, %cond3A_146 : i32
      scf.if %cond3A_147 {
        %dma_wait3A_168 = arith.constant 0 : i32
        %dma_wait3A_169 = arith.constant 0 : i32
        %dma_wait3A_170 = arith.constant 0 : i32
        %dma_wait3A_171 = tpu.memref_slice %arg6[%dma_wait3A_169, %dma_wait3A_170] : memref<4x80xi32, #tpu.memory_space<vmem>> -> memref<1x80xi32, #tpu.memory_space<vmem>>
        %dma_wait3A_172 = tpu.memref_squeeze %dma_wait3A_171 : memref<1x80xi32, #tpu.memory_space<vmem>> -> memref<80xi32, #tpu.memory_space<vmem>>
        %dma_wait3A_173 = arith.constant 0 : i32
        %dma_wait3A_174 = tpu.memref_slice %arg3[%dma_wait3A_168, %dma_wait3A_173] : memref<4000x80xi32, #tpu.memory_space<hbm>> -> memref<1x80xi32, #tpu.memory_space<hbm>>
        %dma_wait3A_175 = tpu.memref_squeeze %dma_wait3A_174 : memref<1x80xi32, #tpu.memory_space<hbm>> -> memref<80xi32, #tpu.memory_space<hbm>>
        %dma_wait3A_176 = arith.constant 0 : i32
        %dma_wait3A_177 = tpu.memref_slice %arg6[%dma_wait3A_169, %dma_wait3A_176] : memref<4x80xi32, #tpu.memory_space<vmem>> -> memref<1x80xi32, #tpu.memory_space<vmem>>
        %dma_wait3A_178 = tpu.memref_squeeze %dma_wait3A_177 : memref<1x80xi32, #tpu.memory_space<vmem>> -> memref<80xi32, #tpu.memory_space<vmem>>
        %dma_wait3A_179 = arith.constant 0 : i32
        %dma_wait3A_180 = tpu.memref_slice %arg3[%dma_wait3A_168, %dma_wait3A_179] : memref<4000x80xi32, #tpu.memory_space<hbm>> -> memref<1x80xi32, #tpu.memory_space<hbm>>
        %dma_wait3A_181 = tpu.memref_squeeze %dma_wait3A_180 : memref<1x80xi32, #tpu.memory_space<hbm>> -> memref<80xi32, #tpu.memory_space<hbm>>
        tpu.wait_dma2 semaphore(%arg10 : memref<!tpu.dma_semaphore, #tpu.memory_space<semaphore_mem>>) src(%dma_wait3A_181 : memref<80xi32, #tpu.memory_space<hbm>>) dst(%dma_wait3A_178 : memref<80xi32, #tpu.memory_space<vmem>>)
        %dma_wait3A_182 = arith.constant 0 : i32
        %dma_wait3A_183 = arith.constant 0 : i32
        %dma_wait3A_184 = arith.constant 0 : i32
        %dma_wait3A_185 = tpu.memref_slice %arg6[%dma_wait3A_183, %dma_wait3A_184] : memref<4x80xi32, #tpu.memory_space<vmem>> -> memref<1x80xi32, #tpu.memory_space<vmem>>
        %dma_wait3A_186 = tpu.memref_squeeze %dma_wait3A_185 : memref<1x80xi32, #tpu.memory_space<vmem>> -> memref<80xi32, #tpu.memory_space<vmem>>
        %dma_wait3A_187 = arith.constant 0 : i32
        %dma_wait3A_188 = tpu.memref_slice %arg3[%dma_wait3A_182, %dma_wait3A_187] : memref<4000x80xi32, #tpu.memory_space<hbm>> -> memref<1x80xi32, #tpu.memory_space<hbm>>
        %dma_wait3A_189 = tpu.memref_squeeze %dma_wait3A_188 : memref<1x80xi32, #tpu.memory_space<hbm>> -> memref<80xi32, #tpu.memory_space<hbm>>
        %dma_wait3A_190 = arith.constant 0 : i32
        %dma_wait3A_191 = tpu.memref_slice %arg6[%dma_wait3A_183, %dma_wait3A_190] : memref<4x80xi32, #tpu.memory_space<vmem>> -> memref<1x80xi32, #tpu.memory_space<vmem>>
        %dma_wait3A_192 = tpu.memref_squeeze %dma_wait3A_191 : memref<1x80xi32, #tpu.memory_space<vmem>> -> memref<80xi32, #tpu.memory_space<vmem>>
        %dma_wait3A_193 = arith.constant 0 : i32
        %dma_wait3A_194 = tpu.memref_slice %arg3[%dma_wait3A_182, %dma_wait3A_193] : memref<4000x80xi32, #tpu.memory_space<hbm>> -> memref<1x80xi32, #tpu.memory_space<hbm>>
        %dma_wait3A_195 = tpu.memref_squeeze %dma_wait3A_194 : memref<1x80xi32, #tpu.memory_space<hbm>> -> memref<80xi32, #tpu.memory_space<hbm>>
        tpu.wait_dma2 semaphore(%arg10 : memref<!tpu.dma_semaphore, #tpu.memory_space<semaphore_mem>>) src(%dma_wait3A_195 : memref<80xi32, #tpu.memory_space<hbm>>) dst(%dma_wait3A_192 : memref<80xi32, #tpu.memory_space<vmem>>)
        %add3A_196 = arith.constant 2 : i32
        %add3A_197 = arith.addi %while3A_126, %add3A_196 : i32
        %rem3A_198 = arith.constant 2 : i32
        %rem3A_199 = arith.remsi %add3A_197, %rem3A_198 : i32
        %eq3A_200 = arith.constant 0 : i32
        %eq3A_201 = arith.cmpi eq, %rem3A_199, %eq3A_200 : i32
        %convert_element_type3A_202 = arith.extui %eq3A_201 : i1 to i32
        %cond3A_203 = arith.constant 0 : i32
        %cond3A_204 = arith.cmpi ne, %convert_element_type3A_202, %cond3A_203 : i32
        scf.if %cond3A_204 {
          %rem3A_212 = arith.constant 4 : i32
          %rem3A_213 = arith.remsi %add3A_197, %rem3A_212 : i32
          %rem3A_214 = arith.constant 3 : i32
          %rem3A_215 = arith.remsi %add3A_197, %rem3A_214 : i32
          %mul3A_216 = arith.constant 80 : i32
          %mul3A_217 = arith.muli %rem3A_215, %mul3A_216 : i32
          %dma_start3A_218 = arith.constant 0 : i32
          %dma_start3A_219 = tpu.memref_slice %arg8[%mul3A_217, %dma_start3A_218] : memref<240x144xf32, #tpu.memory_space<vmem>> -> memref<80x144xf32, #tpu.memory_space<vmem>>
          %dma_start3A_220 = arith.constant 0 : i32
          %dma_start3A_221 = tpu.memref_slice %arg6[%rem3A_213, %dma_start3A_220] : memref<4x80xi32, #tpu.memory_space<vmem>> -> memref<1x80xi32, #tpu.memory_space<vmem>>
          %dma_start3A_222 = tpu.memref_squeeze %dma_start3A_221 : memref<1x80xi32, #tpu.memory_space<vmem>> -> memref<80xi32, #tpu.memory_space<vmem>>
          %dma_start3A_223 = arith.constant 0 : i32
          %dma_start3A_224 = arith.constant 0 : i32
          %dma_start3A_225 = tpu.memref_slice %arg2[%dma_start3A_223, %dma_start3A_224] : memref<10008x144xf32, #tpu.memory_space<hbm>> -> memref<10008x144xf32, #tpu.memory_space<hbm>>
          tpu.enqueue_indirect_dma source(%dma_start3A_225 : memref<10008x144xf32, #tpu.memory_space<hbm>>) target(%dma_start3A_219 : memref<80x144xf32, #tpu.memory_space<vmem>>) offsets(%dma_start3A_222 : memref<80xi32, #tpu.memory_space<vmem>>) semaphore(%arg11 : memref<!tpu.dma_semaphore, #tpu.memory_space<semaphore_mem>>)
        } else {
        }
        %rem3A_205 = arith.constant 2 : i32
        %rem3A_206 = arith.remsi %add3A_197, %rem3A_205 : i32
        %eq3A_207 = arith.constant 1 : i32
        %eq3A_208 = arith.cmpi eq, %rem3A_206, %eq3A_207 : i32
        %convert_element_type3A_209 = arith.extui %eq3A_208 : i1 to i32
        %cond3A_210 = arith.constant 0 : i32
        %cond3A_211 = arith.cmpi ne, %convert_element_type3A_209, %cond3A_210 : i32
        scf.if %cond3A_211 {
          %rem3A_212 = arith.constant 4 : i32
          %rem3A_213 = arith.remsi %add3A_197, %rem3A_212 : i32
          %rem3A_214 = arith.constant 3 : i32
          %rem3A_215 = arith.remsi %add3A_197, %rem3A_214 : i32
          %mul3A_216 = arith.constant 80 : i32
          %mul3A_217 = arith.muli %rem3A_215, %mul3A_216 : i32
          %dma_start3A_218 = arith.constant 0 : i32
          %dma_start3A_219 = tpu.memref_slice %arg8[%mul3A_217, %dma_start3A_218] : memref<240x144xf32, #tpu.memory_space<vmem>> -> memref<80x144xf32, #tpu.memory_space<vmem>>
          %dma_start3A_220 = arith.constant 0 : i32
          %dma_start3A_221 = tpu.memref_slice %arg6[%rem3A_213, %dma_start3A_220] : memref<4x80xi32, #tpu.memory_space<vmem>> -> memref<1x80xi32, #tpu.memory_space<vmem>>
          %dma_start3A_222 = tpu.memref_squeeze %dma_start3A_221 : memref<1x80xi32, #tpu.memory_space<vmem>> -> memref<80xi32, #tpu.memory_space<vmem>>
          %dma_start3A_223 = arith.constant 0 : i32
          %dma_start3A_224 = arith.constant 0 : i32
          %dma_start3A_225 = tpu.memref_slice %arg2[%dma_start3A_223, %dma_start3A_224] : memref<10008x144xf32, #tpu.memory_space<hbm>> -> memref<10008x144xf32, #tpu.memory_space<hbm>>
          tpu.enqueue_indirect_dma source(%dma_start3A_225 : memref<10008x144xf32, #tpu.memory_space<hbm>>) target(%dma_start3A_219 : memref<80x144xf32, #tpu.memory_space<vmem>>) offsets(%dma_start3A_222 : memref<80xi32, #tpu.memory_space<vmem>>) semaphore(%arg12 : memref<!tpu.dma_semaphore, #tpu.memory_space<semaphore_mem>>)
        } else {
        }
      } else {
      }
      %add3A_148 = arith.constant 3 : i32
      %add3A_149 = arith.addi %while3A_126, %add3A_148 : i32
      %lt3A_150 = arith.cmpi slt, %add3A_149, %select_n3A : i32
      %convert_element_type3A_151 = arith.extui %lt3A_150 : i1 to i32
      %cond3A_152 = arith.constant 0 : i32
      %cond3A_153 = arith.cmpi ne, %convert_element_type3A_151, %cond3A_152 : i32
      scf.if %cond3A_153 {
        %add3A_168 = arith.constant 3 : i32
        %add3A_169 = arith.addi %while3A_126, %add3A_168 : i32
        %rem3A_170 = arith.constant 4 : i32
        %rem3A_171 = arith.remsi %add3A_169, %rem3A_170 : i32
        %add3A_172 = arith.addi %select_n3A_23, %add3A_169 : i32
        %dma_start3A_173 = arith.constant 0 : i32
        %dma_start3A_174 = tpu.memref_slice %arg6[%rem3A_171, %dma_start3A_173] : memref<4x80xi32, #tpu.memory_space<vmem>> -> memref<1x80xi32, #tpu.memory_space<vmem>>
        %dma_start3A_175 = tpu.memref_squeeze %dma_start3A_174 : memref<1x80xi32, #tpu.memory_space<vmem>> -> memref<80xi32, #tpu.memory_space<vmem>>
        %dma_start3A_176 = arith.constant 0 : i32
        %dma_start3A_177 = tpu.memref_slice %arg3[%add3A_172, %dma_start3A_176] : memref<4000x80xi32, #tpu.memory_space<hbm>> -> memref<1x80xi32, #tpu.memory_space<hbm>>
        %dma_start3A_178 = tpu.memref_squeeze %dma_start3A_177 : memref<1x80xi32, #tpu.memory_space<hbm>> -> memref<80xi32, #tpu.memory_space<hbm>>
        %dma_start3A_179 = arith.constant 0 : i32
        %dma_start3A_180 = tpu.memref_slice %arg6[%rem3A_171, %dma_start3A_179] : memref<4x80xi32, #tpu.memory_space<vmem>> -> memref<1x80xi32, #tpu.memory_space<vmem>>
        %dma_start3A_181 = tpu.memref_squeeze %dma_start3A_180 : memref<1x80xi32, #tpu.memory_space<vmem>> -> memref<80xi32, #tpu.memory_space<vmem>>
        %dma_start3A_182 = arith.constant 0 : i32
        %dma_start3A_183 = tpu.memref_slice %arg3[%add3A_172, %dma_start3A_182] : memref<4000x80xi32, #tpu.memory_space<hbm>> -> memref<1x80xi32, #tpu.memory_space<hbm>>
        %dma_start3A_184 = tpu.memref_squeeze %dma_start3A_183 : memref<1x80xi32, #tpu.memory_space<hbm>> -> memref<80xi32, #tpu.memory_space<hbm>>
        tpu.enqueue_dma source(%dma_start3A_184 : memref<80xi32, #tpu.memory_space<hbm>>) target(%dma_start3A_181 : memref<80xi32, #tpu.memory_space<vmem>>) target_semaphore(%arg10 : memref<!tpu.dma_semaphore, #tpu.memory_space<semaphore_mem>>)
        %add3A_185 = arith.addi %select_n3A_23, %add3A_169 : i32
        %dma_start3A_186 = arith.constant 0 : i32
        %dma_start3A_187 = tpu.memref_slice %arg7[%rem3A_171, %dma_start3A_186] : memref<4x80xi32, #tpu.memory_space<vmem>> -> memref<1x80xi32, #tpu.memory_space<vmem>>
        %dma_start3A_188 = tpu.memref_squeeze %dma_start3A_187 : memref<1x80xi32, #tpu.memory_space<vmem>> -> memref<80xi32, #tpu.memory_space<vmem>>
        %dma_start3A_189 = arith.constant 0 : i32
        %dma_start3A_190 = tpu.memref_slice %arg4[%add3A_185, %dma_start3A_189] : memref<4000x80xi32, #tpu.memory_space<hbm>> -> memref<1x80xi32, #tpu.memory_space<hbm>>
        %dma_start3A_191 = tpu.memref_squeeze %dma_start3A_190 : memref<1x80xi32, #tpu.memory_space<hbm>> -> memref<80xi32, #tpu.memory_space<hbm>>
        %dma_start3A_192 = arith.constant 0 : i32
        %dma_start3A_193 = tpu.memref_slice %arg7[%rem3A_171, %dma_start3A_192] : memref<4x80xi32, #tpu.memory_space<vmem>> -> memref<1x80xi32, #tpu.memory_space<vmem>>
        %dma_start3A_194 = tpu.memref_squeeze %dma_start3A_193 : memref<1x80xi32, #tpu.memory_space<vmem>> -> memref<80xi32, #tpu.memory_space<vmem>>
        %dma_start3A_195 = arith.constant 0 : i32
        %dma_start3A_196 = tpu.memref_slice %arg4[%add3A_185, %dma_start3A_195] : memref<4000x80xi32, #tpu.memory_space<hbm>> -> memref<1x80xi32, #tpu.memory_space<hbm>>
        %dma_start3A_197 = tpu.memref_squeeze %dma_start3A_196 : memref<1x80xi32, #tpu.memory_space<hbm>> -> memref<80xi32, #tpu.memory_space<hbm>>
        tpu.enqueue_dma source(%dma_start3A_197 : memref<80xi32, #tpu.memory_space<hbm>>) target(%dma_start3A_194 : memref<80xi32, #tpu.memory_space<vmem>>) target_semaphore(%arg10 : memref<!tpu.dma_semaphore, #tpu.memory_space<semaphore_mem>>)
      } else {
      }
      %rem3A_154 = arith.constant 3 : i32
      %rem3A_155 = arith.remsi %while3A_126, %rem3A_154 : i32
      %mul3A_156 = arith.constant 80 : i32
      %mul3A_157 = arith.muli %rem3A_155, %mul3A_156 : i32
      %rem3A_158 = arith.constant 4 : i32
      %rem3A_159 = arith.remsi %while3A_126, %rem3A_158 : i32
      %dma_start3A_160 = arith.constant 0 : i32
      %dma_start3A_161 = tpu.memref_slice %arg8[%mul3A_157, %dma_start3A_160] : memref<240x144xf32, #tpu.memory_space<vmem>> -> memref<80x144xf32, #tpu.memory_space<vmem>>
      %dma_start3A_162 = arith.constant 0 : i32
      %dma_start3A_163 = tpu.memref_slice %arg7[%rem3A_159, %dma_start3A_162] : memref<4x80xi32, #tpu.memory_space<vmem>> -> memref<1x80xi32, #tpu.memory_space<vmem>>
      %dma_start3A_164 = tpu.memref_squeeze %dma_start3A_163 : memref<1x80xi32, #tpu.memory_space<vmem>> -> memref<80xi32, #tpu.memory_space<vmem>>
      %dma_start3A_165 = arith.constant 0 : i32
      %dma_start3A_166 = arith.constant 0 : i32
      %dma_start3A_167 = tpu.memref_slice %arg9[%dma_start3A_165, %dma_start3A_166] : memref<10112x144xf32, #tpu.memory_space<vmem_shared>> -> memref<10112x144xf32, #tpu.memory_space<vmem_shared>>
      tpu.enqueue_indirect_dma source(%dma_start3A_161 : memref<80x144xf32, #tpu.memory_space<vmem>>) target(%dma_start3A_167 : memref<10112x144xf32, #tpu.memory_space<vmem_shared>>) offsets(%dma_start3A_164 : memref<80xi32, #tpu.memory_space<vmem>>) semaphore(%arg13 : memref<!tpu.dma_semaphore, #tpu.memory_space<semaphore_mem>>) {add = true}
    }
    %while3A_107 = arith.constant 1 : i32
    scf.for %while3A_126 = %while3A_105 to %while3A_101 step %while3A_107  : i32 {
      %ge3A = arith.constant 1 : i32
      %ge3A_127 = arith.cmpi sge, %while3A_126, %ge3A : i32
      %convert_element_type3A = arith.extui %ge3A_127 : i1 to i32
      %cond3A = arith.constant 0 : i32
      %cond3A_128 = arith.cmpi ne, %convert_element_type3A, %cond3A : i32
      scf.if %cond3A_128 {
        %sub3A_168 = arith.constant 1 : i32
        %sub3A_169 = arith.subi %while3A_126, %sub3A_168 : i32
        %rem3A_170 = arith.constant 3 : i32
        %rem3A_171 = arith.remsi %sub3A_169, %rem3A_170 : i32
        %mul3A_172 = arith.constant 80 : i32
        %mul3A_173 = arith.muli %rem3A_171, %mul3A_172 : i32
        %rem3A_174 = arith.constant 4 : i32
        %rem3A_175 = arith.remsi %sub3A_169, %rem3A_174 : i32
        %dma_wait3A_176 = arith.constant 0 : i32
        %dma_wait3A_177 = tpu.memref_slice %arg8[%mul3A_173, %dma_wait3A_176] : memref<240x144xf32, #tpu.memory_space<vmem>> -> memref<80x144xf32, #tpu.memory_space<vmem>>
        %dma_wait3A_178 = arith.constant 0 : i32
        %dma_wait3A_179 = tpu.memref_slice %arg7[%rem3A_175, %dma_wait3A_178] : memref<4x80xi32, #tpu.memory_space<vmem>> -> memref<1x80xi32, #tpu.memory_space<vmem>>
        %dma_wait3A_180 = tpu.memref_squeeze %dma_wait3A_179 : memref<1x80xi32, #tpu.memory_space<vmem>> -> memref<80xi32, #tpu.memory_space<vmem>>
        %dma_wait3A_181 = arith.constant 0 : i32
        %dma_wait3A_182 = arith.constant 0 : i32
        %dma_wait3A_183 = tpu.memref_slice %arg9[%dma_wait3A_181, %dma_wait3A_182] : memref<10112x144xf32, #tpu.memory_space<vmem_shared>> -> memref<10112x144xf32, #tpu.memory_space<vmem_shared>>
        tpu.wait_indirect_dma semaphore(%arg13 : memref<!tpu.dma_semaphore, #tpu.memory_space<semaphore_mem>>) src(%dma_wait3A_177 : memref<80x144xf32, #tpu.memory_space<vmem>>) dst(%dma_wait3A_183 : memref<10112x144xf32, #tpu.memory_space<vmem_shared>>)
      } else {
      }
      %rem3A_129 = arith.constant 2 : i32
      %rem3A_130 = arith.remsi %while3A_126, %rem3A_129 : i32
      %eq3A_131 = arith.constant 0 : i32
      %eq3A_132 = arith.cmpi eq, %rem3A_130, %eq3A_131 : i32
      %convert_element_type3A_133 = arith.extui %eq3A_132 : i1 to i32
      %cond3A_134 = arith.constant 0 : i32
      %cond3A_135 = arith.cmpi ne, %convert_element_type3A_133, %cond3A_134 : i32
      scf.if %cond3A_135 {
        %rem3A_168 = arith.constant 4 : i32
        %rem3A_169 = arith.remsi %while3A_126, %rem3A_168 : i32
        %rem3A_170 = arith.constant 3 : i32
        %rem3A_171 = arith.remsi %while3A_126, %rem3A_170 : i32
        %mul3A_172 = arith.constant 80 : i32
        %mul3A_173 = arith.muli %rem3A_171, %mul3A_172 : i32
        %dma_wait3A_174 = arith.constant 0 : i32
        %dma_wait3A_175 = tpu.memref_slice %arg8[%mul3A_173, %dma_wait3A_174] : memref<240x144xf32, #tpu.memory_space<vmem>> -> memref<80x144xf32, #tpu.memory_space<vmem>>
        %dma_wait3A_176 = arith.constant 0 : i32
        %dma_wait3A_177 = tpu.memref_slice %arg6[%rem3A_169, %dma_wait3A_176] : memref<4x80xi32, #tpu.memory_space<vmem>> -> memref<1x80xi32, #tpu.memory_space<vmem>>
        %dma_wait3A_178 = tpu.memref_squeeze %dma_wait3A_177 : memref<1x80xi32, #tpu.memory_space<vmem>> -> memref<80xi32, #tpu.memory_space<vmem>>
        %dma_wait3A_179 = arith.constant 0 : i32
        %dma_wait3A_180 = arith.constant 0 : i32
        %dma_wait3A_181 = tpu.memref_slice %arg2[%dma_wait3A_179, %dma_wait3A_180] : memref<10008x144xf32, #tpu.memory_space<hbm>> -> memref<10008x144xf32, #tpu.memory_space<hbm>>
        tpu.wait_indirect_dma semaphore(%arg11 : memref<!tpu.dma_semaphore, #tpu.memory_space<semaphore_mem>>) src(%dma_wait3A_181 : memref<10008x144xf32, #tpu.memory_space<hbm>>) dst(%dma_wait3A_175 : memref<80x144xf32, #tpu.memory_space<vmem>>)
      } else {
      }
      %rem3A_136 = arith.constant 2 : i32
      %rem3A_137 = arith.remsi %while3A_126, %rem3A_136 : i32
      %eq3A_138 = arith.constant 1 : i32
      %eq3A_139 = arith.cmpi eq, %rem3A_137, %eq3A_138 : i32
      %convert_element_type3A_140 = arith.extui %eq3A_139 : i1 to i32
      %cond3A_141 = arith.constant 0 : i32
      %cond3A_142 = arith.cmpi ne, %convert_element_type3A_140, %cond3A_141 : i32
      scf.if %cond3A_142 {
        %rem3A_168 = arith.constant 4 : i32
        %rem3A_169 = arith.remsi %while3A_126, %rem3A_168 : i32
        %rem3A_170 = arith.constant 3 : i32
        %rem3A_171 = arith.remsi %while3A_126, %rem3A_170 : i32
        %mul3A_172 = arith.constant 80 : i32
        %mul3A_173 = arith.muli %rem3A_171, %mul3A_172 : i32
        %dma_wait3A_174 = arith.constant 0 : i32
        %dma_wait3A_175 = tpu.memref_slice %arg8[%mul3A_173, %dma_wait3A_174] : memref<240x144xf32, #tpu.memory_space<vmem>> -> memref<80x144xf32, #tpu.memory_space<vmem>>
        %dma_wait3A_176 = arith.constant 0 : i32
        %dma_wait3A_177 = tpu.memref_slice %arg6[%rem3A_169, %dma_wait3A_176] : memref<4x80xi32, #tpu.memory_space<vmem>> -> memref<1x80xi32, #tpu.memory_space<vmem>>
        %dma_wait3A_178 = tpu.memref_squeeze %dma_wait3A_177 : memref<1x80xi32, #tpu.memory_space<vmem>> -> memref<80xi32, #tpu.memory_space<vmem>>
        %dma_wait3A_179 = arith.constant 0 : i32
        %dma_wait3A_180 = arith.constant 0 : i32
        %dma_wait3A_181 = tpu.memref_slice %arg2[%dma_wait3A_179, %dma_wait3A_180] : memref<10008x144xf32, #tpu.memory_space<hbm>> -> memref<10008x144xf32, #tpu.memory_space<hbm>>
        tpu.wait_indirect_dma semaphore(%arg12 : memref<!tpu.dma_semaphore, #tpu.memory_space<semaphore_mem>>) src(%dma_wait3A_181 : memref<10008x144xf32, #tpu.memory_space<hbm>>) dst(%dma_wait3A_175 : memref<80x144xf32, #tpu.memory_space<vmem>>)
      } else {
      }
      %add3A_143 = arith.constant 2 : i32
      %add3A_144 = arith.addi %while3A_126, %add3A_143 : i32
      %lt3A = arith.cmpi slt, %add3A_144, %select_n3A : i32
      %convert_element_type3A_145 = arith.extui %lt3A : i1 to i32
      %cond3A_146 = arith.constant 0 : i32
      %cond3A_147 = arith.cmpi ne, %convert_element_type3A_145, %cond3A_146 : i32
      scf.if %cond3A_147 {
        %dma_wait3A_168 = arith.constant 0 : i32
        %dma_wait3A_169 = arith.constant 0 : i32
        %dma_wait3A_170 = arith.constant 0 : i32
        %dma_wait3A_171 = tpu.memref_slice %arg6[%dma_wait3A_169, %dma_wait3A_170] : memref<4x80xi32, #tpu.memory_space<vmem>> -> memref<1x80xi32, #tpu.memory_space<vmem>>
        %dma_wait3A_172 = tpu.memref_squeeze %dma_wait3A_171 : memref<1x80xi32, #tpu.memory_space<vmem>> -> memref<80xi32, #tpu.memory_space<vmem>>
        %dma_wait3A_173 = arith.constant 0 : i32
        %dma_wait3A_174 = tpu.memref_slice %arg3[%dma_wait3A_168, %dma_wait3A_173] : memref<4000x80xi32, #tpu.memory_space<hbm>> -> memref<1x80xi32, #tpu.memory_space<hbm>>
        %dma_wait3A_175 = tpu.memref_squeeze %dma_wait3A_174 : memref<1x80xi32, #tpu.memory_space<hbm>> -> memref<80xi32, #tpu.memory_space<hbm>>
        %dma_wait3A_176 = arith.constant 0 : i32
        %dma_wait3A_177 = tpu.memref_slice %arg6[%dma_wait3A_169, %dma_wait3A_176] : memref<4x80xi32, #tpu.memory_space<vmem>> -> memref<1x80xi32, #tpu.memory_space<vmem>>
        %dma_wait3A_178 = tpu.memref_squeeze %dma_wait3A_177 : memref<1x80xi32, #tpu.memory_space<vmem>> -> memref<80xi32, #tpu.memory_space<vmem>>
        %dma_wait3A_179 = arith.constant 0 : i32
        %dma_wait3A_180 = tpu.memref_slice %arg3[%dma_wait3A_168, %dma_wait3A_179] : memref<4000x80xi32, #tpu.memory_space<hbm>> -> memref<1x80xi32, #tpu.memory_space<hbm>>
        %dma_wait3A_181 = tpu.memref_squeeze %dma_wait3A_180 : memref<1x80xi32, #tpu.memory_space<hbm>> -> memref<80xi32, #tpu.memory_space<hbm>>
        tpu.wait_dma2 semaphore(%arg10 : memref<!tpu.dma_semaphore, #tpu.memory_space<semaphore_mem>>) src(%dma_wait3A_181 : memref<80xi32, #tpu.memory_space<hbm>>) dst(%dma_wait3A_178 : memref<80xi32, #tpu.memory_space<vmem>>)
        %dma_wait3A_182 = arith.constant 0 : i32
        %dma_wait3A_183 = arith.constant 0 : i32
        %dma_wait3A_184 = arith.constant 0 : i32
        %dma_wait3A_185 = tpu.memref_slice %arg6[%dma_wait3A_183, %dma_wait3A_184] : memref<4x80xi32, #tpu.memory_space<vmem>> -> memref<1x80xi32, #tpu.memory_space<vmem>>
        %dma_wait3A_186 = tpu.memref_squeeze %dma_wait3A_185 : memref<1x80xi32, #tpu.memory_space<vmem>> -> memref<80xi32, #tpu.memory_space<vmem>>
        %dma_wait3A_187 = arith.constant 0 : i32
        %dma_wait3A_188 = tpu.memref_slice %arg3[%dma_wait3A_182, %dma_wait3A_187] : memref<4000x80xi32, #tpu.memory_space<hbm>> -> memref<1x80xi32, #tpu.memory_space<hbm>>
        %dma_wait3A_189 = tpu.memref_squeeze %dma_wait3A_188 : memref<1x80xi32, #tpu.memory_space<hbm>> -> memref<80xi32, #tpu.memory_space<hbm>>
        %dma_wait3A_190 = arith.constant 0 : i32
        %dma_wait3A_191 = tpu.memref_slice %arg6[%dma_wait3A_183, %dma_wait3A_190] : memref<4x80xi32, #tpu.memory_space<vmem>> -> memref<1x80xi32, #tpu.memory_space<vmem>>
        %dma_wait3A_192 = tpu.memref_squeeze %dma_wait3A_191 : memref<1x80xi32, #tpu.memory_space<vmem>> -> memref<80xi32, #tpu.memory_space<vmem>>
        %dma_wait3A_193 = arith.constant 0 : i32
        %dma_wait3A_194 = tpu.memref_slice %arg3[%dma_wait3A_182, %dma_wait3A_193] : memref<4000x80xi32, #tpu.memory_space<hbm>> -> memref<1x80xi32, #tpu.memory_space<hbm>>
        %dma_wait3A_195 = tpu.memref_squeeze %dma_wait3A_194 : memref<1x80xi32, #tpu.memory_space<hbm>> -> memref<80xi32, #tpu.memory_space<hbm>>
        tpu.wait_dma2 semaphore(%arg10 : memref<!tpu.dma_semaphore, #tpu.memory_space<semaphore_mem>>) src(%dma_wait3A_195 : memref<80xi32, #tpu.memory_space<hbm>>) dst(%dma_wait3A_192 : memref<80xi32, #tpu.memory_space<vmem>>)
        %add3A_196 = arith.constant 2 : i32
        %add3A_197 = arith.addi %while3A_126, %add3A_196 : i32
        %rem3A_198 = arith.constant 2 : i32
        %rem3A_199 = arith.remsi %add3A_197, %rem3A_198 : i32
        %eq3A_200 = arith.constant 0 : i32
        %eq3A_201 = arith.cmpi eq, %rem3A_199, %eq3A_200 : i32
        %convert_element_type3A_202 = arith.extui %eq3A_201 : i1 to i32
        %cond3A_203 = arith.constant 0 : i32
        %cond3A_204 = arith.cmpi ne, %convert_element_type3A_202, %cond3A_203 : i32
        scf.if %cond3A_204 {
          %rem3A_212 = arith.constant 4 : i32
          %rem3A_213 = arith.remsi %add3A_197, %rem3A_212 : i32
          %rem3A_214 = arith.constant 3 : i32
          %rem3A_215 = arith.remsi %add3A_197, %rem3A_214 : i32
          %mul3A_216 = arith.constant 80 : i32
          %mul3A_217 = arith.muli %rem3A_215, %mul3A_216 : i32
          %dma_start3A_218 = arith.constant 0 : i32
          %dma_start3A_219 = tpu.memref_slice %arg8[%mul3A_217, %dma_start3A_218] : memref<240x144xf32, #tpu.memory_space<vmem>> -> memref<80x144xf32, #tpu.memory_space<vmem>>
          %dma_start3A_220 = arith.constant 0 : i32
          %dma_start3A_221 = tpu.memref_slice %arg6[%rem3A_213, %dma_start3A_220] : memref<4x80xi32, #tpu.memory_space<vmem>> -> memref<1x80xi32, #tpu.memory_space<vmem>>
          %dma_start3A_222 = tpu.memref_squeeze %dma_start3A_221 : memref<1x80xi32, #tpu.memory_space<vmem>> -> memref<80xi32, #tpu.memory_space<vmem>>
          %dma_start3A_223 = arith.constant 0 : i32
          %dma_start3A_224 = arith.constant 0 : i32
          %dma_start3A_225 = tpu.memref_slice %arg2[%dma_start3A_223, %dma_start3A_224] : memref<10008x144xf32, #tpu.memory_space<hbm>> -> memref<10008x144xf32, #tpu.memory_space<hbm>>
          tpu.enqueue_indirect_dma source(%dma_start3A_225 : memref<10008x144xf32, #tpu.memory_space<hbm>>) target(%dma_start3A_219 : memref<80x144xf32, #tpu.memory_space<vmem>>) offsets(%dma_start3A_222 : memref<80xi32, #tpu.memory_space<vmem>>) semaphore(%arg11 : memref<!tpu.dma_semaphore, #tpu.memory_space<semaphore_mem>>)
        } else {
        }
        %rem3A_205 = arith.constant 2 : i32
        %rem3A_206 = arith.remsi %add3A_197, %rem3A_205 : i32
        %eq3A_207 = arith.constant 1 : i32
        %eq3A_208 = arith.cmpi eq, %rem3A_206, %eq3A_207 : i32
        %convert_element_type3A_209 = arith.extui %eq3A_208 : i1 to i32
        %cond3A_210 = arith.constant 0 : i32
        %cond3A_211 = arith.cmpi ne, %convert_element_type3A_209, %cond3A_210 : i32
        scf.if %cond3A_211 {
          %rem3A_212 = arith.constant 4 : i32
          %rem3A_213 = arith.remsi %add3A_197, %rem3A_212 : i32
          %rem3A_214 = arith.constant 3 : i32
          %rem3A_215 = arith.remsi %add3A_197, %rem3A_214 : i32
          %mul3A_216 = arith.constant 80 : i32
          %mul3A_217 = arith.muli %rem3A_215, %mul3A_216 : i32
          %dma_start3A_218 = arith.constant 0 : i32
          %dma_start3A_219 = tpu.memref_slice %arg8[%mul3A_217, %dma_start3A_218] : memref<240x144xf32, #tpu.memory_space<vmem>> -> memref<80x144xf32, #tpu.memory_space<vmem>>
          %dma_start3A_220 = arith.constant 0 : i32
          %dma_start3A_221 = tpu.memref_slice %arg6[%rem3A_213, %dma_start3A_220] : memref<4x80xi32, #tpu.memory_space<vmem>> -> memref<1x80xi32, #tpu.memory_space<vmem>>
          %dma_start3A_222 = tpu.memref_squeeze %dma_start3A_221 : memref<1x80xi32, #tpu.memory_space<vmem>> -> memref<80xi32, #tpu.memory_space<vmem>>
          %dma_start3A_223 = arith.constant 0 : i32
          %dma_start3A_224 = arith.constant 0 : i32
          %dma_start3A_225 = tpu.memref_slice %arg2[%dma_start3A_223, %dma_start3A_224] : memref<10008x144xf32, #tpu.memory_space<hbm>> -> memref<10008x144xf32, #tpu.memory_space<hbm>>
          tpu.enqueue_indirect_dma source(%dma_start3A_225 : memref<10008x144xf32, #tpu.memory_space<hbm>>) target(%dma_start3A_219 : memref<80x144xf32, #tpu.memory_space<vmem>>) offsets(%dma_start3A_222 : memref<80xi32, #tpu.memory_space<vmem>>) semaphore(%arg12 : memref<!tpu.dma_semaphore, #tpu.memory_space<semaphore_mem>>)
        } else {
        }
      } else {
      }
      %add3A_148 = arith.constant 3 : i32
      %add3A_149 = arith.addi %while3A_126, %add3A_148 : i32
      %lt3A_150 = arith.cmpi slt, %add3A_149, %select_n3A : i32
      %convert_element_type3A_151 = arith.extui %lt3A_150 : i1 to i32
      %cond3A_152 = arith.constant 0 : i32
      %cond3A_153 = arith.cmpi ne, %convert_element_type3A_151, %cond3A_152 : i32
      scf.if %cond3A_153 {
        %add3A_168 = arith.constant 3 : i32
        %add3A_169 = arith.addi %while3A_126, %add3A_168 : i32
        %rem3A_170 = arith.constant 4 : i32
        %rem3A_171 = arith.remsi %add3A_169, %rem3A_170 : i32
        %add3A_172 = arith.addi %select_n3A_23, %add3A_169 : i32
        %dma_start3A_173 = arith.constant 0 : i32
        %dma_start3A_174 = tpu.memref_slice %arg6[%rem3A_171, %dma_start3A_173] : memref<4x80xi32, #tpu.memory_space<vmem>> -> memref<1x80xi32, #tpu.memory_space<vmem>>
        %dma_start3A_175 = tpu.memref_squeeze %dma_start3A_174 : memref<1x80xi32, #tpu.memory_space<vmem>> -> memref<80xi32, #tpu.memory_space<vmem>>
        %dma_start3A_176 = arith.constant 0 : i32
        %dma_start3A_177 = tpu.memref_slice %arg3[%add3A_172, %dma_start3A_176] : memref<4000x80xi32, #tpu.memory_space<hbm>> -> memref<1x80xi32, #tpu.memory_space<hbm>>
        %dma_start3A_178 = tpu.memref_squeeze %dma_start3A_177 : memref<1x80xi32, #tpu.memory_space<hbm>> -> memref<80xi32, #tpu.memory_space<hbm>>
        %dma_start3A_179 = arith.constant 0 : i32
        %dma_start3A_180 = tpu.memref_slice %arg6[%rem3A_171, %dma_start3A_179] : memref<4x80xi32, #tpu.memory_space<vmem>> -> memref<1x80xi32, #tpu.memory_space<vmem>>
        %dma_start3A_181 = tpu.memref_squeeze %dma_start3A_180 : memref<1x80xi32, #tpu.memory_space<vmem>> -> memref<80xi32, #tpu.memory_space<vmem>>
        %dma_start3A_182 = arith.constant 0 : i32
        %dma_start3A_183 = tpu.memref_slice %arg3[%add3A_172, %dma_start3A_182] : memref<4000x80xi32, #tpu.memory_space<hbm>> -> memref<1x80xi32, #tpu.memory_space<hbm>>
        %dma_start3A_184 = tpu.memref_squeeze %dma_start3A_183 : memref<1x80xi32, #tpu.memory_space<hbm>> -> memref<80xi32, #tpu.memory_space<hbm>>
        tpu.enqueue_dma source(%dma_start3A_184 : memref<80xi32, #tpu.memory_space<hbm>>) target(%dma_start3A_181 : memref<80xi32, #tpu.memory_space<vmem>>) target_semaphore(%arg10 : memref<!tpu.dma_semaphore, #tpu.memory_space<semaphore_mem>>)
        %add3A_185 = arith.addi %select_n3A_23, %add3A_169 : i32
        %dma_start3A_186 = arith.constant 0 : i32
        %dma_start3A_187 = tpu.memref_slice %arg7[%rem3A_171, %dma_start3A_186] : memref<4x80xi32, #tpu.memory_space<vmem>> -> memref<1x80xi32, #tpu.memory_space<vmem>>
        %dma_start3A_188 = tpu.memref_squeeze %dma_start3A_187 : memref<1x80xi32, #tpu.memory_space<vmem>> -> memref<80xi32, #tpu.memory_space<vmem>>
        %dma_start3A_189 = arith.constant 0 : i32
        %dma_start3A_190 = tpu.memref_slice %arg4[%add3A_185, %dma_start3A_189] : memref<4000x80xi32, #tpu.memory_space<hbm>> -> memref<1x80xi32, #tpu.memory_space<hbm>>
        %dma_start3A_191 = tpu.memref_squeeze %dma_start3A_190 : memref<1x80xi32, #tpu.memory_space<hbm>> -> memref<80xi32, #tpu.memory_space<hbm>>
        %dma_start3A_192 = arith.constant 0 : i32
        %dma_start3A_193 = tpu.memref_slice %arg7[%rem3A_171, %dma_start3A_192] : memref<4x80xi32, #tpu.memory_space<vmem>> -> memref<1x80xi32, #tpu.memory_space<vmem>>
        %dma_start3A_194 = tpu.memref_squeeze %dma_start3A_193 : memref<1x80xi32, #tpu.memory_space<vmem>> -> memref<80xi32, #tpu.memory_space<vmem>>
        %dma_start3A_195 = arith.constant 0 : i32
        %dma_start3A_196 = tpu.memref_slice %arg4[%add3A_185, %dma_start3A_195] : memref<4000x80xi32, #tpu.memory_space<hbm>> -> memref<1x80xi32, #tpu.memory_space<hbm>>
        %dma_start3A_197 = tpu.memref_squeeze %dma_start3A_196 : memref<1x80xi32, #tpu.memory_space<hbm>> -> memref<80xi32, #tpu.memory_space<hbm>>
        tpu.enqueue_dma source(%dma_start3A_197 : memref<80xi32, #tpu.memory_space<hbm>>) target(%dma_start3A_194 : memref<80xi32, #tpu.memory_space<vmem>>) target_semaphore(%arg10 : memref<!tpu.dma_semaphore, #tpu.memory_space<semaphore_mem>>)
      } else {
      }
      %rem3A_154 = arith.constant 3 : i32
      %rem3A_155 = arith.remsi %while3A_126, %rem3A_154 : i32
      %mul3A_156 = arith.constant 80 : i32
      %mul3A_157 = arith.muli %rem3A_155, %mul3A_156 : i32
      %rem3A_158 = arith.constant 4 : i32
      %rem3A_159 = arith.remsi %while3A_126, %rem3A_158 : i32
      %dma_start3A_160 = arith.constant 0 : i32
      %dma_start3A_161 = tpu.memref_slice %arg8[%mul3A_157, %dma_start3A_160] : memref<240x144xf32, #tpu.memory_space<vmem>> -> memref<80x144xf32, #tpu.memory_space<vmem>>
      %dma_start3A_162 = arith.constant 0 : i32
      %dma_start3A_163 = tpu.memref_slice %arg7[%rem3A_159, %dma_start3A_162] : memref<4x80xi32, #tpu.memory_space<vmem>> -> memref<1x80xi32, #tpu.memory_space<vmem>>
      %dma_start3A_164 = tpu.memref_squeeze %dma_start3A_163 : memref<1x80xi32, #tpu.memory_space<vmem>> -> memref<80xi32, #tpu.memory_space<vmem>>
      %dma_start3A_165 = arith.constant 0 : i32
      %dma_start3A_166 = arith.constant 0 : i32
      %dma_start3A_167 = tpu.memref_slice %arg9[%dma_start3A_165, %dma_start3A_166] : memref<10112x144xf32, #tpu.memory_space<vmem_shared>> -> memref<10112x144xf32, #tpu.memory_space<vmem_shared>>
      tpu.enqueue_indirect_dma source(%dma_start3A_161 : memref<80x144xf32, #tpu.memory_space<vmem>>) target(%dma_start3A_167 : memref<10112x144xf32, #tpu.memory_space<vmem_shared>>) offsets(%dma_start3A_164 : memref<80xi32, #tpu.memory_space<vmem>>) semaphore(%arg13 : memref<!tpu.dma_semaphore, #tpu.memory_space<semaphore_mem>>) {add = true}
    }
    %sub3A = arith.constant 1 : i32
    %sub3A_108 = arith.subi %select_n3A, %sub3A : i32
    %rem3A_109 = arith.constant 3 : i32
    %rem3A_110 = arith.remsi %sub3A_108, %rem3A_109 : i32
    %mul3A_111 = arith.constant 80 : i32
    %mul3A_112 = arith.muli %rem3A_110, %mul3A_111 : i32
    %rem3A_113 = arith.constant 4 : i32
    %rem3A_114 = arith.remsi %sub3A_108, %rem3A_113 : i32
    %dma_wait3A = arith.constant 0 : i32
    %dma_wait3A_115 = tpu.memref_slice %arg8[%mul3A_112, %dma_wait3A] : memref<240x144xf32, #tpu.memory_space<vmem>> -> memref<80x144xf32, #tpu.memory_space<vmem>>
    %dma_wait3A_116 = arith.constant 0 : i32
    %dma_wait3A_117 = tpu.memref_slice %arg7[%rem3A_114, %dma_wait3A_116] : memref<4x80xi32, #tpu.memory_space<vmem>> -> memref<1x80xi32, #tpu.memory_space<vmem>>
    %dma_wait3A_118 = tpu.memref_squeeze %dma_wait3A_117 : memref<1x80xi32, #tpu.memory_space<vmem>> -> memref<80xi32, #tpu.memory_space<vmem>>
    %dma_wait3A_119 = arith.constant 0 : i32
    %dma_wait3A_120 = arith.constant 0 : i32
    %dma_wait3A_121 = tpu.memref_slice %arg9[%dma_wait3A_119, %dma_wait3A_120] : memref<10112x144xf32, #tpu.memory_space<vmem_shared>> -> memref<10112x144xf32, #tpu.memory_space<vmem_shared>>
    tpu.wait_indirect_dma semaphore(%arg13 : memref<!tpu.dma_semaphore, #tpu.memory_space<semaphore_mem>>) src(%dma_wait3A_115 : memref<80x144xf32, #tpu.memory_space<vmem>>) dst(%dma_wait3A_121 : memref<10112x144xf32, #tpu.memory_space<vmem_shared>>)
    %barrier3A_122 = arith.constant 0 : index
    tpu.barrier barrier_id(%barrier3A_122)
    %mul3A_123 = arith.constant 10112 : i32
    %mul3A_124 = arith.muli %arg0, %mul3A_123 : i32
    %add3A_125 = arith.addi %mul3A_124, %mul3A_7 : i32
    "tpu.region"() ({
      %run_scoped3A = tpu.sem_alloc : memref<!tpu.dma_semaphore, #tpu.memory_space<semaphore_mem>>
      %dma_start3A_126 = arith.constant 0 : i32
      %dma_start3A_127 = tpu.memref_slice %arg5[%add3A_125, %dma_start3A_126] : memref<20224x144xf32, #tpu.memory_space<hbm>> -> memref<632x144xf32, #tpu.memory_space<hbm>>
      %dma_start3A_128 = arith.constant 0 : i32
      %dma_start3A_129 = tpu.memref_slice %arg9[%mul3A_7, %dma_start3A_128] : memref<10112x144xf32, #tpu.memory_space<vmem_shared>> -> memref<632x144xf32, #tpu.memory_space<vmem_shared>>
      tpu.enqueue_dma source(%dma_start3A_129 : memref<632x144xf32, #tpu.memory_space<vmem_shared>>) target(%dma_start3A_127 : memref<632x144xf32, #tpu.memory_space<hbm>>) target_semaphore(%run_scoped3A : memref<!tpu.dma_semaphore, #tpu.memory_space<semaphore_mem>>)
      %dma_wait3A_130 = arith.constant 0 : i32
      %dma_wait3A_131 = tpu.memref_slice %arg5[%add3A_125, %dma_wait3A_130] : memref<20224x144xf32, #tpu.memory_space<hbm>> -> memref<632x144xf32, #tpu.memory_space<hbm>>
      %dma_wait3A_132 = arith.constant 0 : i32
      %dma_wait3A_133 = tpu.memref_slice %arg9[%mul3A_7, %dma_wait3A_132] : memref<10112x144xf32, #tpu.memory_space<vmem_shared>> -> memref<632x144xf32, #tpu.memory_space<vmem_shared>>
      tpu.wait_dma2 semaphore(%run_scoped3A : memref<!tpu.dma_semaphore, #tpu.memory_space<semaphore_mem>>) src(%dma_wait3A_133 : memref<632x144xf32, #tpu.memory_space<vmem_shared>>) dst(%dma_wait3A_131 : memref<632x144xf32, #tpu.memory_space<hbm>>)
      tpu.yield
    }) : () -> ()
    return
  }
}

module attributes {stable_mosaic.version = 14 : i64} {
  func.func @body(%arg0: i32, %arg1: memref<1112x128xf32, #tpu.memory_space<vmem>>, %arg2: memref<1x128xf32, #tpu.memory_space<vmem>>, %arg3: memref<1112x128xf32, #tpu.memory_space<vmem>>, %arg4: memref<1112x128xf32, #tpu.memory_space<vmem>>, %arg5: memref<1112x144xf32, #tpu.memory_space<vmem>>) attributes {dimension_semantics = [#tpu.dimension_semantics<arbitrary>], iteration_bounds = array<i64: 9>, scalar_prefetch = 0 : i64, scratch_operands = 0 : i64, tpu.core_type = #tpu.core_type<tc>, window_params = [{transform_indices = @transform_0, window_bounds = array<i64: 1112, 128>}, {pipeline_mode = #tpu.pipeline_mode<synchronous>, transform_indices = @transform_1, window_bounds = array<i64: 1, 128>}, {transform_indices = @transform_2, window_bounds = array<i64: 1112, 128>}, {transform_indices = @transform_3, window_bounds = array<i64: 1112, 128>}, {transform_indices = @transform_4, window_bounds = array<i64: 1112, 144>}]} {
    %mul3A = arith.constant 1112 : i32
    %mul3A_0 = arith.muli %arg0, %mul3A : i32
    %iota3A = tpu.iota {dimensions = array<i32: 0>} : vector<1112x1xi32>
    %add3A = vector.broadcast %mul3A_0 : i32 to vector<1112x1xi32>
    %add3A_1 = arith.addi %add3A, %iota3A : vector<1112x1xi32>
    %lt3A = arith.constant 10000 : i32
    %lt3A_2 = vector.broadcast %lt3A : i32 to vector<1112x1xi32>
    %lt3A_3 = arith.cmpi slt, %add3A_1, %lt3A_2 : vector<1112x1xi32>
    %get3A = arith.constant 0 : index
    %get3A_4 = arith.constant 0 : index
    %get3A_5 = vector.load %arg1[%get3A, %get3A_4] : memref<1112x128xf32, #tpu.memory_space<vmem>>, vector<1112x128xf32>
    %jit3A = arith.constant 0.000000e+00 : f32
    %broadcast_in_dim3A = vector.shape_cast %lt3A_3 : vector<1112x1xi1> to vector<1112x1xi1>
    %broadcast_in_dim3A_6 = vector.broadcast %broadcast_in_dim3A : vector<1112x1xi1> to vector<1112x128xi1>
    %broadcast_in_dim3A_7 = vector.broadcast %jit3A : f32 to vector<1112x128xf32>
    %select_n3A = arith.select %broadcast_in_dim3A_6, %get3A_5, %broadcast_in_dim3A_7 : vector<1112x128xi1>, vector<1112x128xf32>
    %tanh3A = math.tanh %select_n3A : vector<1112x128xf32>
    %swap3A = arith.constant 0 : index
    %swap3A_8 = arith.constant 0 : index
    %swap3A_9 = vector.load %arg4[%swap3A, %swap3A_8] : memref<1112x128xf32, #tpu.memory_space<vmem>>, vector<1112x128xf32>
    tpu.vector_store %arg4[%swap3A, %swap3A_8], %tanh3A {strides = array<i32>} : memref<1112x128xf32, #tpu.memory_space<vmem>>, vector<1112x128xf32>,
    %get3A_10 = arith.constant 0 : index
    %get3A_11 = arith.constant 0 : index
    %get3A_12 = vector.load %arg2[%get3A_10, %get3A_11] : memref<1x128xf32, #tpu.memory_space<vmem>>, vector<1x128xf32>
    %mul3A_13 = arith.mulf %get3A_12, %get3A_12 : vector<1x128xf32>
    %reduce_sum3A = vector.shape_cast %mul3A_13 : vector<1x128xf32> to vector<1x1x128xf32>
    %reduce_sum3A_14 = arith.constant dense<0.000000e+00> : vector<1xf32>
    %reduce_sum3A_15 = vector.multi_reduction <add>, %reduce_sum3A, %reduce_sum3A_14 [1, 2] : vector<1x1x128xf32> to vector<1xf32>
    %reduce_sum3A_16 = vector.shape_cast %reduce_sum3A_15 : vector<1xf32> to vector<1x1x1xf32>
    %reduce_sum3A_17 = vector.extract %reduce_sum3A_16[0, 0, 0] : f32 from vector<1x1x1xf32>
    %sqrt3A = math.sqrt %reduce_sum3A_17 : f32
    %max3A = arith.constant 9.99999996E-13 : f32
    %max3A_18 = arith.maximumf %sqrt3A, %max3A : f32
    %div3A = vector.broadcast %max3A_18 : f32 to vector<1x128xf32>
    %div3A_19 = arith.divf %get3A_12, %div3A : vector<1x128xf32>
    %mul3A_20 = vector.broadcast %div3A_19 : vector<1x128xf32> to vector<1112x128xf32>
    %mul3A_21 = arith.mulf %tanh3A, %mul3A_20 : vector<1112x128xf32>
    %reduce_sum3A_22 = arith.constant dense<0.000000e+00> : vector<1112xf32>
    %reduce_sum3A_23 = vector.multi_reduction <add>, %mul3A_21, %reduce_sum3A_22 [1] : vector<1112x128xf32> to vector<1112xf32>
    %broadcast_in_dim3A_24 = vector.shape_cast %reduce_sum3A_23 : vector<1112xf32> to vector<1112x1xf32>
    %mul3A_25 = arith.mulf %tanh3A, %tanh3A : vector<1112x128xf32>
    %reduce_sum3A_26 = arith.constant dense<0.000000e+00> : vector<1112xf32>
    %reduce_sum3A_27 = vector.multi_reduction <add>, %mul3A_25, %reduce_sum3A_26 [1] : vector<1112x128xf32> to vector<1112xf32>
    %broadcast_in_dim3A_28 = vector.shape_cast %reduce_sum3A_27 : vector<1112xf32> to vector<1112x1xf32>
    %sqrt3A_29 = math.sqrt %broadcast_in_dim3A_28 : vector<1112x1xf32>
    %neg3A = arith.constant 0.000000e+00 : f32
    %neg3A_30 = vector.broadcast %neg3A : f32 to vector<1112x1xf32>
    %neg3A_31 = arith.subf %neg3A_30, %broadcast_in_dim3A_24 : vector<1112x1xf32>
    %max3A_32 = arith.constant 9.99999996E-13 : f32
    %max3A_33 = vector.broadcast %max3A_32 : f32 to vector<1112x1xf32>
    %max3A_34 = arith.maximumf %sqrt3A_29, %max3A_33 : vector<1112x1xf32>
    %div3A_35 = arith.divf %neg3A_31, %max3A_34 : vector<1112x1xf32>
    %exp3A = math.exp %div3A_35 : vector<1112x1xf32>
    %iota3A_36 = tpu.iota {dimensions = array<i32: 1>} : vector<1112x16xi32>
    %eq3A = arith.constant 0 : i32
    %eq3A_37 = vector.broadcast %eq3A : i32 to vector<1112x16xi32>
    %eq3A_38 = arith.cmpi eq, %iota3A_36, %eq3A_37 : vector<1112x16xi32>
    %broadcast_in_dim3A_39 = arith.constant 0.000000e+00 : f32
    %broadcast_in_dim3A_40 = vector.broadcast %broadcast_in_dim3A_39 : f32 to vector<1112x1xf32>
    %broadcast_in_dim3A_41 = vector.shape_cast %exp3A : vector<1112x1xf32> to vector<1112x1xf32>
    %broadcast_in_dim3A_42 = vector.broadcast %broadcast_in_dim3A_41 : vector<1112x1xf32> to vector<1112x16xf32>
    %broadcast_in_dim3A_43 = vector.shape_cast %broadcast_in_dim3A_40 : vector<1112x1xf32> to vector<1112x1xf32>
    %broadcast_in_dim3A_44 = vector.broadcast %broadcast_in_dim3A_43 : vector<1112x1xf32> to vector<1112x16xf32>
    %select_n3A_45 = arith.select %eq3A_38, %broadcast_in_dim3A_42, %broadcast_in_dim3A_44 : vector<1112x16xi1>, vector<1112x16xf32>
    %mul3A_46 = vector.broadcast %exp3A : vector<1112x1xf32> to vector<1112x128xf32>
    %mul3A_47 = arith.mulf %tanh3A, %mul3A_46 : vector<1112x128xf32>
    %concatenate3A = tpu.concatenate %mul3A_47, %select_n3A_45 in 1 : vector<1112x128xf32>, vector<1112x16xf32> -> vector<1112x144xf32>
    %broadcast_in_dim3A_48 = arith.constant 0.000000e+00 : f32
    %broadcast_in_dim3A_49 = vector.broadcast %broadcast_in_dim3A_48 : f32 to vector<1112x144xf32>
    %broadcast_in_dim3A_50 = vector.shape_cast %lt3A_3 : vector<1112x1xi1> to vector<1112x1xi1>
    %broadcast_in_dim3A_51 = vector.broadcast %broadcast_in_dim3A_50 : vector<1112x1xi1> to vector<1112x144xi1>
    %select_n3A_52 = arith.select %broadcast_in_dim3A_51, %concatenate3A, %broadcast_in_dim3A_49 : vector<1112x144xi1>, vector<1112x144xf32>
    %swap3A_53 = arith.constant 0 : index
    %swap3A_54 = arith.constant 0 : index
    %swap3A_55 = vector.load %arg5[%swap3A_53, %swap3A_54] : memref<1112x144xf32, #tpu.memory_space<vmem>>, vector<1112x144xf32>
    tpu.vector_store %arg5[%swap3A_53, %swap3A_54], %select_n3A_52 {strides = array<i32>} : memref<1112x144xf32, #tpu.memory_space<vmem>>, vector<1112x144xf32>,
    return
  }
  func.func @transform_0(%arg0: i32) -> (i32, i32) {
    %c0_i32 = arith.constant 0 : i32
    %c0_i32_0 = arith.constant 0 : i32
    return %arg0, %c0_i32 : i32, i32
  }
  func.func @transform_1(%arg0: i32) -> (i32, i32) {
    %c0_i32 = arith.constant 0 : i32
    %c0_i32_0 = arith.constant 0 : i32
    %c0_i32_1 = arith.constant 0 : i32
    return %c0_i32, %c0_i32_0 : i32, i32
  }
  func.func @transform_2(%arg0: i32) -> (i32, i32) {
    %c0_i32 = arith.constant 0 : i32
    %c0_i32_0 = arith.constant 0 : i32
    return %arg0, %c0_i32 : i32, i32
  }
  func.func @transform_3(%arg0: i32) -> (i32, i32) {
    %c0_i32 = arith.constant 0 : i32
    %c0_i32_0 = arith.constant 0 : i32
    return %arg0, %c0_i32 : i32, i32
  }
  func.func @transform_4(%arg0: i32) -> (i32, i32) {
    %c0_i32 = arith.constant 0 : i32
    %c0_i32_0 = arith.constant 0 : i32
    return %arg0, %c0_i32 : i32, i32
  }
}

module attributes {stable_mosaic.version = 14 : i64} {
  func.func @body(%arg0: i32, %arg1: memref<1x1112x144xf32, #tpu.memory_space<vmem>>, %arg2: memref<1x1112x144xf32, #tpu.memory_space<vmem>>, %arg3: memref<1x128xf32, #tpu.memory_space<vmem>>, %arg4: memref<1112x128xf32, #tpu.memory_space<vmem>>, %arg5: memref<1112x128xf32, #tpu.memory_space<vmem>>, %arg6: memref<1112x144xf32, #tpu.memory_space<vmem>>) attributes {dimension_semantics = [#tpu.dimension_semantics<arbitrary>], iteration_bounds = array<i64: 9>, scalar_prefetch = 0 : i64, scratch_operands = 0 : i64, tpu.core_type = #tpu.core_type<tc>, window_params = [{transform_indices = @transform_0, window_bounds = array<i64: 1, 1112, 144>}, {transform_indices = @transform_1, window_bounds = array<i64: 1, 1112, 144>}, {pipeline_mode = #tpu.pipeline_mode<synchronous>, transform_indices = @transform_2, window_bounds = array<i64: 1, 128>}, {transform_indices = @transform_3, window_bounds = array<i64: 1112, 128>}, {transform_indices = @transform_4, window_bounds = array<i64: 1112, 128>}, {transform_indices = @transform_5, window_bounds = array<i64: 1112, 144>}]} {
    %mul3A = arith.constant 1112 : i32
    %mul3A_0 = arith.muli %arg0, %mul3A : i32
    %iota3A = tpu.iota {dimensions = array<i32: 0>} : vector<1112x1xi32>
    %add3A = vector.broadcast %mul3A_0 : i32 to vector<1112x1xi32>
    %add3A_1 = arith.addi %add3A, %iota3A : vector<1112x1xi32>
    %lt3A = arith.constant 10000 : i32
    %lt3A_2 = vector.broadcast %lt3A : i32 to vector<1112x1xi32>
    %lt3A_3 = arith.cmpi slt, %add3A_1, %lt3A_2 : vector<1112x1xi32>
    %get3A = arith.constant 0 : index
    %get3A_4 = arith.constant 0 : index
    %get3A_5 = arith.constant 0 : index
    %get3A_6 = vector.load %arg1[%get3A, %get3A_4, %get3A_5] : memref<1x1112x144xf32, #tpu.memory_space<vmem>>, vector<1x1112x144xf32>
    %get3A_7 = vector.shape_cast %get3A_6 : vector<1x1112x144xf32> to vector<1112x144xf32>
    %get3A_8 = arith.constant 0 : index
    %get3A_9 = arith.constant 0 : index
    %get3A_10 = arith.constant 0 : index
    %get3A_11 = vector.load %arg2[%get3A_8, %get3A_9, %get3A_10] : memref<1x1112x144xf32, #tpu.memory_space<vmem>>, vector<1x1112x144xf32>
    %get3A_12 = vector.shape_cast %get3A_11 : vector<1x1112x144xf32> to vector<1112x144xf32>
    %add3A_13 = arith.addf %get3A_7, %get3A_12 : vector<1112x144xf32>
    %slice3A = vector.extract_strided_slice %add3A_13 {offsets = [0, 0], sizes = [1112, 128], strides = [1, 1]} : vector<1112x144xf32> to vector<1112x128xf32>
    %slice3A_14 = vector.extract_strided_slice %add3A_13 {offsets = [0, 128], sizes = [1112, 1], strides = [1, 1]} : vector<1112x144xf32> to vector<1112x1xf32>
    %max3A = arith.constant 9.99999996E-13 : f32
    %max3A_15 = vector.broadcast %max3A : f32 to vector<1112x1xf32>
    %max3A_16 = arith.maximumf %slice3A_14, %max3A_15 : vector<1112x1xf32>
    %div3A = vector.broadcast %max3A_16 : vector<1112x1xf32> to vector<1112x128xf32>
    %div3A_17 = arith.divf %slice3A, %div3A : vector<1112x128xf32>
    %tanh3A = math.tanh %div3A_17 : vector<1112x128xf32>
    %jit3A = arith.constant 0.000000e+00 : f32
    %broadcast_in_dim3A = vector.shape_cast %lt3A_3 : vector<1112x1xi1> to vector<1112x1xi1>
    %broadcast_in_dim3A_18 = vector.broadcast %broadcast_in_dim3A : vector<1112x1xi1> to vector<1112x128xi1>
    %broadcast_in_dim3A_19 = vector.broadcast %jit3A : f32 to vector<1112x128xf32>
    %select_n3A = arith.select %broadcast_in_dim3A_18, %tanh3A, %broadcast_in_dim3A_19 : vector<1112x128xi1>, vector<1112x128xf32>
    %swap3A = arith.constant 0 : index
    %swap3A_20 = arith.constant 0 : index
    %swap3A_21 = vector.load %arg5[%swap3A, %swap3A_20] : memref<1112x128xf32, #tpu.memory_space<vmem>>, vector<1112x128xf32>
    tpu.vector_store %arg5[%swap3A, %swap3A_20], %select_n3A {strides = array<i32>} : memref<1112x128xf32, #tpu.memory_space<vmem>>, vector<1112x128xf32>,
    %get3A_22 = arith.constant 0 : index
    %get3A_23 = arith.constant 0 : index
    %get3A_24 = vector.load %arg3[%get3A_22, %get3A_23] : memref<1x128xf32, #tpu.memory_space<vmem>>, vector<1x128xf32>
    %mul3A_25 = arith.mulf %get3A_24, %get3A_24 : vector<1x128xf32>
    %reduce_sum3A = vector.shape_cast %mul3A_25 : vector<1x128xf32> to vector<1x1x128xf32>
    %reduce_sum3A_26 = arith.constant dense<0.000000e+00> : vector<1xf32>
    %reduce_sum3A_27 = vector.multi_reduction <add>, %reduce_sum3A, %reduce_sum3A_26 [1, 2] : vector<1x1x128xf32> to vector<1xf32>
    %reduce_sum3A_28 = vector.shape_cast %reduce_sum3A_27 : vector<1xf32> to vector<1x1x1xf32>
    %reduce_sum3A_29 = vector.extract %reduce_sum3A_28[0, 0, 0] : f32 from vector<1x1x1xf32>
    %sqrt3A = math.sqrt %reduce_sum3A_29 : f32
    %max3A_30 = arith.constant 9.99999996E-13 : f32
    %max3A_31 = arith.maximumf %sqrt3A, %max3A_30 : f32
    %div3A_32 = vector.broadcast %max3A_31 : f32 to vector<1x128xf32>
    %div3A_33 = arith.divf %get3A_24, %div3A_32 : vector<1x128xf32>
    %mul3A_34 = vector.broadcast %div3A_33 : vector<1x128xf32> to vector<1112x128xf32>
    %mul3A_35 = arith.mulf %select_n3A, %mul3A_34 : vector<1112x128xf32>
    %reduce_sum3A_36 = arith.constant dense<0.000000e+00> : vector<1112xf32>
    %reduce_sum3A_37 = vector.multi_reduction <add>, %mul3A_35, %reduce_sum3A_36 [1] : vector<1112x128xf32> to vector<1112xf32>
    %broadcast_in_dim3A_38 = vector.shape_cast %reduce_sum3A_37 : vector<1112xf32> to vector<1112x1xf32>
    %mul3A_39 = arith.mulf %select_n3A, %select_n3A : vector<1112x128xf32>
    %reduce_sum3A_40 = arith.constant dense<0.000000e+00> : vector<1112xf32>
    %reduce_sum3A_41 = vector.multi_reduction <add>, %mul3A_39, %reduce_sum3A_40 [1] : vector<1112x128xf32> to vector<1112xf32>
    %broadcast_in_dim3A_42 = vector.shape_cast %reduce_sum3A_41 : vector<1112xf32> to vector<1112x1xf32>
    %sqrt3A_43 = math.sqrt %broadcast_in_dim3A_42 : vector<1112x1xf32>
    %neg3A = arith.constant 0.000000e+00 : f32
    %neg3A_44 = vector.broadcast %neg3A : f32 to vector<1112x1xf32>
    %neg3A_45 = arith.subf %neg3A_44, %broadcast_in_dim3A_38 : vector<1112x1xf32>
    %max3A_46 = arith.constant 9.99999996E-13 : f32
    %max3A_47 = vector.broadcast %max3A_46 : f32 to vector<1112x1xf32>
    %max3A_48 = arith.maximumf %sqrt3A_43, %max3A_47 : vector<1112x1xf32>
    %div3A_49 = arith.divf %neg3A_45, %max3A_48 : vector<1112x1xf32>
    %exp3A = math.exp %div3A_49 : vector<1112x1xf32>
    %iota3A_50 = tpu.iota {dimensions = array<i32: 1>} : vector<1112x16xi32>
    %eq3A = arith.constant 0 : i32
    %eq3A_51 = vector.broadcast %eq3A : i32 to vector<1112x16xi32>
    %eq3A_52 = arith.cmpi eq, %iota3A_50, %eq3A_51 : vector<1112x16xi32>
    %broadcast_in_dim3A_53 = arith.constant 0.000000e+00 : f32
    %broadcast_in_dim3A_54 = vector.broadcast %broadcast_in_dim3A_53 : f32 to vector<1112x1xf32>
    %broadcast_in_dim3A_55 = vector.shape_cast %exp3A : vector<1112x1xf32> to vector<1112x1xf32>
    %broadcast_in_dim3A_56 = vector.broadcast %broadcast_in_dim3A_55 : vector<1112x1xf32> to vector<1112x16xf32>
    %broadcast_in_dim3A_57 = vector.shape_cast %broadcast_in_dim3A_54 : vector<1112x1xf32> to vector<1112x1xf32>
    %broadcast_in_dim3A_58 = vector.broadcast %broadcast_in_dim3A_57 : vector<1112x1xf32> to vector<1112x16xf32>
    %select_n3A_59 = arith.select %eq3A_52, %broadcast_in_dim3A_56, %broadcast_in_dim3A_58 : vector<1112x16xi1>, vector<1112x16xf32>
    %mul3A_60 = vector.broadcast %exp3A : vector<1112x1xf32> to vector<1112x128xf32>
    %mul3A_61 = arith.mulf %select_n3A, %mul3A_60 : vector<1112x128xf32>
    %concatenate3A = tpu.concatenate %mul3A_61, %select_n3A_59 in 1 : vector<1112x128xf32>, vector<1112x16xf32> -> vector<1112x144xf32>
    %broadcast_in_dim3A_62 = arith.constant 0.000000e+00 : f32
    %broadcast_in_dim3A_63 = vector.broadcast %broadcast_in_dim3A_62 : f32 to vector<1112x144xf32>
    %broadcast_in_dim3A_64 = vector.shape_cast %lt3A_3 : vector<1112x1xi1> to vector<1112x1xi1>
    %broadcast_in_dim3A_65 = vector.broadcast %broadcast_in_dim3A_64 : vector<1112x1xi1> to vector<1112x144xi1>
    %select_n3A_66 = arith.select %broadcast_in_dim3A_65, %concatenate3A, %broadcast_in_dim3A_63 : vector<1112x144xi1>, vector<1112x144xf32>
    %swap3A_67 = arith.constant 0 : index
    %swap3A_68 = arith.constant 0 : index
    %swap3A_69 = vector.load %arg6[%swap3A_67, %swap3A_68] : memref<1112x144xf32, #tpu.memory_space<vmem>>, vector<1112x144xf32>
    tpu.vector_store %arg6[%swap3A_67, %swap3A_68], %select_n3A_66 {strides = array<i32>} : memref<1112x144xf32, #tpu.memory_space<vmem>>, vector<1112x144xf32>,
    return
  }
  func.func @transform_0(%arg0: i32) -> (i32, i32, i32) {
    %c0_i32 = arith.constant 0 : i32
    %c0_i32_0 = arith.constant 0 : i32
    %c0_i32_1 = arith.constant 0 : i32
    return %c0_i32, %arg0, %c0_i32_0 : i32, i32, i32
  }
  func.func @transform_1(%arg0: i32) -> (i32, i32, i32) {
    %c1_i32 = arith.constant 1 : i32
    %c0_i32 = arith.constant 0 : i32
    %c0_i32_0 = arith.constant 0 : i32
    return %c1_i32, %arg0, %c0_i32 : i32, i32, i32
  }
  func.func @transform_2(%arg0: i32) -> (i32, i32) {
    %c0_i32 = arith.constant 0 : i32
    %c0_i32_0 = arith.constant 0 : i32
    %c0_i32_1 = arith.constant 0 : i32
    return %c0_i32, %c0_i32_0 : i32, i32
  }
  func.func @transform_3(%arg0: i32) -> (i32, i32) {
    %c1_i32 = arith.constant 1 : i32
    %c0_i32 = arith.constant 0 : i32
    return %arg0, %c1_i32 : i32, i32
  }
  func.func @transform_4(%arg0: i32) -> (i32, i32) {
    %c1_i32 = arith.constant 1 : i32
    %c0_i32 = arith.constant 0 : i32
    return %arg0, %c1_i32 : i32, i32
  }
  func.func @transform_5(%arg0: i32) -> (i32, i32) {
    %c0_i32 = arith.constant 0 : i32
    %c0_i32_0 = arith.constant 0 : i32
    return %arg0, %c0_i32 : i32, i32
  }
}

module attributes {stable_mosaic.version = 14 : i64} {
  func.func @body(%arg0: i32, %arg1: memref<1x1112x144xf32, #tpu.memory_space<vmem>>, %arg2: memref<1x1112x144xf32, #tpu.memory_space<vmem>>, %arg3: memref<1x128xf32, #tpu.memory_space<vmem>>, %arg4: memref<1112x128xf32, #tpu.memory_space<vmem>>, %arg5: memref<1112x128xf32, #tpu.memory_space<vmem>>, %arg6: memref<1112x144xf32, #tpu.memory_space<vmem>>) attributes {dimension_semantics = [#tpu.dimension_semantics<arbitrary>], iteration_bounds = array<i64: 9>, scalar_prefetch = 0 : i64, scratch_operands = 0 : i64, tpu.core_type = #tpu.core_type<tc>, window_params = [{transform_indices = @transform_0, window_bounds = array<i64: 1, 1112, 144>}, {transform_indices = @transform_1, window_bounds = array<i64: 1, 1112, 144>}, {pipeline_mode = #tpu.pipeline_mode<synchronous>, transform_indices = @transform_2, window_bounds = array<i64: 1, 128>}, {transform_indices = @transform_3, window_bounds = array<i64: 1112, 128>}, {transform_indices = @transform_4, window_bounds = array<i64: 1112, 128>}, {transform_indices = @transform_5, window_bounds = array<i64: 1112, 144>}]} {
    %mul3A = arith.constant 1112 : i32
    %mul3A_0 = arith.muli %arg0, %mul3A : i32
    %iota3A = tpu.iota {dimensions = array<i32: 0>} : vector<1112x1xi32>
    %add3A = vector.broadcast %mul3A_0 : i32 to vector<1112x1xi32>
    %add3A_1 = arith.addi %add3A, %iota3A : vector<1112x1xi32>
    %lt3A = arith.constant 10000 : i32
    %lt3A_2 = vector.broadcast %lt3A : i32 to vector<1112x1xi32>
    %lt3A_3 = arith.cmpi slt, %add3A_1, %lt3A_2 : vector<1112x1xi32>
    %get3A = arith.constant 0 : index
    %get3A_4 = arith.constant 0 : index
    %get3A_5 = arith.constant 0 : index
    %get3A_6 = vector.load %arg1[%get3A, %get3A_4, %get3A_5] : memref<1x1112x144xf32, #tpu.memory_space<vmem>>, vector<1x1112x144xf32>
    %get3A_7 = vector.shape_cast %get3A_6 : vector<1x1112x144xf32> to vector<1112x144xf32>
    %get3A_8 = arith.constant 0 : index
    %get3A_9 = arith.constant 0 : index
    %get3A_10 = arith.constant 0 : index
    %get3A_11 = vector.load %arg2[%get3A_8, %get3A_9, %get3A_10] : memref<1x1112x144xf32, #tpu.memory_space<vmem>>, vector<1x1112x144xf32>
    %get3A_12 = vector.shape_cast %get3A_11 : vector<1x1112x144xf32> to vector<1112x144xf32>
    %add3A_13 = arith.addf %get3A_7, %get3A_12 : vector<1112x144xf32>
    %slice3A = vector.extract_strided_slice %add3A_13 {offsets = [0, 0], sizes = [1112, 128], strides = [1, 1]} : vector<1112x144xf32> to vector<1112x128xf32>
    %slice3A_14 = vector.extract_strided_slice %add3A_13 {offsets = [0, 128], sizes = [1112, 1], strides = [1, 1]} : vector<1112x144xf32> to vector<1112x1xf32>
    %max3A = arith.constant 9.99999996E-13 : f32
    %max3A_15 = vector.broadcast %max3A : f32 to vector<1112x1xf32>
    %max3A_16 = arith.maximumf %slice3A_14, %max3A_15 : vector<1112x1xf32>
    %div3A = vector.broadcast %max3A_16 : vector<1112x1xf32> to vector<1112x128xf32>
    %div3A_17 = arith.divf %slice3A, %div3A : vector<1112x128xf32>
    %tanh3A = math.tanh %div3A_17 : vector<1112x128xf32>
    %jit3A = arith.constant 0.000000e+00 : f32
    %broadcast_in_dim3A = vector.shape_cast %lt3A_3 : vector<1112x1xi1> to vector<1112x1xi1>
    %broadcast_in_dim3A_18 = vector.broadcast %broadcast_in_dim3A : vector<1112x1xi1> to vector<1112x128xi1>
    %broadcast_in_dim3A_19 = vector.broadcast %jit3A : f32 to vector<1112x128xf32>
    %select_n3A = arith.select %broadcast_in_dim3A_18, %tanh3A, %broadcast_in_dim3A_19 : vector<1112x128xi1>, vector<1112x128xf32>
    %swap3A = arith.constant 0 : index
    %swap3A_20 = arith.constant 0 : index
    %swap3A_21 = vector.load %arg5[%swap3A, %swap3A_20] : memref<1112x128xf32, #tpu.memory_space<vmem>>, vector<1112x128xf32>
    tpu.vector_store %arg5[%swap3A, %swap3A_20], %select_n3A {strides = array<i32>} : memref<1112x128xf32, #tpu.memory_space<vmem>>, vector<1112x128xf32>,
    %get3A_22 = arith.constant 0 : index
    %get3A_23 = arith.constant 0 : index
    %get3A_24 = vector.load %arg3[%get3A_22, %get3A_23] : memref<1x128xf32, #tpu.memory_space<vmem>>, vector<1x128xf32>
    %mul3A_25 = arith.mulf %get3A_24, %get3A_24 : vector<1x128xf32>
    %reduce_sum3A = vector.shape_cast %mul3A_25 : vector<1x128xf32> to vector<1x1x128xf32>
    %reduce_sum3A_26 = arith.constant dense<0.000000e+00> : vector<1xf32>
    %reduce_sum3A_27 = vector.multi_reduction <add>, %reduce_sum3A, %reduce_sum3A_26 [1, 2] : vector<1x1x128xf32> to vector<1xf32>
    %reduce_sum3A_28 = vector.shape_cast %reduce_sum3A_27 : vector<1xf32> to vector<1x1x1xf32>
    %reduce_sum3A_29 = vector.extract %reduce_sum3A_28[0, 0, 0] : f32 from vector<1x1x1xf32>
    %sqrt3A = math.sqrt %reduce_sum3A_29 : f32
    %max3A_30 = arith.constant 9.99999996E-13 : f32
    %max3A_31 = arith.maximumf %sqrt3A, %max3A_30 : f32
    %div3A_32 = vector.broadcast %max3A_31 : f32 to vector<1x128xf32>
    %div3A_33 = arith.divf %get3A_24, %div3A_32 : vector<1x128xf32>
    %mul3A_34 = vector.broadcast %div3A_33 : vector<1x128xf32> to vector<1112x128xf32>
    %mul3A_35 = arith.mulf %select_n3A, %mul3A_34 : vector<1112x128xf32>
    %reduce_sum3A_36 = arith.constant dense<0.000000e+00> : vector<1112xf32>
    %reduce_sum3A_37 = vector.multi_reduction <add>, %mul3A_35, %reduce_sum3A_36 [1] : vector<1112x128xf32> to vector<1112xf32>
    %broadcast_in_dim3A_38 = vector.shape_cast %reduce_sum3A_37 : vector<1112xf32> to vector<1112x1xf32>
    %mul3A_39 = arith.mulf %select_n3A, %select_n3A : vector<1112x128xf32>
    %reduce_sum3A_40 = arith.constant dense<0.000000e+00> : vector<1112xf32>
    %reduce_sum3A_41 = vector.multi_reduction <add>, %mul3A_39, %reduce_sum3A_40 [1] : vector<1112x128xf32> to vector<1112xf32>
    %broadcast_in_dim3A_42 = vector.shape_cast %reduce_sum3A_41 : vector<1112xf32> to vector<1112x1xf32>
    %sqrt3A_43 = math.sqrt %broadcast_in_dim3A_42 : vector<1112x1xf32>
    %neg3A = arith.constant 0.000000e+00 : f32
    %neg3A_44 = vector.broadcast %neg3A : f32 to vector<1112x1xf32>
    %neg3A_45 = arith.subf %neg3A_44, %broadcast_in_dim3A_38 : vector<1112x1xf32>
    %max3A_46 = arith.constant 9.99999996E-13 : f32
    %max3A_47 = vector.broadcast %max3A_46 : f32 to vector<1112x1xf32>
    %max3A_48 = arith.maximumf %sqrt3A_43, %max3A_47 : vector<1112x1xf32>
    %div3A_49 = arith.divf %neg3A_45, %max3A_48 : vector<1112x1xf32>
    %exp3A = math.exp %div3A_49 : vector<1112x1xf32>
    %iota3A_50 = tpu.iota {dimensions = array<i32: 1>} : vector<1112x16xi32>
    %eq3A = arith.constant 0 : i32
    %eq3A_51 = vector.broadcast %eq3A : i32 to vector<1112x16xi32>
    %eq3A_52 = arith.cmpi eq, %iota3A_50, %eq3A_51 : vector<1112x16xi32>
    %broadcast_in_dim3A_53 = arith.constant 0.000000e+00 : f32
    %broadcast_in_dim3A_54 = vector.broadcast %broadcast_in_dim3A_53 : f32 to vector<1112x1xf32>
    %broadcast_in_dim3A_55 = vector.shape_cast %exp3A : vector<1112x1xf32> to vector<1112x1xf32>
    %broadcast_in_dim3A_56 = vector.broadcast %broadcast_in_dim3A_55 : vector<1112x1xf32> to vector<1112x16xf32>
    %broadcast_in_dim3A_57 = vector.shape_cast %broadcast_in_dim3A_54 : vector<1112x1xf32> to vector<1112x1xf32>
    %broadcast_in_dim3A_58 = vector.broadcast %broadcast_in_dim3A_57 : vector<1112x1xf32> to vector<1112x16xf32>
    %select_n3A_59 = arith.select %eq3A_52, %broadcast_in_dim3A_56, %broadcast_in_dim3A_58 : vector<1112x16xi1>, vector<1112x16xf32>
    %mul3A_60 = vector.broadcast %exp3A : vector<1112x1xf32> to vector<1112x128xf32>
    %mul3A_61 = arith.mulf %select_n3A, %mul3A_60 : vector<1112x128xf32>
    %concatenate3A = tpu.concatenate %mul3A_61, %select_n3A_59 in 1 : vector<1112x128xf32>, vector<1112x16xf32> -> vector<1112x144xf32>
    %broadcast_in_dim3A_62 = arith.constant 0.000000e+00 : f32
    %broadcast_in_dim3A_63 = vector.broadcast %broadcast_in_dim3A_62 : f32 to vector<1112x144xf32>
    %broadcast_in_dim3A_64 = vector.shape_cast %lt3A_3 : vector<1112x1xi1> to vector<1112x1xi1>
    %broadcast_in_dim3A_65 = vector.broadcast %broadcast_in_dim3A_64 : vector<1112x1xi1> to vector<1112x144xi1>
    %select_n3A_66 = arith.select %broadcast_in_dim3A_65, %concatenate3A, %broadcast_in_dim3A_63 : vector<1112x144xi1>, vector<1112x144xf32>
    %swap3A_67 = arith.constant 0 : index
    %swap3A_68 = arith.constant 0 : index
    %swap3A_69 = vector.load %arg6[%swap3A_67, %swap3A_68] : memref<1112x144xf32, #tpu.memory_space<vmem>>, vector<1112x144xf32>
    tpu.vector_store %arg6[%swap3A_67, %swap3A_68], %select_n3A_66 {strides = array<i32>} : memref<1112x144xf32, #tpu.memory_space<vmem>>, vector<1112x144xf32>,
    return
  }
  func.func @transform_0(%arg0: i32) -> (i32, i32, i32) {
    %c0_i32 = arith.constant 0 : i32
    %c0_i32_0 = arith.constant 0 : i32
    %c0_i32_1 = arith.constant 0 : i32
    return %c0_i32, %arg0, %c0_i32_0 : i32, i32, i32
  }
  func.func @transform_1(%arg0: i32) -> (i32, i32, i32) {
    %c1_i32 = arith.constant 1 : i32
    %c0_i32 = arith.constant 0 : i32
    %c0_i32_0 = arith.constant 0 : i32
    return %c1_i32, %arg0, %c0_i32 : i32, i32, i32
  }
  func.func @transform_2(%arg0: i32) -> (i32, i32) {
    %c0_i32 = arith.constant 0 : i32
    %c0_i32_0 = arith.constant 0 : i32
    %c0_i32_1 = arith.constant 0 : i32
    return %c0_i32, %c0_i32_0 : i32, i32
  }
  func.func @transform_3(%arg0: i32) -> (i32, i32) {
    %c2_i32 = arith.constant 2 : i32
    %c0_i32 = arith.constant 0 : i32
    return %arg0, %c2_i32 : i32, i32
  }
  func.func @transform_4(%arg0: i32) -> (i32, i32) {
    %c2_i32 = arith.constant 2 : i32
    %c0_i32 = arith.constant 0 : i32
    return %arg0, %c2_i32 : i32, i32
  }
  func.func @transform_5(%arg0: i32) -> (i32, i32) {
    %c0_i32 = arith.constant 0 : i32
    %c0_i32_0 = arith.constant 0 : i32
    return %arg0, %c0_i32 : i32, i32
  }
}

</mosaic_0001>

<sc_bundles>
// kernel: kernel.10.cloned.1.call-start
scs
__scs_entry_jumppad:
0x0: {  	(pc) =	sbr.rel $0x88, $3  }
0x1: {  	(tag) =	ssettag $0x0;
	lr =	simm.s32 $0x1  }
0x2: {  	[smem:$0x3F9E] =	sst lr;
	_ =	strace $0xD0000000  }
0x3: {  	_ = 	snop  }
0x4: {  	_ = 	snop  }
0x5: {  	_ = 	snop  }
0x6: {  	_ = 	snop  }
0x7: {  	_ = 	snop  }
__scs_overlays_trampoline_lowered:
0x8: {  	[smem:$0x3FAD] =	sst s0  }
0x9: {  	[smem:$0x3FAE] =	sst s1  }
0xa: {  	[smem:$0x3FAF] =	sst s2  }
0xb: {  	[smem:$0x3FB0] =	sst s3  }
0xc: {  	[smem:$0x3FB1] =	sst s4  }
0xd: {  	[smem:$0x3FB2] =	sst s5  }
0xe: {  	[smem:$0x3FB3] =	sst s6  }
0xf: {  	[smem:$0x3FB4] =	sst s7  }
0x10: {  	[smem:$0x3FB5] =	sst s8  }
0x11: {  	[smem:$0x3FB6] =	sst s9;
	s0 =	simm.s32 @!p0 $0x0  }
0x12: {  	s1 =	sld [smem:$0x3F9C];
	s0 =	simm.s32 @p0 $0x1  }
0x13: {  	[smem:$0x3FB7] =	sst s0;
	s0 =	simm.s32 @!p1 $0x0  }
0x14: {  	s2 =	sld [smem:$0x3F9B];
	s0 =	simm.s32 @p1 $0x1  }
0x15: {  	[smem:$0x3FB8] =	sst s0;
	s0 =	simm.s32 @!p2 $0x0  }
0x16: {  	s3 =	sld [smem:$0x3FDB];
	s0 =	simm.s32 @p2 $0x1  }
0x17: {  	s4 =	simm.s32 $0x1BF5;
	[smem:$0x3FBA] =	sst s0  }
0x18: {  	s0 =	sld [smem:$0x3F9D];
	_ =	swait.ge [sflag:s4], $0x0  }
0x19: {  	s7 =	sld [smem:$0x3F9E]  }
0x1a: {  	s8 =	sadd.s32 $0xFFFFE003, lr  }
0x1b: {  	s9 =	sadd.s32 $0xFFFFFEF7, lr;
	s5 =	simm.s32 $0xFFFFFFFF;
	p2 =	slt.u32 s8, $0xFFFFF086  }
0x1c: {  	p1 =	slt.u32 s9, $0xF7A;
	s5 =	simm.s32 @!p2 $0x0  }
0x1d: {  	s5 =	simm.s32 @p1 $0x1;
	p0 =	seq.s32 s7, s2  }
0x1e: {  	s7 =	smul.u32 @!p0 $0xF7A, s2;
	p2 =	seq.s32 @!p0 s5, $0x0  }
0x1f: {  	s9 =	smul.u32 $0xF7A, s1;
	s8 =	simm.s32 @!p0 $0x1BF5;
	p2 =	por !p2, p0  }
0x20: {  	[sflag:s8] =	ssyncset.s32 @!p0 $0xFFFFF086;
	s6 =	sadd.s32 @!p0 s3, s7;
	s7 =	simm.s32 @!p0 $0x108  }
0x21: {  	s3 =	sadd.s32 s3, s9;
	s6 =	sadd.s32 @!p0 $0x88, s6;
	s7 =	simm.s32 @p2 $0x1082  }
0x22: {  	[simem:s7], [sflag:s8] =	dma.local @!p0 [hbm:s6], $0xF7A  }
0x23: {  	s9 =	sor.u32 $0xD0000000, s2;
	s6 =	simm.s32 $0x108;
	_ =	swait.ge @!p0 [sflag:s8], $0x0  }
0x24: {  	s3 =	sadd.s32 $0x88, s3;
	s6 =	simm.s32 @!p1 $0x1082;
	[sflag:s4] =	ssyncset.s32 $0xFFFFF086  }
0x25: {  	[simem:s6], [sflag:s4] =	dma.local [hbm:s3], $0xF7A  }
0x26: {  	[smem:$0x3F9E] =	sst s1;
	(tag) =	ssettag s2;
	_ =	strace s9  }
0x27: {  	s1 =	sld [smem:$0x3FAE]  }
0x28: {  	s2 =	sld [smem:$0x3FAF]  }
0x29: {  	s4 =	sld [smem:$0x3FB1]  }
0x2a: {  	p0 =	seq.s32 s5, $0x0;
	s5 =	sld [smem:$0x3FB2]  }
0x2b: {  	s6 =	sld [smem:$0x3FB3]  }
0x2c: {  	s7 =	sld [smem:$0x3FB4]  }
0x2d: {  	s3 =	simm.s32 $0x108;
	s8 =	sld [smem:$0x3FB5]  }
0x2e: {  	s3 =	simm.s32 @!p0 $0x1082;
	s9 =	sld [smem:$0x3FB6]  }
0x2f: {  	lr =	sadd.s32 s0, s3;
	s0 =	sld [smem:$0x3FAD]  }
0x30: {  	s3 =	sld [smem:$0x3FB0]  }
0x31: {  	[smem:$0x3FB9] =	sst s10  }
0x32: {  	s10 =	sld [smem:$0x3FB7];
	_ =	sdelay $0x3  }
0x33: {  	p0 =	seq.s32 s10, $0x1;
	s10 =	sld [smem:$0x3FB9];
	_ =	sdelay $0x3  }
0x34: {  	[smem:$0x3FB9] =	sst s10  }
0x35: {  	s10 =	sld [smem:$0x3FB8];
	_ =	sdelay $0x3  }
0x36: {  	p1 =	seq.s32 s10, $0x1;
	s10 =	sld [smem:$0x3FB9];
	_ =	sdelay $0x3  }
0x37: {  	[smem:$0x3FB9] =	sst s10  }
0x38: {  	s10 =	sld [smem:$0x3FBA]  }
0x39: {  	_ = 	snop;
	(pc) =	sbr.ind lr, $3  }
0x3a: {  	_ = 	snop  }
0x3b: {  	_ = 	snop  }
0x3c: {  	p2 =	seq.s32 s10, $0x1;
	s10 =	sld [smem:$0x3FB9]  }
0x3d: {  	_ =	shalt  }
0x3e: {  	_ =	shalt  }
0x3f: {  	_ =	shalt  }
0x40: {  	_ =	shalt  }
0x41: {  	_ =	shalt  }
0x42: {  	_ =	shalt  }
0x43: {  	_ =	shalt  }
0x44: {  	_ =	shalt  }
0x45: {  	_ =	shalt  }
0x46: {  	_ =	shalt  }
0x47: {  	_ =	shalt  }
0x48: {  	_ =	shalt  }
0x49: {  	_ =	shalt  }
0x4a: {  	_ =	shalt  }
0x4b: {  	_ =	shalt  }
0x4c: {  	_ =	shalt  }
0x4d: {  	_ =	shalt  }
0x4e: {  	_ =	shalt  }
0x4f: {  	_ =	shalt  }
0x50: {  	_ =	shalt  }
0x51: {  	_ =	shalt  }
0x52: {  	_ =	shalt  }
0x53: {  	_ =	shalt  }
0x54: {  	_ =	shalt  }
0x55: {  	_ =	shalt  }
0x56: {  	_ =	shalt  }
0x57: {  	_ =	shalt  }
0x58: {  	_ =	shalt  }
0x59: {  	_ =	shalt  }
0x5a: {  	_ =	shalt  }
0x5b: {  	_ =	shalt  }
0x5c: {  	_ =	shalt  }
0x5d: {  	_ =	shalt  }
0x5e: {  	_ =	shalt  }
0x5f: {  	_ =	shalt  }
0x60: {  	_ =	shalt  }
0x61: {  	_ =	shalt  }
0x62: {  	_ =	shalt  }
0x63: {  	_ =	shalt  }
0x64: {  	_ =	shalt  }
0x65: {  	_ =	shalt  }
0x66: {  	_ =	shalt  }
0x67: {  	_ =	shalt  }
0x68: {  	_ =	shalt  }
0x69: {  	_ =	shalt  }
0x6a: {  	_ =	shalt  }
0x6b: {  	_ =	shalt  }
0x6c: {  	_ =	shalt  }
0x6d: {  	_ =	shalt  }
0x6e: {  	_ =	shalt  }
0x6f: {  	_ =	shalt  }
0x70: {  	_ =	shalt  }
0x71: {  	_ =	shalt  }
0x72: {  	_ =	shalt  }
0x73: {  	_ =	shalt  }
0x74: {  	_ =	shalt  }
0x75: {  	_ =	shalt  }
0x76: {  	_ =	shalt  }
0x77: {  	_ =	shalt  }
0x78: {  	_ =	shalt  }
0x79: {  	_ =	shalt  }
0x7a: {  	_ =	shalt  }
0x7b: {  	_ =	shalt  }
0x7c: {  	_ =	shalt  }
0x7d: {  	_ =	shalt  }
0x7e: {  	_ =	shalt  }
0x7f: {  	_ =	shalt  }
0x80: {  	_ =	shalt  }
0x81: {  	_ =	shalt  }
0x82: {  	_ =	shalt  }
0x83: {  	_ =	shalt  }
0x84: {  	_ =	shalt  }
0x85: {  	_ =	shalt  }
0x86: {  	_ =	shalt  }
0x87: {  	_ =	shalt  }
.Lfunc_end0:
.L_simem_size_0:
called_computation.1_lowered:
.L_overlay_start_0:
0x88: {  	s2 =	sld [smem:$0x3FD9]  }
0x89: {  	s3 =	sld [smem:$0x3FFE];
	_ =	sdelay $0x1  }
0x8a: {  	s1 =	srdreg.scid  }
0x8b: {  	s0 =	sand.u32 $0x1, s1  }
0x8c: {  	s16 =	sshll.u32 s0, $0xA;
	s2 =	sadd.s32 s3, s2  }
0x8d: {  	s2 =	sadd.s32 s2, s16  }
0x8e: {  	[smem:$0x3FC5] =	sst s2  }
0x8f: {  	_ = 	snop  }
0x90: {  	(tm) =	ssettm $0x1  }
0x91: {  	s17 =	sld [smem:$0x3FFB];
	_ =	sdelay $0x3  }
0x92: {  	_ =	strace s17  }
0x93: {  	s2 =	sld [smem:$0x3FFC];
	_ =	sdelay $0x3  }
0x94: {  	_ =	strace s2  }
0x95: {  	s2 =	sld [smem:$0x3FFD];
	_ =	sdelay $0x3  }
0x96: {  	_ =	strace s2  }
0x97: {  	_ =	strace $0x8FFFFFFF  }
0x98: {  	s18 =	sld [smem:$0x3FDB];
	_ =	sdelay $0x1  }
0x99: {  	s19 =	simm.s32 $_scs_section_size  }
0x9a: {  	s4 =	simm.s32 $_size__tile_overlayer_lowered;
	s5 =	simm.s32 $_tile_overlayer_lowered  }
0x9b: {  	s22 =	simm.s32 $0x1BFF;
	s21 =	sshll.u32 s5, $0x1;
	s2 =	sadd.s32 s19, s18  }
0x9c: {  	s6 =	simm.s32 $0x0;
	s20 =	sshll.u32 s4, $0x1;
	s4 =	sadd.s32 s21, s2  }
0x9d: {  	[timem:s6], [sflag:s22] =	dma.local [hbm:s4], s20  }
0x9e: {  	_ =	swait.ge [sflag:s22], s20  }
0x9f: {  	s3 =	ssub.s32 $0x0, s20;
	[sflag:s22] =	ssyncset.done $0x0  }
0xa0: {  	[sflag:s22] =	ssyncadd.s32 s3;
	_ =	sdelay $0x1  }
0xa1: {  	s23 =	simm.s32 $0x1B8B  }
0xa2: {  	_ =	swait.ge [sflag:s23], $0x1  }
0xa3: {  	[sflag:s23] =	ssyncset.done $0x0  }
0xa4: {  	s25 =	simm.s32 $0x1B8E;
	s24 =	sld [smem:$0x3FFE];
	[sflag:s23] =	ssyncadd.s32 $0xFFFFFFFF  }
0xa5: {  	s26 =	simm.s32 $execute0_lowered;
	[smem:$0x3FD2] =	sst s25  }
0xa6: {  	s4 =	sshll.u32 s26, $0x1;
	_ =	strace $0x80000049;
	[dreg:$0x1] =	wrdreg $0xFFFFFFFF  }
0xa7: {  	s28 =	simm.s32 $_size_execute0_lowered;
	s2 =	sadd.s32 s2, s4;
	[dreg:$0x0] =	wrdreg $0x0  }
0xa8: {  	s4 =	sshll.u32 s28, $0x1;
	[dreg:$0x2] =	wrdreg s2  }
0xa9: {  	[dreg:$0x3] =	wrdreg s4  }
0xaa: {  	[dreg:$0x4] =	wrdreg $0xC0  }
0xab: {  	_ =	task [dreg:s6], $0x5FFFF  }
0xac: {  	[dreg:$0x1] =	wrdreg $0xFFFFFFFF  }
0xad: {  	[dreg:$0x0] =	wrdreg $0x60  }
0xae: {  	[dreg:$0x2] =	wrdreg s24  }
0xaf: {  	[dreg:$0x3] =	wrdreg $0x89800  }
0xb0: {  	[dreg:$0x4] =	wrdreg $0x9  }
0xb1: {  	_ =	task.clear_ibuf [dreg:s6], $0x5FFFF;
	_ =	strace $0x90000049  }
0xb2: {  	s29 =	simm.s32 $0x9;
	_ =	strace $0x8000004B  }
0xb3: {  	_ =	swait.ge [sflag:s29], $0x1  }
0xb4: {  	[sflag:s29] =	ssyncadd.s32 $0xFFFFFFFF  }
0xb5: {  	_ =	strace $0x9000004B  }
0xb6: {  	_ =	sfence  }
0xb7: {  	s30 =	sld [smem:$0x0];
	_ =	sdelay $0x2  }
0xb8: {  	s31 =	sshll.u32 s1, $0xD;
	s1 =	sshrl.u32 s1, $0x2  }
0xb9: {  	s3 =	sand.u32 $0x4000, s31;
	s1 =	sadd.s32 s1, s30  }
0xba: {  	s0 =	sor.u32 s3, s0;
	s1 =	sshll.u32 s1, $0x11  }
0xbb: {  	s0 =	sor.u32 s1, s0  }
0xbc: {  	s0 =	sadd.s32 $0x8F2B, s0  }
0xbd: {  	[sflag:s0] =	ssyncadd.remote.s32 $0x1  }
0xbe: {  	_ =	sfence.sel $0xFFFF  }
0xbf: {  	[dreg:$0x0] =	wrdreg $0xFFFFFFFF;
	(pc) =	sbr.abs _section_cstart, $3  }
0xc0: {  	[dreg:$0x1] =	wrdreg $0xFFFFFFFF  }
0xc1: {  	_ =	task.clear_ibuf [dreg:s6], $0x2FFFF;
	_ =	strace $0x9FFFFFFF  }
0xc2: {  	(tm) =	ssettm $0x7FFFFFFF  }
0xc3: {  	_ =	shalt  }
tec
execute0_lowered:
.L_overlay_start_1:
0x0: {  	(tag) =	ssettag $0x1  }
0x1: {  	s0 =	srdreg.scid;
	s11 =	stileid.u32  }
0x2: {  	s5 =	rddreg [dreg:$0x0];
	s1 =	smul.u32 $0x278, s11  }
0x3: {  	s2 =	rddreg [dreg:$0x1];
	s6 =	smul.u32 $0x78, s11  }
0x4: {  	s3 =	simm.s32 $0x0;
	s0 =	sand.u32 $0x1, s0;
	s8 =	smul.u32 $0x82, s11  }
0x5: {  	[smem:$0x7FF] =	sst s3;
	s7 =	sadd.s32 $0xAE00, s5;
	s11 =	smul.u32 $0x58E00, s11  }
0x6: {  	s10 =	sadd.s32 $0x1000, s5;
	s4 =	smul.u32 $0x2780, s0;
	_ =	strace $0x8000004A  }
0x7: {  	s9 =	ssub.s32 $0x2, s0;
	p0 =	seq.s32 s0, $0x0;
	s0 =	sadd.s32 $0x820, s6  }
0x8: {  	s13 =	sshrl.u32 s9, $0x1;
	s14 =	sshrl.u32 s11, $0x2;
	s1 =	sadd.s32 s1, s4  }
0x9: {  	s4 =	sadd.s32 $0x14C00, s5;
	s0 =	smov.u32 @p0 s8;
	s6 =	sadd.s32 s14, s2  }
0xa: {  	s15 =	ssub.s32 s9, s13;
	s1 =	smul.u32 $0x12, s1;
	s17 =	sadd.s32 $0x13B00, s6  }
0xb: {  	s8 =	smul.u32 $0x50, s0;
	s25 =	smax.u32 s15, $0x1;
	[dreg:$0x3] =	wrdreg s17  }
0xc: {  	s0 =	smul.u32 $0xA, s0;
	s26 =	sadd.s32 $0x2D00, s6;
	[dreg:$0x9] =	wrdreg s25  }
0xd: {  	s28 =	sadd.s32 $0x5A00, s6;
	s29 =	sadd.s32 $0x8700, s6;
	[dreg:$0xa] =	wrdreg s26  }
0xe: {  	s19 =	sadd.s32 $0xB400, s6;
	s20 =	sadd.s32 $0xE100, s6;
	[dreg:$0xb] =	wrdreg s28  }
0xf: {  	[dreg:$0xc] =	wrdreg s29;
	s26 =	simm.s32 $0x50;
	s1 =	sadd.s32 s1, s5  }
0x10: {  	s5 =	simm.s32 $0x82;
	s16 =	sshrl.u32 s8, $0x3;
	s18 =	sadd.s32 s7, s0  }
0x11: {  	s13 =	sadd.s32 s10, s0;
	s5 =	simm.s32 @!p0 $0x78;
	s12 =	sadd.s32 $0xA, s16  }
0x12: {  	s22 =	sadd.s32 $0x14, s16;
	s24 =	sadd.s32 $0x40C00, s1;
	s9 =	smov.u32 s18  }
0x13: {  	s30 =	sadd.s32 $0x1E, s18;
	s21 =	sadd.s32 s7, s12;
	[dreg:$0x8] =	wrdreg s24  }
0x14: {  	s18 =	smov.u32 s13;
	s23 =	sadd.s32 s10, s12;
	[dreg:$0x4] =	wrdreg s21  }
0x15: {  	s31 =	sadd.s32 $0x1E, s13;
	s7 =	sadd.s32 s7, s22;
	[dreg:$0x5] =	wrdreg s23  }
0x16: {  	s1 =	simm.s32 $0x4;
	s0 =	sadd.s32 s10, s22;
	[dreg:$0x6] =	wrdreg s7  }
0x17: {  	v0 =	vimm.f32 $0.0e+00;
	s24 =	simm.s32 $0x5;
	[dreg:$0x7] =	wrdreg s0;
	s21 =	sadd.s32 $0x10E00, s6  }
.LBB2_1:
0x18: {  	s0 =	simm.s32 $0x0;
	s7 =	simm.s32 $0x240  }
.LBB2_2:
0x19: {  	p0 =	sne.s32 s7, $0xB1C0;
	[tilespmem:s0+$0x300] =	vst v0  }
0x1a: {  	[tilespmem:s0+$0x280] =	vst v0  }
0x1b: {  	[tilespmem:s0+$0x290] =	vst v0  }
0x1c: {  	[tilespmem:s0+$0x2A0] =	vst v0  }
.Ltmp0:
0x1d: {  	[tilespmem:s0+$0x2B0] =	vst v0;
	(pc) =	sbr.rel @p0 .LBB2_2-.Ltmp0, $4  }
0x1e: {  	[tilespmem:s0+$0x2C0] =	vst v0  }
0x1f: {  	[tilespmem:s0+$0x2D0] =	vst v0  }
0x20: {  	[tilespmem:s0+$0x2E0] =	vst v0  }
0x21: {  	[tilespmem:s0+$0x2F0] =	vst v0;
	s0 =	sshra.s32 s7, $0x2;
	s7 =	sadd.s32 $0x240, s7  }
0x22: {  	[tilespmem:s0+$0x300] =	vst v0  }
0x23: {  	[tilespmem:s0+$0x280] =	vst v0  }
0x24: {  	[tilespmem:s0+$0x290] =	vst v0  }
0x25: {  	[tilespmem:s0+$0x2A0] =	vst v0  }
0x26: {  	[tilespmem:s0+$0x2B0] =	vst v0  }
0x27: {  	[tilespmem:s0+$0x2C0] =	vst v0  }
0x28: {  	[tilespmem:s0+$0x2D0] =	vst v0  }
0x29: {  	[tilespmem:s0+$0x2E0] =	vst v0  }
0x2a: {  	[tilespmem:s0+$0x2F0] =	vst v0;
	s0 =	simm.s32 $0x280  }
0x2b: {  	[spmem:s6] =	stream.linear.scatter [tilespmem:s0], [sflag:$0x5], $0x2D00, $0x38;
	[tilespmem:$0x1ED00] =	vst v63  }
0x2c: {  	_ =	swait.ge [sflag:s24], $0x2D00  }
0x2d: {  	[sflag:s24] =	ssyncset.done $0x0  }
0x2e: {  	s7 =	rddreg [dreg:$0xa];
	[sflag:s24] =	ssyncadd.s32 $0xFFFFD300  }
0x2f: {  	[spmem:s7] =	stream.linear.scatter [tilespmem:s0], [sflag:$0x5], $0x2D00, $0x38;
	[tilespmem:$0x1ED00] =	vst v63  }
0x30: {  	_ =	swait.ge [sflag:s24], $0x2D00  }
0x31: {  	[sflag:s24] =	ssyncset.done $0x0  }
0x32: {  	s14 =	rddreg [dreg:$0xb];
	[sflag:s24] =	ssyncadd.s32 $0xFFFFD300  }
0x33: {  	[spmem:s14] =	stream.linear.scatter [tilespmem:s0], [sflag:$0x5], $0x2D00, $0x38;
	[tilespmem:$0x1ED00] =	vst v63  }
0x34: {  	_ =	swait.ge [sflag:s24], $0x2D00  }
0x35: {  	[sflag:s24] =	ssyncset.done $0x0  }
0x36: {  	s15 =	rddreg [dreg:$0xc];
	[sflag:s24] =	ssyncadd.s32 $0xFFFFD300  }
0x37: {  	[spmem:s15] =	stream.linear.scatter [tilespmem:s0], [sflag:$0x5], $0x2D00, $0x38;
	[tilespmem:$0x1ED00] =	vst v63  }
0x38: {  	_ =	swait.ge [sflag:s24], $0x2D00  }
0x39: {  	[sflag:s24] =	ssyncset.done $0x0  }
0x3a: {  	[sflag:s24] =	ssyncadd.s32 $0xFFFFD300  }
0x3b: {  	[spmem:s19] =	stream.linear.scatter [tilespmem:s0], [sflag:$0x5], $0x2D00, $0x38;
	[tilespmem:$0x1ED00] =	vst v63  }
0x3c: {  	_ =	swait.ge [sflag:s24], $0x2D00  }
0x3d: {  	[sflag:s24] =	ssyncset.done $0x0  }
0x3e: {  	[sflag:s24] =	ssyncadd.s32 $0xFFFFD300  }
0x3f: {  	[spmem:s20] =	stream.linear.scatter [tilespmem:s0], [sflag:$0x5], $0x2D00, $0x38;
	[tilespmem:$0x1ED00] =	vst v63  }
0x40: {  	_ =	swait.ge [sflag:s24], $0x2D00  }
0x41: {  	[sflag:s24] =	ssyncset.done $0x0  }
0x42: {  	[sflag:s24] =	ssyncadd.s32 $0xFFFFD300  }
0x43: {  	[spmem:s21] =	stream.linear.scatter [tilespmem:s0], [sflag:$0x5], $0x2D00, $0x38;
	[tilespmem:$0x1ED00] =	vst v63  }
0x44: {  	_ =	swait.ge [sflag:s24], $0x2D00  }
0x45: {  	[sflag:s24] =	ssyncset.done $0x0  }
0x46: {  	s16 =	rddreg [dreg:$0x3];
	[sflag:s24] =	ssyncadd.s32 $0xFFFFD300  }
0x47: {  	[spmem:s16] =	stream.linear.scatter [tilespmem:s0], [sflag:$0x5], $0x2880, $0x38;
	[tilespmem:$0x1ED00] =	vst v63  }
0x48: {  	_ =	swait.ge [sflag:s24], $0x2880  }
0x49: {  	[sflag:s24] =	ssyncset.done $0x0  }
0x4a: {  	s7 =	simm.s32 $0x0;
	[sflag:s24] =	ssyncadd.s32 $0xFFFFD780  }
0x4b: {  	[tilespmem:s7], [sflag:$0x5] =	stream.linear.gather [hbm4b:s9+s7], $0x50, $0x38;
	[tilespmem:$0x1ED00] =	vst v63  }
0x4c: {  	_ =	swait.ge [sflag:s24], $0x50  }
0x4d: {  	[sflag:s24] =	ssyncset.done $0x0  }
0x4e: {  	s8 =	simm.s32 $0x140;
	[sflag:s24] =	ssyncadd.s32 $0xFFFFFFB0  }
0x4f: {  	[tilespmem:s8], [sflag:$0x5] =	stream.linear.gather [hbm4b:s18+s7], $0x50, $0x38;
	[tilespmem:$0x1ED00] =	vst v63  }
0x50: {  	_ =	swait.ge [sflag:s24], $0x50  }
0x51: {  	[sflag:s24] =	ssyncset.done $0x0  }
0x52: {  	s17 =	rddreg [dreg:$0x4];
	[sflag:s24] =	ssyncadd.s32 $0xFFFFFFB0  }
0x53: {  	[tilespmem:s26], [sflag:$0x5] =	stream.linear.gather [hbm4b:s17+s7], $0x50, $0x38;
	[tilespmem:$0x1ED00] =	vst v63  }
0x54: {  	_ =	swait.ge [sflag:s24], $0x50  }
0x55: {  	[sflag:s24] =	ssyncset.done $0x0  }
0x56: {  	s10 =	simm.s32 $0x190;
	s22 =	rddreg [dreg:$0x5];
	[sflag:s24] =	ssyncadd.s32 $0xFFFFFFB0  }
0x57: {  	[tilespmem:s10], [sflag:$0x5] =	stream.linear.gather [hbm4b:s22+s7], $0x50, $0x38;
	[tilespmem:$0x1ED00] =	vst v63  }
0x58: {  	_ =	swait.ge [sflag:s24], $0x50  }
0x59: {  	[sflag:s24] =	ssyncset.done $0x0  }
0x5a: {  	s25 =	simm.s32 $0xA0;
	s23 =	rddreg [dreg:$0x6];
	[sflag:s24] =	ssyncadd.s32 $0xFFFFFFB0  }
0x5b: {  	[tilespmem:s25], [sflag:$0x1] =	stream.linear.gather [hbm4b:s23+s7], $0x50, $0x38;
	[tilespmem:$0x1ED00] =	vst v63  }
0x5c: {  	s12 =	simm.s32 $0x1E0;
	s11 =	rddreg [dreg:$0x7]  }
0x5d: {  	[tilespmem:s12], [sflag:$0x1] =	stream.linear.gather [hbm4b:s11+s7], $0x50, $0x38;
	[tilespmem:$0x1ED00] =	vst v63  }
0x5e: {  	p0 =	por $0x1, $0x1  }
0x5f: {  	[tilespmem:s0], [sflag:$0x2] =	stream.indirect.gather [hbm4b:s4+s26], $0x90, s7, s26, $0xb8;
	[tilespmem:$0x1ED00] =	vst v63  }
0x60: {  	s13 =	simm.s32 $0x2F80;
	s10 =	sand.u32 @!p0 $0x1, s7  }
0x61: {  	[tilespmem:s13], [sflag:$0x3] =	stream.indirect.gather [hbm4b:s4+s26], $0x90, s26, s26, $0xb8;
	[tilespmem:$0x1ED00] =	vst v63  }
0x62: {  	p1 =	seq.s32 @!p0 s10, $0x1;
	s11 =	simm.s32 @!p0 $0x4;
	[bflag:$0x0] =	sbarrier.arrive $0xFFFF  }
0x63: {  	s10 =	simm.s32 @!p0 $0x3;
	p1 =	por !p1, p0;
	_ =	swait.ge @!p0 [sflag:s11], $0x2D00  }
0x64: {  	s28 =	smulhi.u32 $0xAAAAAAAB, s7;
	s10 =	simm.s32 @p1 $0x2;
	[sflag:s11] =	ssyncset.done @!p0 $0x0  }
0x65: {  	s10 =	simm.s32 @p0 $0x2;
	[sflag:s11] =	ssyncadd.s32 @!p0 $0xFFFFD300  }
0x66: {  	s14 =	simm.s32 $0x2;
	s16 =	sshrl.u32 s28, $0x1;
	_ =	swait.ge [sflag:s10], $0x2D00  }
0x67: {  	s22 =	simm.s32 $0x2;
	p0 =	sle.u32 s5, $0x2;
	[sflag:s10] =	ssyncset.done $0x0  }
0x68: {  	s11 =	smulhi.u32 $0xAAAAAAAB, s14;
	s23 =	simm.s32 @!p0 $0x1;
	[sflag:s10] =	ssyncadd.s32 $0xFFFFD300  }
0x69: {  	s17 =	smul.u32 $0xFFFDE400, s16;
	s22 =	sand.u32 @!p0 $0x3, s22;
	_ =	swait.ge @!p0 [sflag:s23], $0x50  }
0x6a: {  	s11 =	sshrl.u32 s11, $0x1;
	s22 =	smul.u32 @!p0 $0x140, s22;
	[sflag:s23] =	ssyncset.done @!p0 $0x0  }
0x6b: {  	p1 =	sle.u32 s5, $0x3;
	s11 =	smul.u32 $0xFFFDE400, s11;
	[sflag:s23] =	ssyncadd.s32 @!p0 $0xFFFFFFB0  }
0x6c: {  	s25 =	simm.s32 $0x3;
	s29 =	simm.s32 @!p0 $0x50;
	_ =	swait.ge @!p0 [sflag:s23], $0x50  }
0x6d: {  	s22 =	sshrl.u32 @!p0 s22, $0x2;
	s11 =	sshra.s32 s11, $0x2;
	[sflag:s23] =	ssyncset.done @!p0 $0x0  }
0x6e: {  	s11 =	sadd.s32 $0x5C80, s11;
	[sflag:s23] =	ssyncadd.s32 @!p0 $0xFFFFFFB0;
	s23 =	sand.u32 @!p1 $0x3, s25  }
0x6f: {  	[tilespmem:s11], [sflag:s10] =	stream.indirect.gather @!p0 [hbm4b:s4+s29], $0x90, s22, s29, $0xb8;
	[tilespmem:$0x1ED00] =	vst v63  }
0x70: {  	s7 =	sand.u32 $0x3, s7;
	s10 =	smul.u32 @!p1 $0x50, s23  }
0x71: {  	s15 =	smul.u32 $0x140, s7;
	s22 =	simm.s32 @!p1 $0x0;
	p0 =	sne.s32 s5, $0x1  }
0x72: {  	[tilespmem:s10], [sflag:$0x1] =	stream.linear.gather @!p1 [hbm4b:s30+s22], $0x50, $0x38;
	[tilespmem:$0x1ED00] =	vst v63  }
.Ltmp1:
0x73: {  	s28 =	simm.s32 $0x2F80;
	(pc) =	sbr.rel @!p0 .LBB2_5-.Ltmp1, $4  }
0x74: {  	s25 =	simm.s32 $0x3;
	s29 =	simm.s32 $0x8980;
	s7 =	sadd.s32 @!p1 $0x140, s10  }
0x75: {  	[tilespmem:s7], [sflag:$0x1] =	stream.linear.gather @!p1 [hbm4b:s31+s22], $0x50, $0x38;
	[tilespmem:$0x1ED00] =	vst v63  }
0x76: {  	s11 =	sshra.s32 s17, $0x2;
	s23 =	smov.u32 s31;
	s22 =	sshrl.u32 s15, $0x2  }
0x77: {  	s7 =	simm.s32 $0x1;
	s10 =	sadd.s32 $0x140, s22;
	s22 =	smov.u32 s30  }
.LBB2_4:
0x78: {  	s0 =	sadd.s32 s11, s0;
	s22 =	sadd.s32 $0xA, s22;
	s23 =	sadd.s32 $0xA, s23  }
0x79: {  	[spmem:s2] =	stream.indirect.scatter.add.f32 [tilespmem:s0], [sflag:$0x4], $0x90, s10, s26, $0xb8;
	[tilespmem:$0x1ED00] =	vst v63  }
0x7a: {  	s10 =	smov.u32 s25;
	s0 =	smov.u32 s28  }
0x7b: {  	p0 =	seq.s32 s7, $0x0;
	s12 =	smulhi.u32 $0xAAAAAAAB, s7;
	s14 =	sand.u32 $0x3, s7  }
0x7c: {  	s11 =	sand.u32 @!p0 $0x1, s7;
	s25 =	sadd.s32 $0x1, s25;
	s28 =	sadd.s32 $0x2D00, s28  }
0x7d: {  	s15 =	sadd.s32 $0x3, s7;
	s13 =	simm.s32 @!p0 $0x4;
	p1 =	seq.s32 @!p0 s11, $0x1  }
0x7e: {  	s11 =	simm.s32 @!p0 $0x3;
	p1 =	por !p1, p0;
	_ =	swait.ge @!p0 [sflag:s13], $0x2D00  }
0x7f: {  	s10 =	smulhi.u32 $0xAAAAAAAB, s10;
	s11 =	simm.s32 @p1 $0x2;
	[sflag:s13] =	ssyncset.done @!p0 $0x0  }
0x80: {  	s11 =	simm.s32 @p0 $0x2;
	[sflag:s13] =	ssyncadd.s32 @!p0 $0xFFFFD300;
	s13 =	smul.u32 $0x140, s14  }
0x81: {  	s10 =	sshrl.u32 s10, $0x1;
	s14 =	sadd.s32 $0x2, s7;
	_ =	swait.ge [sflag:s11], $0x2D00  }
0x82: {  	p0 =	sge.u32 s14, s5;
	s8 =	sadd.s32 $0x1, s14;
	[sflag:s11] =	ssyncset.done $0x0  }
0x83: {  	s10 =	smul.u32 $0xFFFDE400, s10;
	s16 =	simm.s32 @!p0 $0x1;
	[sflag:s11] =	ssyncadd.s32 $0xFFFFD300  }
0x84: {  	s14 =	sand.u32 @!p0 $0x3, s14;
	s7 =	sadd.s32 $0xFFFFFFFE, s8;
	_ =	swait.ge @!p0 [sflag:s16], $0x50  }
0x85: {  	s10 =	sshra.s32 s10, $0x2;
	s14 =	smul.u32 @!p0 $0x140, s14;
	[sflag:s16] =	ssyncset.done @!p0 $0x0  }
0x86: {  	s17 =	simm.s32 @!p0 $0x50;
	p1 =	sne.s32 s7, s5;
	[sflag:s16] =	ssyncadd.s32 @!p0 $0xFFFFFFB0  }
0x87: {  	p2 =	sge.u32 s8, s5;
	s14 =	sshrl.u32 @!p0 s14, $0x2;
	_ =	swait.ge @!p0 [sflag:s16], $0x50  }
0x88: {  	s8 =	sadd.s32 s10, s29;
	s10 =	sand.u32 @!p2 $0x3, s15;
	[sflag:s16] =	ssyncset.done @!p0 $0x0  }
0x89: {  	s10 =	smul.u32 @!p2 $0x50, s10;
	[sflag:s16] =	ssyncadd.s32 @!p0 $0xFFFFFFB0  }
0x8a: {  	[tilespmem:s8], [sflag:s11] =	stream.indirect.gather @!p0 [hbm4b:s4+s17], $0x90, s14, s17, $0xb8;
	[tilespmem:$0x1ED00] =	vst v63  }
.Ltmp2:
0x8b: {  	s8 =	sshrl.u32 s12, $0x1;
	s12 =	simm.s32 @!p2 $0x0;
	(pc) =	sbr.rel @p1 .LBB2_4-.Ltmp2, $4  }
0x8c: {  	s13 =	sshrl.u32 s13, $0x2;
	s29 =	sadd.s32 $0x2D00, s29;
	s8 =	smul.u32 $0xFFFDE400, s8  }
0x8d: {  	[tilespmem:s10], [sflag:$0x1] =	stream.linear.gather @!p2 [hbm4b:s22+s12], $0x50, $0x38;
	[tilespmem:$0x1ED00] =	vst v63  }
0x8e: {  	s11 =	sshra.s32 s8, $0x2;
	s8 =	sadd.s32 @!p2 $0x140, s10;
	s10 =	sadd.s32 $0x140, s13  }
0x8f: {  	[tilespmem:s8], [sflag:$0x1] =	stream.linear.gather @!p2 [hbm4b:s23+s12], $0x50, $0x38;
	[tilespmem:$0x1ED00] =	vst v63  }
.LBB2_5:
0x90: {  	s0 =	sadd.s32 s11, s0  }
0x91: {  	[spmem:s2] =	stream.indirect.scatter.add.f32 [tilespmem:s0], [sflag:$0x4], $0x90, s10, s26, $0xb8;
	[tilespmem:$0x1ED00] =	vst v63  }
0x92: {  	_ =	swait.ge [sflag:s1], $0x2D00  }
0x93: {  	[sflag:s1] =	ssyncset.done $0x0  }
0x94: {  	s28 =	stileid.u32;
	[sflag:s1] =	ssyncadd.s32 $0xFFFFD300  }
0x95: {  	s0 =	sshll.u32 s28, $0x6;
	[bflag:$0x0] =	sbarrier.arrive $0xFFFF  }
0x96: {  	s7 =	sshrl.u32 s6, $0x3;
	s0 =	sor.u32 $0x1C05, s0;
	s8 =	rddreg [dreg:$0x8]  }
0x97: {  	[hbm:s8], [sflag:s0] =	dma.local [spmem:s7], $0x2C70  }
0x98: {  	_ =	swait.ge [sflag:s24], $0x2C70  }
0x99: {  	s3 =	sadd.s32 $0x1, s3;
	s29 =	rddreg [dreg:$0x9]  }
0x9a: {  	p0 =	sne.s32 s3, s29  }
.Ltmp3:
0x9b: {  	_ = 	snop;
	(pc) =	sbr.rel @p0 .LBB2_1-.Ltmp3, $3  }
0x9c: {  	_ =	sdelay $0x1  }
0x9d: {  	[sflag:s24] =	ssyncset.done $0x0  }
0x9e: {  	[sflag:s24] =	ssyncadd.s32 $0xFFFFD390  }
0x9f: {  	_ =	sfence.sel $0x180000  }
0xa0: {  	[bflag:$0x0] =	sbarrier.arrive $0xFFFF  }
0xa1: {  	_ =	strace $0x9000004A  }
0xa2: {  	s0 =	stileid.u32;
	[bflag:$0x2] =	sbarrier.arrive $0xFFFF  }
0xa3: {  	p0 =	sne.s32 s0, $0x0;
	s0 =	rddreg [dreg:$0x2]  }
0xa4: {  	s0 =	sadd.s32 @!p0 $0x100000, s0  }
0xa5: {  	[sflag:s0] =	ssyncadd.tile.s32 @!p0 $0x1;
	_ =	shalt  }
.Lfunc_end2:
_tile_overlayer_lowered:
.L_overlay_start_2:
0xa6: {  	(tag) =	ssettag $0x2  }
0xa7: {  	s0 =	rddreg [dreg:$0x0];
	s2 =	stileid.u32  }
0xa8: {  	s1 =	rddreg [dreg:$0x1];
	p0 =	sne.s32 s2, $0x0  }
0xa9: {  	s3 =	rddreg [dreg:$0x2];
	[bflag:$0x3] =	sbarrier.arrive $0xFFFF;
	s2 =	simm.s32 @!p0 $0x1C05  }
0xaa: {  	[timem:s3], [sflag:s2] =	dma.local @!p0 [hbm:s0], s1  }
0xab: {  	s0 =	simm.s32 @!p0 $0x5  }
0xac: {  	_ =	swait.ge @!p0 [sflag:s0], s1  }
0xad: {  	s1 =	ssub.s32 @!p0 $0x0, s1;
	[sflag:s0] =	ssyncset.done @!p0 $0x0  }
0xae: {  	[sflag:s0] =	ssyncadd.s32 @!p0 s1  }
0xaf: {  	[bflag:$0x3] =	sbarrier.arrive $0xFFFF  }
0xb0: {  	_ =	shalt  }

// kernel: kernel.7.cloned.1.call-start
scs
__scs_entry_jumppad:
0x0: {  	(pc) =	sbr.rel $0x88, $3  }
0x1: {  	(tag) =	ssettag $0x0;
	lr =	simm.s32 $0x1  }
0x2: {  	[smem:$0x3F9E] =	sst lr;
	_ =	strace $0xD0000000  }
0x3: {  	_ = 	snop  }
0x4: {  	_ = 	snop  }
0x5: {  	_ = 	snop  }
0x6: {  	_ = 	snop  }
0x7: {  	_ = 	snop  }
__scs_overlays_trampoline_lowered:
0x8: {  	[smem:$0x3FAD] =	sst s0  }
0x9: {  	[smem:$0x3FAE] =	sst s1  }
0xa: {  	[smem:$0x3FAF] =	sst s2  }
0xb: {  	[smem:$0x3FB0] =	sst s3  }
0xc: {  	[smem:$0x3FB1] =	sst s4  }
0xd: {  	[smem:$0x3FB2] =	sst s5  }
0xe: {  	[smem:$0x3FB3] =	sst s6  }
0xf: {  	[smem:$0x3FB4] =	sst s7  }
0x10: {  	[smem:$0x3FB5] =	sst s8  }
0x11: {  	[smem:$0x3FB6] =	sst s9;
	s0 =	simm.s32 @!p0 $0x0  }
0x12: {  	s1 =	sld [smem:$0x3F9C];
	s0 =	simm.s32 @p0 $0x1  }
0x13: {  	[smem:$0x3FB7] =	sst s0;
	s0 =	simm.s32 @!p1 $0x0  }
0x14: {  	s2 =	sld [smem:$0x3F9B];
	s0 =	simm.s32 @p1 $0x1  }
0x15: {  	[smem:$0x3FB8] =	sst s0;
	s0 =	simm.s32 @!p2 $0x0  }
0x16: {  	s3 =	sld [smem:$0x3FDB];
	s0 =	simm.s32 @p2 $0x1  }
0x17: {  	s4 =	simm.s32 $0x1BF5;
	[smem:$0x3FBA] =	sst s0  }
0x18: {  	s0 =	sld [smem:$0x3F9D];
	_ =	swait.ge [sflag:s4], $0x0  }
0x19: {  	s7 =	sld [smem:$0x3F9E]  }
0x1a: {  	s8 =	sadd.s32 $0xFFFFE003, lr  }
0x1b: {  	s9 =	sadd.s32 $0xFFFFFEF7, lr;
	s5 =	simm.s32 $0xFFFFFFFF;
	p2 =	slt.u32 s8, $0xFFFFF086  }
0x1c: {  	p1 =	slt.u32 s9, $0xF7A;
	s5 =	simm.s32 @!p2 $0x0  }
0x1d: {  	s5 =	simm.s32 @p1 $0x1;
	p0 =	seq.s32 s7, s2  }
0x1e: {  	s7 =	smul.u32 @!p0 $0xF7A, s2;
	p2 =	seq.s32 @!p0 s5, $0x0  }
0x1f: {  	s9 =	smul.u32 $0xF7A, s1;
	s8 =	simm.s32 @!p0 $0x1BF5;
	p2 =	por !p2, p0  }
0x20: {  	[sflag:s8] =	ssyncset.s32 @!p0 $0xFFFFF086;
	s6 =	sadd.s32 @!p0 s3, s7;
	s7 =	simm.s32 @!p0 $0x108  }
0x21: {  	s3 =	sadd.s32 s3, s9;
	s6 =	sadd.s32 @!p0 $0x88, s6;
	s7 =	simm.s32 @p2 $0x1082  }
0x22: {  	[simem:s7], [sflag:s8] =	dma.local @!p0 [hbm:s6], $0xF7A  }
0x23: {  	s9 =	sor.u32 $0xD0000000, s2;
	s6 =	simm.s32 $0x108;
	_ =	swait.ge @!p0 [sflag:s8], $0x0  }
0x24: {  	s3 =	sadd.s32 $0x88, s3;
	s6 =	simm.s32 @!p1 $0x1082;
	[sflag:s4] =	ssyncset.s32 $0xFFFFF086  }
0x25: {  	[simem:s6], [sflag:s4] =	dma.local [hbm:s3], $0xF7A  }
0x26: {  	[smem:$0x3F9E] =	sst s1;
	(tag) =	ssettag s2;
	_ =	strace s9  }
0x27: {  	s1 =	sld [smem:$0x3FAE]  }
0x28: {  	s2 =	sld [smem:$0x3FAF]  }
0x29: {  	s4 =	sld [smem:$0x3FB1]  }
0x2a: {  	p0 =	seq.s32 s5, $0x0;
	s5 =	sld [smem:$0x3FB2]  }
0x2b: {  	s6 =	sld [smem:$0x3FB3]  }
0x2c: {  	s7 =	sld [smem:$0x3FB4]  }
0x2d: {  	s3 =	simm.s32 $0x108;
	s8 =	sld [smem:$0x3FB5]  }
0x2e: {  	s3 =	simm.s32 @!p0 $0x1082;
	s9 =	sld [smem:$0x3FB6]  }
0x2f: {  	lr =	sadd.s32 s0, s3;
	s0 =	sld [smem:$0x3FAD]  }
0x30: {  	s3 =	sld [smem:$0x3FB0]  }
0x31: {  	[smem:$0x3FB9] =	sst s10  }
0x32: {  	s10 =	sld [smem:$0x3FB7];
	_ =	sdelay $0x3  }
0x33: {  	p0 =	seq.s32 s10, $0x1;
	s10 =	sld [smem:$0x3FB9];
	_ =	sdelay $0x3  }
0x34: {  	[smem:$0x3FB9] =	sst s10  }
0x35: {  	s10 =	sld [smem:$0x3FB8];
	_ =	sdelay $0x3  }
0x36: {  	p1 =	seq.s32 s10, $0x1;
	s10 =	sld [smem:$0x3FB9];
	_ =	sdelay $0x3  }
0x37: {  	[smem:$0x3FB9] =	sst s10  }
0x38: {  	s10 =	sld [smem:$0x3FBA]  }
0x39: {  	_ = 	snop;
	(pc) =	sbr.ind lr, $3  }
0x3a: {  	_ = 	snop  }
0x3b: {  	_ = 	snop  }
0x3c: {  	p2 =	seq.s32 s10, $0x1;
	s10 =	sld [smem:$0x3FB9]  }
0x3d: {  	_ =	shalt  }
0x3e: {  	_ =	shalt  }
0x3f: {  	_ =	shalt  }
0x40: {  	_ =	shalt  }
0x41: {  	_ =	shalt  }
0x42: {  	_ =	shalt  }
0x43: {  	_ =	shalt  }
0x44: {  	_ =	shalt  }
0x45: {  	_ =	shalt  }
0x46: {  	_ =	shalt  }
0x47: {  	_ =	shalt  }
0x48: {  	_ =	shalt  }
0x49: {  	_ =	shalt  }
0x4a: {  	_ =	shalt  }
0x4b: {  	_ =	shalt  }
0x4c: {  	_ =	shalt  }
0x4d: {  	_ =	shalt  }
0x4e: {  	_ =	shalt  }
0x4f: {  	_ =	shalt  }
0x50: {  	_ =	shalt  }
0x51: {  	_ =	shalt  }
0x52: {  	_ =	shalt  }
0x53: {  	_ =	shalt  }
0x54: {  	_ =	shalt  }
0x55: {  	_ =	shalt  }
0x56: {  	_ =	shalt  }
0x57: {  	_ =	shalt  }
0x58: {  	_ =	shalt  }
0x59: {  	_ =	shalt  }
0x5a: {  	_ =	shalt  }
0x5b: {  	_ =	shalt  }
0x5c: {  	_ =	shalt  }
0x5d: {  	_ =	shalt  }
0x5e: {  	_ =	shalt  }
0x5f: {  	_ =	shalt  }
0x60: {  	_ =	shalt  }
0x61: {  	_ =	shalt  }
0x62: {  	_ =	shalt  }
0x63: {  	_ =	shalt  }
0x64: {  	_ =	shalt  }
0x65: {  	_ =	shalt  }
0x66: {  	_ =	shalt  }
0x67: {  	_ =	shalt  }
0x68: {  	_ =	shalt  }
0x69: {  	_ =	shalt  }
0x6a: {  	_ =	shalt  }
0x6b: {  	_ =	shalt  }
0x6c: {  	_ =	shalt  }
0x6d: {  	_ =	shalt  }
0x6e: {  	_ =	shalt  }
0x6f: {  	_ =	shalt  }
0x70: {  	_ =	shalt  }
0x71: {  	_ =	shalt  }
0x72: {  	_ =	shalt  }
0x73: {  	_ =	shalt  }
0x74: {  	_ =	shalt  }
0x75: {  	_ =	shalt  }
0x76: {  	_ =	shalt  }
0x77: {  	_ =	shalt  }
0x78: {  	_ =	shalt  }
0x79: {  	_ =	shalt  }
0x7a: {  	_ =	shalt  }
0x7b: {  	_ =	shalt  }
0x7c: {  	_ =	shalt  }
0x7d: {  	_ =	shalt  }
0x7e: {  	_ =	shalt  }
0x7f: {  	_ =	shalt  }
0x80: {  	_ =	shalt  }
0x81: {  	_ =	shalt  }
0x82: {  	_ =	shalt  }
0x83: {  	_ =	shalt  }
0x84: {  	_ =	shalt  }
0x85: {  	_ =	shalt  }
0x86: {  	_ =	shalt  }
0x87: {  	_ =	shalt  }
.Lfunc_end0:
.L_simem_size_0:
called_computation_lowered:
.L_overlay_start_0:
0x88: {  	s2 =	sld [smem:$0x3FD9]  }
0x89: {  	s3 =	sld [smem:$0x3FFE];
	_ =	sdelay $0x1  }
0x8a: {  	s1 =	srdreg.scid  }
0x8b: {  	s0 =	sand.u32 $0x1, s1  }
0x8c: {  	s16 =	sshll.u32 s0, $0xA;
	s2 =	sadd.s32 s3, s2  }
0x8d: {  	s2 =	sadd.s32 s2, s16  }
0x8e: {  	[smem:$0x3FC5] =	sst s2  }
0x8f: {  	_ = 	snop  }
0x90: {  	(tm) =	ssettm $0x1  }
0x91: {  	s17 =	sld [smem:$0x3FFB];
	_ =	sdelay $0x3  }
0x92: {  	_ =	strace s17  }
0x93: {  	s2 =	sld [smem:$0x3FFC];
	_ =	sdelay $0x3  }
0x94: {  	_ =	strace s2  }
0x95: {  	s2 =	sld [smem:$0x3FFD];
	_ =	sdelay $0x3  }
0x96: {  	_ =	strace s2  }
0x97: {  	_ =	strace $0x8FFFFFFF  }
0x98: {  	s18 =	sld [smem:$0x3FDB];
	_ =	sdelay $0x1  }
0x99: {  	s19 =	simm.s32 $_scs_section_size  }
0x9a: {  	s4 =	simm.s32 $_size__tile_overlayer_lowered;
	s5 =	simm.s32 $_tile_overlayer_lowered  }
0x9b: {  	s22 =	simm.s32 $0x1BFF;
	s21 =	sshll.u32 s5, $0x1;
	s2 =	sadd.s32 s19, s18  }
0x9c: {  	s6 =	simm.s32 $0x0;
	s20 =	sshll.u32 s4, $0x1;
	s4 =	sadd.s32 s21, s2  }
0x9d: {  	[timem:s6], [sflag:s22] =	dma.local [hbm:s4], s20  }
0x9e: {  	_ =	swait.ge [sflag:s22], s20  }
0x9f: {  	s3 =	ssub.s32 $0x0, s20;
	[sflag:s22] =	ssyncset.done $0x0  }
0xa0: {  	[sflag:s22] =	ssyncadd.s32 s3;
	_ =	sdelay $0x1  }
0xa1: {  	s23 =	simm.s32 $0x1B8B  }
0xa2: {  	_ =	swait.ge [sflag:s23], $0x1  }
0xa3: {  	[sflag:s23] =	ssyncset.done $0x0  }
0xa4: {  	s25 =	simm.s32 $0x1B8E;
	s24 =	sld [smem:$0x3FFE];
	[sflag:s23] =	ssyncadd.s32 $0xFFFFFFFF  }
0xa5: {  	s26 =	simm.s32 $execute0_lowered;
	[smem:$0x3FD2] =	sst s25  }
0xa6: {  	s4 =	sshll.u32 s26, $0x1;
	_ =	strace $0x80000046;
	[dreg:$0x1] =	wrdreg $0xFFFFFFFF  }
0xa7: {  	s28 =	simm.s32 $_size_execute0_lowered;
	s2 =	sadd.s32 s2, s4;
	[dreg:$0x0] =	wrdreg $0x0  }
0xa8: {  	s4 =	sshll.u32 s28, $0x1;
	[dreg:$0x2] =	wrdreg s2  }
0xa9: {  	[dreg:$0x3] =	wrdreg s4  }
0xaa: {  	[dreg:$0x4] =	wrdreg $0xC0  }
0xab: {  	_ =	task [dreg:s6], $0x5FFFF  }
0xac: {  	[dreg:$0x1] =	wrdreg $0xFFFFFFFF  }
0xad: {  	[dreg:$0x0] =	wrdreg $0x60  }
0xae: {  	[dreg:$0x2] =	wrdreg s24  }
0xaf: {  	[dreg:$0x3] =	wrdreg $0x89800  }
0xb0: {  	[dreg:$0x4] =	wrdreg $0x9  }
0xb1: {  	_ =	task.clear_ibuf [dreg:s6], $0x5FFFF;
	_ =	strace $0x90000046  }
0xb2: {  	s29 =	simm.s32 $0x9;
	_ =	strace $0x80000048  }
0xb3: {  	_ =	swait.ge [sflag:s29], $0x1  }
0xb4: {  	[sflag:s29] =	ssyncadd.s32 $0xFFFFFFFF  }
0xb5: {  	_ =	strace $0x90000048  }
0xb6: {  	_ =	sfence  }
0xb7: {  	s30 =	sld [smem:$0x0];
	_ =	sdelay $0x2  }
0xb8: {  	s31 =	sshll.u32 s1, $0xD;
	s1 =	sshrl.u32 s1, $0x2  }
0xb9: {  	s3 =	sand.u32 $0x4000, s31;
	s1 =	sadd.s32 s1, s30  }
0xba: {  	s0 =	sor.u32 s3, s0;
	s1 =	sshll.u32 s1, $0x11  }
0xbb: {  	s0 =	sor.u32 s1, s0  }
0xbc: {  	s0 =	sadd.s32 $0x8F2B, s0  }
0xbd: {  	[sflag:s0] =	ssyncadd.remote.s32 $0x1  }
0xbe: {  	_ =	sfence.sel $0xFFFF  }
0xbf: {  	[dreg:$0x0] =	wrdreg $0xFFFFFFFF;
	(pc) =	sbr.abs _section_cstart, $3  }
0xc0: {  	[dreg:$0x1] =	wrdreg $0xFFFFFFFF  }
0xc1: {  	_ =	task.clear_ibuf [dreg:s6], $0x2FFFF;
	_ =	strace $0x9FFFFFFF  }
0xc2: {  	(tm) =	ssettm $0x7FFFFFFF  }
0xc3: {  	_ =	shalt  }
tec
execute0_lowered:
.L_overlay_start_1:
0x0: {  	(tag) =	ssettag $0x1  }
0x1: {  	s0 =	srdreg.scid;
	s11 =	stileid.u32  }
0x2: {  	s5 =	rddreg [dreg:$0x0];
	s1 =	smul.u32 $0x278, s11  }
0x3: {  	s2 =	rddreg [dreg:$0x1];
	s6 =	smul.u32 $0x78, s11  }
0x4: {  	s3 =	simm.s32 $0x0;
	s0 =	sand.u32 $0x1, s0;
	s8 =	smul.u32 $0x82, s11  }
0x5: {  	[smem:$0x7FF] =	sst s3;
	s7 =	sadd.s32 $0xAE00, s5;
	s11 =	smul.u32 $0x58E00, s11  }
0x6: {  	s10 =	sadd.s32 $0x1000, s5;
	s4 =	smul.u32 $0x2780, s0;
	_ =	strace $0x80000047  }
0x7: {  	s9 =	ssub.s32 $0x2, s0;
	p0 =	seq.s32 s0, $0x0;
	s0 =	sadd.s32 $0x820, s6  }
0x8: {  	s13 =	sshrl.u32 s9, $0x1;
	s14 =	sshrl.u32 s11, $0x2;
	s1 =	sadd.s32 s1, s4  }
0x9: {  	s4 =	sadd.s32 $0x14C00, s5;
	s0 =	smov.u32 @p0 s8;
	s6 =	sadd.s32 s14, s2  }
0xa: {  	s15 =	ssub.s32 s9, s13;
	s1 =	smul.u32 $0x12, s1;
	s17 =	sadd.s32 $0x13B00, s6  }
0xb: {  	s8 =	smul.u32 $0x50, s0;
	s25 =	smax.u32 s15, $0x1;
	[dreg:$0x3] =	wrdreg s17  }
0xc: {  	s0 =	smul.u32 $0xA, s0;
	s26 =	sadd.s32 $0x2D00, s6;
	[dreg:$0x9] =	wrdreg s25  }
0xd: {  	s28 =	sadd.s32 $0x5A00, s6;
	s29 =	sadd.s32 $0x8700, s6;
	[dreg:$0xa] =	wrdreg s26  }
0xe: {  	s19 =	sadd.s32 $0xB400, s6;
	s20 =	sadd.s32 $0xE100, s6;
	[dreg:$0xb] =	wrdreg s28  }
0xf: {  	[dreg:$0xc] =	wrdreg s29;
	s26 =	simm.s32 $0x50;
	s1 =	sadd.s32 s1, s5  }
0x10: {  	s5 =	simm.s32 $0x82;
	s16 =	sshrl.u32 s8, $0x3;
	s18 =	sadd.s32 s7, s0  }
0x11: {  	s13 =	sadd.s32 s10, s0;
	s5 =	simm.s32 @!p0 $0x78;
	s12 =	sadd.s32 $0xA, s16  }
0x12: {  	s22 =	sadd.s32 $0x14, s16;
	s24 =	sadd.s32 $0x40C00, s1;
	s9 =	smov.u32 s18  }
0x13: {  	s30 =	sadd.s32 $0x1E, s18;
	s21 =	sadd.s32 s7, s12;
	[dreg:$0x8] =	wrdreg s24  }
0x14: {  	s18 =	smov.u32 s13;
	s23 =	sadd.s32 s10, s12;
	[dreg:$0x4] =	wrdreg s21  }
0x15: {  	s31 =	sadd.s32 $0x1E, s13;
	s7 =	sadd.s32 s7, s22;
	[dreg:$0x5] =	wrdreg s23  }
0x16: {  	s1 =	simm.s32 $0x4;
	s0 =	sadd.s32 s10, s22;
	[dreg:$0x6] =	wrdreg s7  }
0x17: {  	v0 =	vimm.f32 $0.0e+00;
	s24 =	simm.s32 $0x5;
	[dreg:$0x7] =	wrdreg s0;
	s21 =	sadd.s32 $0x10E00, s6  }
.LBB2_1:
0x18: {  	s0 =	simm.s32 $0x0;
	s7 =	simm.s32 $0x240  }
.LBB2_2:
0x19: {  	p0 =	sne.s32 s7, $0xB1C0;
	[tilespmem:s0+$0x300] =	vst v0  }
0x1a: {  	[tilespmem:s0+$0x280] =	vst v0  }
0x1b: {  	[tilespmem:s0+$0x290] =	vst v0  }
0x1c: {  	[tilespmem:s0+$0x2A0] =	vst v0  }
.Ltmp0:
0x1d: {  	[tilespmem:s0+$0x2B0] =	vst v0;
	(pc) =	sbr.rel @p0 .LBB2_2-.Ltmp0, $4  }
0x1e: {  	[tilespmem:s0+$0x2C0] =	vst v0  }
0x1f: {  	[tilespmem:s0+$0x2D0] =	vst v0  }
0x20: {  	[tilespmem:s0+$0x2E0] =	vst v0  }
0x21: {  	[tilespmem:s0+$0x2F0] =	vst v0;
	s0 =	sshra.s32 s7, $0x2;
	s7 =	sadd.s32 $0x240, s7  }
0x22: {  	[tilespmem:s0+$0x300] =	vst v0  }
0x23: {  	[tilespmem:s0+$0x280] =	vst v0  }
0x24: {  	[tilespmem:s0+$0x290] =	vst v0  }
0x25: {  	[tilespmem:s0+$0x2A0] =	vst v0  }
0x26: {  	[tilespmem:s0+$0x2B0] =	vst v0  }
0x27: {  	[tilespmem:s0+$0x2C0] =	vst v0  }
0x28: {  	[tilespmem:s0+$0x2D0] =	vst v0  }
0x29: {  	[tilespmem:s0+$0x2E0] =	vst v0  }
0x2a: {  	[tilespmem:s0+$0x2F0] =	vst v0;
	s0 =	simm.s32 $0x280  }
0x2b: {  	[spmem:s6] =	stream.linear.scatter [tilespmem:s0], [sflag:$0x5], $0x2D00, $0x38;
	[tilespmem:$0x1ED00] =	vst v63  }
0x2c: {  	_ =	swait.ge [sflag:s24], $0x2D00  }
0x2d: {  	[sflag:s24] =	ssyncset.done $0x0  }
0x2e: {  	s7 =	rddreg [dreg:$0xa];
	[sflag:s24] =	ssyncadd.s32 $0xFFFFD300  }
0x2f: {  	[spmem:s7] =	stream.linear.scatter [tilespmem:s0], [sflag:$0x5], $0x2D00, $0x38;
	[tilespmem:$0x1ED00] =	vst v63  }
0x30: {  	_ =	swait.ge [sflag:s24], $0x2D00  }
0x31: {  	[sflag:s24] =	ssyncset.done $0x0  }
0x32: {  	s14 =	rddreg [dreg:$0xb];
	[sflag:s24] =	ssyncadd.s32 $0xFFFFD300  }
0x33: {  	[spmem:s14] =	stream.linear.scatter [tilespmem:s0], [sflag:$0x5], $0x2D00, $0x38;
	[tilespmem:$0x1ED00] =	vst v63  }
0x34: {  	_ =	swait.ge [sflag:s24], $0x2D00  }
0x35: {  	[sflag:s24] =	ssyncset.done $0x0  }
0x36: {  	s15 =	rddreg [dreg:$0xc];
	[sflag:s24] =	ssyncadd.s32 $0xFFFFD300  }
0x37: {  	[spmem:s15] =	stream.linear.scatter [tilespmem:s0], [sflag:$0x5], $0x2D00, $0x38;
	[tilespmem:$0x1ED00] =	vst v63  }
0x38: {  	_ =	swait.ge [sflag:s24], $0x2D00  }
0x39: {  	[sflag:s24] =	ssyncset.done $0x0  }
0x3a: {  	[sflag:s24] =	ssyncadd.s32 $0xFFFFD300  }
0x3b: {  	[spmem:s19] =	stream.linear.scatter [tilespmem:s0], [sflag:$0x5], $0x2D00, $0x38;
	[tilespmem:$0x1ED00] =	vst v63  }
0x3c: {  	_ =	swait.ge [sflag:s24], $0x2D00  }
0x3d: {  	[sflag:s24] =	ssyncset.done $0x0  }
0x3e: {  	[sflag:s24] =	ssyncadd.s32 $0xFFFFD300  }
0x3f: {  	[spmem:s20] =	stream.linear.scatter [tilespmem:s0], [sflag:$0x5], $0x2D00, $0x38;
	[tilespmem:$0x1ED00] =	vst v63  }
0x40: {  	_ =	swait.ge [sflag:s24], $0x2D00  }
0x41: {  	[sflag:s24] =	ssyncset.done $0x0  }
0x42: {  	[sflag:s24] =	ssyncadd.s32 $0xFFFFD300  }
0x43: {  	[spmem:s21] =	stream.linear.scatter [tilespmem:s0], [sflag:$0x5], $0x2D00, $0x38;
	[tilespmem:$0x1ED00] =	vst v63  }
0x44: {  	_ =	swait.ge [sflag:s24], $0x2D00  }
0x45: {  	[sflag:s24] =	ssyncset.done $0x0  }
0x46: {  	s16 =	rddreg [dreg:$0x3];
	[sflag:s24] =	ssyncadd.s32 $0xFFFFD300  }
0x47: {  	[spmem:s16] =	stream.linear.scatter [tilespmem:s0], [sflag:$0x5], $0x2880, $0x38;
	[tilespmem:$0x1ED00] =	vst v63  }
0x48: {  	_ =	swait.ge [sflag:s24], $0x2880  }
0x49: {  	[sflag:s24] =	ssyncset.done $0x0  }
0x4a: {  	s7 =	simm.s32 $0x0;
	[sflag:s24] =	ssyncadd.s32 $0xFFFFD780  }
0x4b: {  	[tilespmem:s7], [sflag:$0x5] =	stream.linear.gather [hbm4b:s9+s7], $0x50, $0x38;
	[tilespmem:$0x1ED00] =	vst v63  }
0x4c: {  	_ =	swait.ge [sflag:s24], $0x50  }
0x4d: {  	[sflag:s24] =	ssyncset.done $0x0  }
0x4e: {  	s8 =	simm.s32 $0x140;
	[sflag:s24] =	ssyncadd.s32 $0xFFFFFFB0  }
0x4f: {  	[tilespmem:s8], [sflag:$0x5] =	stream.linear.gather [hbm4b:s18+s7], $0x50, $0x38;
	[tilespmem:$0x1ED00] =	vst v63  }
0x50: {  	_ =	swait.ge [sflag:s24], $0x50  }
0x51: {  	[sflag:s24] =	ssyncset.done $0x0  }
0x52: {  	s17 =	rddreg [dreg:$0x4];
	[sflag:s24] =	ssyncadd.s32 $0xFFFFFFB0  }
0x53: {  	[tilespmem:s26], [sflag:$0x5] =	stream.linear.gather [hbm4b:s17+s7], $0x50, $0x38;
	[tilespmem:$0x1ED00] =	vst v63  }
0x54: {  	_ =	swait.ge [sflag:s24], $0x50  }
0x55: {  	[sflag:s24] =	ssyncset.done $0x0  }
0x56: {  	s10 =	simm.s32 $0x190;
	s22 =	rddreg [dreg:$0x5];
	[sflag:s24] =	ssyncadd.s32 $0xFFFFFFB0  }
0x57: {  	[tilespmem:s10], [sflag:$0x5] =	stream.linear.gather [hbm4b:s22+s7], $0x50, $0x38;
	[tilespmem:$0x1ED00] =	vst v63  }
0x58: {  	_ =	swait.ge [sflag:s24], $0x50  }
0x59: {  	[sflag:s24] =	ssyncset.done $0x0  }
0x5a: {  	s25 =	simm.s32 $0xA0;
	s23 =	rddreg [dreg:$0x6];
	[sflag:s24] =	ssyncadd.s32 $0xFFFFFFB0  }
0x5b: {  	[tilespmem:s25], [sflag:$0x1] =	stream.linear.gather [hbm4b:s23+s7], $0x50, $0x38;
	[tilespmem:$0x1ED00] =	vst v63  }
0x5c: {  	s12 =	simm.s32 $0x1E0;
	s11 =	rddreg [dreg:$0x7]  }
0x5d: {  	[tilespmem:s12], [sflag:$0x1] =	stream.linear.gather [hbm4b:s11+s7], $0x50, $0x38;
	[tilespmem:$0x1ED00] =	vst v63  }
0x5e: {  	p0 =	por $0x1, $0x1  }
0x5f: {  	[tilespmem:s0], [sflag:$0x2] =	stream.indirect.gather [hbm4b:s4+s26], $0x90, s7, s26, $0xb8;
	[tilespmem:$0x1ED00] =	vst v63  }
0x60: {  	s13 =	simm.s32 $0x2F80;
	s10 =	sand.u32 @!p0 $0x1, s7  }
0x61: {  	[tilespmem:s13], [sflag:$0x3] =	stream.indirect.gather [hbm4b:s4+s26], $0x90, s26, s26, $0xb8;
	[tilespmem:$0x1ED00] =	vst v63  }
0x62: {  	p1 =	seq.s32 @!p0 s10, $0x1;
	s11 =	simm.s32 @!p0 $0x4;
	[bflag:$0x0] =	sbarrier.arrive $0xFFFF  }
0x63: {  	s10 =	simm.s32 @!p0 $0x3;
	p1 =	por !p1, p0;
	_ =	swait.ge @!p0 [sflag:s11], $0x2D00  }
0x64: {  	s28 =	smulhi.u32 $0xAAAAAAAB, s7;
	s10 =	simm.s32 @p1 $0x2;
	[sflag:s11] =	ssyncset.done @!p0 $0x0  }
0x65: {  	s10 =	simm.s32 @p0 $0x2;
	[sflag:s11] =	ssyncadd.s32 @!p0 $0xFFFFD300  }
0x66: {  	s14 =	simm.s32 $0x2;
	s16 =	sshrl.u32 s28, $0x1;
	_ =	swait.ge [sflag:s10], $0x2D00  }
0x67: {  	s22 =	simm.s32 $0x2;
	p0 =	sle.u32 s5, $0x2;
	[sflag:s10] =	ssyncset.done $0x0  }
0x68: {  	s11 =	smulhi.u32 $0xAAAAAAAB, s14;
	s23 =	simm.s32 @!p0 $0x1;
	[sflag:s10] =	ssyncadd.s32 $0xFFFFD300  }
0x69: {  	s17 =	smul.u32 $0xFFFDE400, s16;
	s22 =	sand.u32 @!p0 $0x3, s22;
	_ =	swait.ge @!p0 [sflag:s23], $0x50  }
0x6a: {  	s11 =	sshrl.u32 s11, $0x1;
	s22 =	smul.u32 @!p0 $0x140, s22;
	[sflag:s23] =	ssyncset.done @!p0 $0x0  }
0x6b: {  	p1 =	sle.u32 s5, $0x3;
	s11 =	smul.u32 $0xFFFDE400, s11;
	[sflag:s23] =	ssyncadd.s32 @!p0 $0xFFFFFFB0  }
0x6c: {  	s25 =	simm.s32 $0x3;
	s29 =	simm.s32 @!p0 $0x50;
	_ =	swait.ge @!p0 [sflag:s23], $0x50  }
0x6d: {  	s22 =	sshrl.u32 @!p0 s22, $0x2;
	s11 =	sshra.s32 s11, $0x2;
	[sflag:s23] =	ssyncset.done @!p0 $0x0  }
0x6e: {  	s11 =	sadd.s32 $0x5C80, s11;
	[sflag:s23] =	ssyncadd.s32 @!p0 $0xFFFFFFB0;
	s23 =	sand.u32 @!p1 $0x3, s25  }
0x6f: {  	[tilespmem:s11], [sflag:s10] =	stream.indirect.gather @!p0 [hbm4b:s4+s29], $0x90, s22, s29, $0xb8;
	[tilespmem:$0x1ED00] =	vst v63  }
0x70: {  	s7 =	sand.u32 $0x3, s7;
	s10 =	smul.u32 @!p1 $0x50, s23  }
0x71: {  	s15 =	smul.u32 $0x140, s7;
	s22 =	simm.s32 @!p1 $0x0;
	p0 =	sne.s32 s5, $0x1  }
0x72: {  	[tilespmem:s10], [sflag:$0x1] =	stream.linear.gather @!p1 [hbm4b:s30+s22], $0x50, $0x38;
	[tilespmem:$0x1ED00] =	vst v63  }
.Ltmp1:
0x73: {  	s28 =	simm.s32 $0x2F80;
	(pc) =	sbr.rel @!p0 .LBB2_5-.Ltmp1, $4  }
0x74: {  	s25 =	simm.s32 $0x3;
	s29 =	simm.s32 $0x8980;
	s7 =	sadd.s32 @!p1 $0x140, s10  }
0x75: {  	[tilespmem:s7], [sflag:$0x1] =	stream.linear.gather @!p1 [hbm4b:s31+s22], $0x50, $0x38;
	[tilespmem:$0x1ED00] =	vst v63  }
0x76: {  	s11 =	sshra.s32 s17, $0x2;
	s23 =	smov.u32 s31;
	s22 =	sshrl.u32 s15, $0x2  }
0x77: {  	s7 =	simm.s32 $0x1;
	s10 =	sadd.s32 $0x140, s22;
	s22 =	smov.u32 s30  }
.LBB2_4:
0x78: {  	s0 =	sadd.s32 s11, s0;
	s22 =	sadd.s32 $0xA, s22;
	s23 =	sadd.s32 $0xA, s23  }
0x79: {  	[spmem:s2] =	stream.indirect.scatter.add.f32 [tilespmem:s0], [sflag:$0x4], $0x90, s10, s26, $0xb8;
	[tilespmem:$0x1ED00] =	vst v63  }
0x7a: {  	s10 =	smov.u32 s25;
	s0 =	smov.u32 s28  }
0x7b: {  	p0 =	seq.s32 s7, $0x0;
	s12 =	smulhi.u32 $0xAAAAAAAB, s7;
	s14 =	sand.u32 $0x3, s7  }
0x7c: {  	s11 =	sand.u32 @!p0 $0x1, s7;
	s25 =	sadd.s32 $0x1, s25;
	s28 =	sadd.s32 $0x2D00, s28  }
0x7d: {  	s15 =	sadd.s32 $0x3, s7;
	s13 =	simm.s32 @!p0 $0x4;
	p1 =	seq.s32 @!p0 s11, $0x1  }
0x7e: {  	s11 =	simm.s32 @!p0 $0x3;
	p1 =	por !p1, p0;
	_ =	swait.ge @!p0 [sflag:s13], $0x2D00  }
0x7f: {  	s10 =	smulhi.u32 $0xAAAAAAAB, s10;
	s11 =	simm.s32 @p1 $0x2;
	[sflag:s13] =	ssyncset.done @!p0 $0x0  }
0x80: {  	s11 =	simm.s32 @p0 $0x2;
	[sflag:s13] =	ssyncadd.s32 @!p0 $0xFFFFD300;
	s13 =	smul.u32 $0x140, s14  }
0x81: {  	s10 =	sshrl.u32 s10, $0x1;
	s14 =	sadd.s32 $0x2, s7;
	_ =	swait.ge [sflag:s11], $0x2D00  }
0x82: {  	p0 =	sge.u32 s14, s5;
	s8 =	sadd.s32 $0x1, s14;
	[sflag:s11] =	ssyncset.done $0x0  }
0x83: {  	s10 =	smul.u32 $0xFFFDE400, s10;
	s16 =	simm.s32 @!p0 $0x1;
	[sflag:s11] =	ssyncadd.s32 $0xFFFFD300  }
0x84: {  	s14 =	sand.u32 @!p0 $0x3, s14;
	s7 =	sadd.s32 $0xFFFFFFFE, s8;
	_ =	swait.ge @!p0 [sflag:s16], $0x50  }
0x85: {  	s10 =	sshra.s32 s10, $0x2;
	s14 =	smul.u32 @!p0 $0x140, s14;
	[sflag:s16] =	ssyncset.done @!p0 $0x0  }
0x86: {  	s17 =	simm.s32 @!p0 $0x50;
	p1 =	sne.s32 s7, s5;
	[sflag:s16] =	ssyncadd.s32 @!p0 $0xFFFFFFB0  }
0x87: {  	p2 =	sge.u32 s8, s5;
	s14 =	sshrl.u32 @!p0 s14, $0x2;
	_ =	swait.ge @!p0 [sflag:s16], $0x50  }
0x88: {  	s8 =	sadd.s32 s10, s29;
	s10 =	sand.u32 @!p2 $0x3, s15;
	[sflag:s16] =	ssyncset.done @!p0 $0x0  }
0x89: {  	s10 =	smul.u32 @!p2 $0x50, s10;
	[sflag:s16] =	ssyncadd.s32 @!p0 $0xFFFFFFB0  }
0x8a: {  	[tilespmem:s8], [sflag:s11] =	stream.indirect.gather @!p0 [hbm4b:s4+s17], $0x90, s14, s17, $0xb8;
	[tilespmem:$0x1ED00] =	vst v63  }
.Ltmp2:
0x8b: {  	s8 =	sshrl.u32 s12, $0x1;
	s12 =	simm.s32 @!p2 $0x0;
	(pc) =	sbr.rel @p1 .LBB2_4-.Ltmp2, $4  }
0x8c: {  	s13 =	sshrl.u32 s13, $0x2;
	s29 =	sadd.s32 $0x2D00, s29;
	s8 =	smul.u32 $0xFFFDE400, s8  }
0x8d: {  	[tilespmem:s10], [sflag:$0x1] =	stream.linear.gather @!p2 [hbm4b:s22+s12], $0x50, $0x38;
	[tilespmem:$0x1ED00] =	vst v63  }
0x8e: {  	s11 =	sshra.s32 s8, $0x2;
	s8 =	sadd.s32 @!p2 $0x140, s10;
	s10 =	sadd.s32 $0x140, s13  }
0x8f: {  	[tilespmem:s8], [sflag:$0x1] =	stream.linear.gather @!p2 [hbm4b:s23+s12], $0x50, $0x38;
	[tilespmem:$0x1ED00] =	vst v63  }
.LBB2_5:
0x90: {  	s0 =	sadd.s32 s11, s0  }
0x91: {  	[spmem:s2] =	stream.indirect.scatter.add.f32 [tilespmem:s0], [sflag:$0x4], $0x90, s10, s26, $0xb8;
	[tilespmem:$0x1ED00] =	vst v63  }
0x92: {  	_ =	swait.ge [sflag:s1], $0x2D00  }
0x93: {  	[sflag:s1] =	ssyncset.done $0x0  }
0x94: {  	s28 =	stileid.u32;
	[sflag:s1] =	ssyncadd.s32 $0xFFFFD300  }
0x95: {  	s0 =	sshll.u32 s28, $0x6;
	[bflag:$0x0] =	sbarrier.arrive $0xFFFF  }
0x96: {  	s7 =	sshrl.u32 s6, $0x3;
	s0 =	sor.u32 $0x1C05, s0;
	s8 =	rddreg [dreg:$0x8]  }
0x97: {  	[hbm:s8], [sflag:s0] =	dma.local [spmem:s7], $0x2C70  }
0x98: {  	_ =	swait.ge [sflag:s24], $0x2C70  }
0x99: {  	s3 =	sadd.s32 $0x1, s3;
	s29 =	rddreg [dreg:$0x9]  }
0x9a: {  	p0 =	sne.s32 s3, s29  }
.Ltmp3:
0x9b: {  	_ = 	snop;
	(pc) =	sbr.rel @p0 .LBB2_1-.Ltmp3, $3  }
0x9c: {  	_ =	sdelay $0x1  }
0x9d: {  	[sflag:s24] =	ssyncset.done $0x0  }
0x9e: {  	[sflag:s24] =	ssyncadd.s32 $0xFFFFD390  }
0x9f: {  	_ =	sfence.sel $0x180000  }
0xa0: {  	[bflag:$0x0] =	sbarrier.arrive $0xFFFF  }
0xa1: {  	_ =	strace $0x90000047  }
0xa2: {  	s0 =	stileid.u32;
	[bflag:$0x2] =	sbarrier.arrive $0xFFFF  }
0xa3: {  	p0 =	sne.s32 s0, $0x0;
	s0 =	rddreg [dreg:$0x2]  }
0xa4: {  	s0 =	sadd.s32 @!p0 $0x100000, s0  }
0xa5: {  	[sflag:s0] =	ssyncadd.tile.s32 @!p0 $0x1;
	_ =	shalt  }
.Lfunc_end2:
_tile_overlayer_lowered:
.L_overlay_start_2:
0xa6: {  	(tag) =	ssettag $0x2  }
0xa7: {  	s0 =	rddreg [dreg:$0x0];
	s2 =	stileid.u32  }
0xa8: {  	s1 =	rddreg [dreg:$0x1];
	p0 =	sne.s32 s2, $0x0  }
0xa9: {  	s3 =	rddreg [dreg:$0x2];
	[bflag:$0x3] =	sbarrier.arrive $0xFFFF;
	s2 =	simm.s32 @!p0 $0x1C05  }
0xaa: {  	[timem:s3], [sflag:s2] =	dma.local @!p0 [hbm:s0], s1  }
0xab: {  	s0 =	simm.s32 @!p0 $0x5  }
0xac: {  	_ =	swait.ge @!p0 [sflag:s0], s1  }
0xad: {  	s1 =	ssub.s32 @!p0 $0x0, s1;
	[sflag:s0] =	ssyncset.done @!p0 $0x0  }
0xae: {  	[sflag:s0] =	ssyncadd.s32 @!p0 s1  }
0xaf: {  	[bflag:$0x3] =	sbarrier.arrive $0xFFFF  }
0xb0: {  	_ =	shalt  }

</sc_bundles>
